<compile_context>
chip_gen: v7x
topology: tpu7x:2x2x1
jax: 0.10.2.dev20260603
libtpu: 0.0.44.dev20260713+nightly
codegen_flags: <defaults>
</compile_context>

<pallas_src>
import functools

import jax
import jax.numpy as jnp
from jax import lax
from jax.experimental import pallas as pl
from jax.experimental.pallas import tpu as pltpu
from jax.experimental.pallas import tpu_sc as plsc

N_NODES = 10000
D = 128
N_LEAF = 8000
N_SPECIAL = 3
B, L = 4096, 200

NP = 10240
NE_PAD = 163840
E_PER_W = NE_PAD // 32
EC = 128
E_ROWS = E_PER_W // EC
BL = B * L
IDS_PER_W = BL // 32
CH = 128
NCH = IDS_PER_W // CH
TBL_ROWS = 9 * 1280


@functools.lru_cache(maxsize=None)
def _sc_mesh():
    return plsc.VectorSubcoreMesh(core_axis_name="c", subcore_axis_name="s")


def _wid(c, s):
    return c * 16 + s


@functools.lru_cache(maxsize=None)
def _deg_kernel():
    return pl.kernel(
        _deg_body, mesh=_sc_mesh(),
        compiler_params=pltpu.CompilerParams(needs_layout_passes=False),
        out_type=jax.ShapeDtypeStruct((2, NP), jnp.float32),
        scratch_types=[
            pltpu.VMEM_SHARED((NP,), jnp.float32),
            pltpu.VMEM((640,), jnp.float32),
            pltpu.VMEM((EC,), jnp.float32),
            pltpu.VMEM((E_ROWS, EC), jnp.int32),
        ],
    )


def _deg_body(dst2d_hbm, deg2_hbm, degacc, zbuf, ones, didx2):
    c = lax.axis_index("c")
    s = lax.axis_index("s")
    zero16 = jnp.zeros((16,), jnp.float32)
    for g in range(40):
        zbuf[pl.ds(g * 16, 16)] = zero16
    for g in range(EC // 16):
        ones[pl.ds(g * 16, 16)] = zero16 + 1.0
    pltpu.sync_copy(zbuf, degacc.at[pl.ds(s * 640, 640)])
    pltpu.sync_copy(dst2d_hbm.at[pl.ds(_wid(c, s) * E_ROWS, E_ROWS)], didx2)
    plsc.subcore_barrier()

    def body(j, carry):
        pltpu.sync_copy(ones, degacc.at[didx2.at[j]], add=True)
        return carry

    lax.fori_loop(0, E_ROWS, body, 0)
    plsc.subcore_barrier()
    pltpu.sync_copy(degacc.at[pl.ds(s * 640, 640)], deg2_hbm.at[c, pl.ds(s * 640, 640)])


def _tc1_body(x_ref, w_ref, degt_ref, out_ref):
    h = jnp.dot(x_ref[...], w_ref[...], preferred_element_type=jnp.float32)
    deg = degt_ref[:, 0:1] + degt_ref[:, 1:2] + 1.0
    dinv = lax.rsqrt(deg)
    out_ref[...] = h * dinv


def _tc1(x_pad, w, degt):
    return pl.pallas_call(
        _tc1_body,
        grid=(8,),
        in_specs=[
            pl.BlockSpec((1280, D), lambda i: (i, 0)),
            pl.BlockSpec((D, D), lambda i: (0, 0)),
            pl.BlockSpec((1280, 2), lambda i: (i, 0)),
        ],
        out_specs=pl.BlockSpec((1280, D), lambda i: (i, 0)),
        out_shape=jax.ShapeDtypeStruct((NP, D), jnp.float32),
    )(x_pad, w, degt)


@functools.lru_cache(maxsize=None)
def _msg_kernel():
    return pl.kernel(
        _msg_body, mesh=_sc_mesh(),
        compiler_params=pltpu.CompilerParams(needs_layout_passes=False),
        out_type=jax.ShapeDtypeStruct((2, NP, D), jnp.float32),
        scratch_types=[
            pltpu.VMEM_SHARED((NP, D), jnp.float32),
            pltpu.VMEM((64, EC), jnp.int32),
            pltpu.VMEM((64, EC), jnp.int32),
            [pltpu.VMEM((EC, D), jnp.float32)] * 2,
            [pltpu.SemaphoreType.DMA] * 2,
            [pltpu.SemaphoreType.DMA] * 2,
        ],
    )


R_C0 = 64
R_C1 = 80 - R_C0


def _msg_body(scaled_hbm, src2d_hbm, dst2d_hbm, acc2_hbm,
              acc, sidx2, didx2, rbs, gsems, ssems):
    c = lax.axis_index("c")
    s = lax.axis_index("s")
    zero16 = jnp.zeros((16,), jnp.float32)

    def zrow(r, carry):
        for g in range(D // 16):
            rbs[0][r, pl.ds(g * 16, 16)] = zero16
        return carry

    lax.fori_loop(0, EC, zrow, 0)
    for i in range(5):
        pltpu.sync_copy(rbs[0], acc.at[pl.ds(s * 640 + i * EC, EC)])
    nrows = jnp.where(c == 0, R_C0, R_C1)
    row0 = jnp.where(c == 0, s * R_C0, 16 * R_C0 + s * R_C1)
    pltpu.sync_copy(src2d_hbm.at[pl.ds(row0, 64)], sidx2.at[pl.ds(0, 64)])
    pltpu.sync_copy(dst2d_hbm.at[pl.ds(row0, 64)], didx2.at[pl.ds(0, 64)])
    plsc.subcore_barrier()

    def body(k, carry):
        base_row = 2 * k
        hg = [pltpu.async_copy(scaled_hbm.at[sidx2.at[base_row + t]], rbs[t],
                               gsems[t]) for t in range(2)]
        hs = []
        for t in range(2):
            hg[t].wait()
            hs.append(pltpu.async_copy(rbs[t], acc.at[didx2.at[base_row + t]],
                                       ssems[t], add=True))
        for h in hs:
            h.wait()
        return carry

    lax.fori_loop(0, nrows // 2, body, 0)
    plsc.subcore_barrier()
    for i in range(5):
        rb = rbs[i % 2]
        pltpu.sync_copy(acc.at[pl.ds(s * 640 + i * EC, EC)], rb)
        pltpu.sync_copy(rb, acc2_hbm.at[c, pl.ds(s * 640 + i * EC, EC)])


def _tc2_body(acc2_ref, scaled_ref, degt_ref, sp_ref, b_ref, out_ref):
    pid = pl.program_id(0)

    @pl.when(pid == 8)
    def _():
        out_ref[...] = sp_ref[...]

    @pl.when(pid < 8)
    def _():
        a = acc2_ref[0] + acc2_ref[1] + scaled_ref[...]
        deg = degt_ref[:, 0:1] + degt_ref[:, 1:2] + 1.0
        dinv = lax.rsqrt(deg)
        out_ref[...] = a * dinv + b_ref[...]


def _tc2(acc2, scaled, degt, sp_pad, b2):
    return pl.pallas_call(
        _tc2_body,
        grid=(9,),
        in_specs=[
            pl.BlockSpec((2, 1280, D), lambda i: (0, jnp.minimum(i, 7), 0)),
            pl.BlockSpec((1280, D), lambda i: (jnp.minimum(i, 7), 0)),
            pl.BlockSpec((1280, 2), lambda i: (jnp.minimum(i, 7), 0)),
            pl.BlockSpec((1280, D), lambda i: (0, 0)),
            pl.BlockSpec((1, D), lambda i: (0, 0)),
        ],
        out_specs=pl.BlockSpec((1280, D), lambda i: (i, 0)),
        out_shape=jax.ShapeDtypeStruct((TBL_ROWS, D), jnp.float32),
    )(acc2, scaled, degt, sp_pad, b2)


@functools.lru_cache(maxsize=None)
def _lookup_kernel():
    return pl.kernel(
        _lookup_body, mesh=_sc_mesh(),
        compiler_params=pltpu.CompilerParams(needs_layout_passes=False),
        out_type=jax.ShapeDtypeStruct((BL, D), jnp.float32),
        scratch_types=[
            pltpu.VMEM((N_LEAF,), jnp.int32),
            pltpu.VMEM((NCH + 4, EC), jnp.int32),
            pltpu.VMEM((4 * CH, D), jnp.float32),
            [pltpu.SemaphoreType.DMA] * 4,
            pltpu.SemaphoreType.DMA,
        ],
    )


def _lookup_body(ctable_hbm, ids2d_hbm, leaf_hbm, out_hbm,
                 leafbuf, idsbuf, buf, gsems, osem):
    c = lax.axis_index("c")
    s = lax.axis_index("s")
    w = _wid(c, s)
    base = w * IDS_PER_W
    pltpu.sync_copy(leaf_hbm, leafbuf)
    pltpu.sync_copy(ids2d_hbm.at[pl.ds(w * NCH, NCH)], idsbuf.at[pl.ds(0, NCH)])

    def remap_chunk(ch):
        rd = jnp.minimum(ch, NCH - 1)

        def grp(g, carry):
            ids16 = idsbuf[rd, pl.ds(g * 16, 16)]
            li = jnp.maximum(ids16 - N_SPECIAL, 0)
            lv = plsc.load_gather(leafbuf, [li])
            row = jnp.where(ids16 < N_SPECIAL, ids16 + NP, lv)
            idsbuf[ch, pl.ds(g * 16, 16)] = row
            return carry

        lax.fori_loop(0, 8, grp, 0)

    for t in range(4):
        remap_chunk(t)

    def body(k, carry):
        cb = 4 * k
        hg = [pltpu.async_copy(ctable_hbm.at[idsbuf.at[cb + t]],
                               buf.at[pl.ds(t * CH, CH)], gsems[t])
              for t in range(4)]
        for t in range(4):
            remap_chunk(cb + 4 + t)
        for t in range(4):
            hg[t].wait()
        pltpu.async_copy(buf, out_hbm.at[pl.ds(base + cb * CH, 4 * CH)],
                         osem).wait()
        return carry

    lax.fori_loop(0, NCH // 4, body, 0)


def kernel(input_ids, special_embedding, node_emb, edge_index, leaf_idx, W, b):
    src = edge_index[0].astype(jnp.int32)
    dst = edge_index[1].astype(jnp.int32)
    full = (16 * R_C0 + 16 * R_C1 + 64) * EC
    pad = full - src.shape[0]
    src2d = jnp.pad(src, (0, pad)).reshape(full // EC, EC)
    pad_dst = N_NODES + jnp.arange(pad, dtype=jnp.int32) % (NP - N_NODES)
    dst2d = jnp.concatenate([dst, pad_dst]).reshape(full // EC, EC)
    x_pad = jnp.pad(node_emb, ((0, NP - N_NODES), (0, 0)))
    ids_flat = input_ids.reshape(-1).astype(jnp.int32)
    leaf32 = leaf_idx.astype(jnp.int32)

    deg2 = _deg_kernel()(dst2d)
    degt = jnp.transpose(deg2)
    scaled = _tc1(x_pad, W, degt)
    acc2 = _msg_kernel()(scaled, src2d, dst2d)
    sp_pad = jnp.pad(special_embedding, ((0, 1280 - N_SPECIAL), (0, 0)))
    ctable = _tc2(acc2, scaled, degt, sp_pad, b.reshape(1, D))
    ids2d = ids_flat.reshape(BL // EC, EC)
    out = _lookup_kernel()(ctable, ids2d, leaf32)
    return out.reshape(B, L, D)

# --- scband reference (transcript-rebuilt; emitter-appended) ---
"""Pipeline reference for scband-vocabulary-embedding-36206574305709 (READ-ONLY COPY).

The authoritative reference and input builder live on the scoring server;
editing this copy changes nothing except your own understanding.
"""

import jax, jax.numpy as jnp
import numpy as np

N_NODES = 10000      # ontology tree nodes (ICD9-like)
N_EDGES = 160000     # ontology edges
D = 128              # hidden_dims[-1] == disease_hidden_dim
N_LEAF = 8000        # disease vocabulary size (leaf nodes of ontology)
N_SPECIAL = 3        # special tokens
B, L = 4096, 200     # lookup batch of code sequences


def setup_inputs(seed: int = 0) -> dict:
    key = jax.random.key(seed)
    k1, k2, k3, k4, k5, k6 = jax.random.split(key, 6)
    input_ids = jax.random.randint(k1, (B, L), 0, N_SPECIAL + N_LEAF, dtype=jnp.int64)
    # learned parameters
    glorot = float(np.sqrt(6.0 / (N_SPECIAL + D)))
    special_embedding = jax.random.uniform(k2, (N_SPECIAL, D), jnp.float32, -glorot, glorot)
    node_emb = jax.random.normal(k3, (N_NODES, D), jnp.float32) * 0.02   # ontology node init embeddings
    edge_index = jax.random.randint(k4, (2, N_EDGES), 0, N_NODES, dtype=jnp.int64)
    leaf_idx = jax.random.randint(k5, (N_LEAF,), 0, N_NODES, dtype=jnp.int64)  # positions of vocab leaves
    W = jax.random.normal(k6, (D, D), jnp.float32) * 0.05                # GCNConv weight
    b = jnp.zeros((D,), jnp.float32)                                     # GCNConv bias
    return {"input_ids": input_ids, "special_embedding": special_embedding,
            "node_emb": node_emb, "edge_index": edge_index,
            "leaf_idx": leaf_idx, "W": W, "b": b}


def _gcn_conv(x, edge_index, W, b, n_nodes):
    """GCNConv with symmetric normalization and self-loops (torch_geometric semantics)."""
    src, dst = edge_index[0], edge_index[1]
    loop = jnp.arange(n_nodes, dtype=src.dtype)
    src2 = jnp.concatenate([src, loop])
    dst2 = jnp.concatenate([dst, loop])
    deg = jax.ops.segment_sum(jnp.ones_like(dst2, dtype=x.dtype), dst2, num_segments=n_nodes)
    dinv = jnp.where(deg > 0, jax.lax.rsqrt(deg), 0.0)
    h = x @ W
    norm = (dinv[src2] * dinv[dst2])[:, None]
    msg = h[src2] * norm
    out = jax.ops.segment_sum(msg, dst2, num_segments=n_nodes)
    return out + b


def reference(input_ids, special_embedding, node_emb, edge_index, leaf_idx, W, b):
    # OntologyEmbedding(): GNN over ontology tree, then select leaf (vocab) nodes
    node_out = _gcn_conv(node_emb, edge_index, W, b, N_NODES)
    disease_emb = jnp.take(node_out, leaf_idx, axis=0)          # [N_LEAF, D]
    # VocabularyEmbedding.forward: concat special + disease table, then lookup
    emb = jnp.concatenate([special_embedding, disease_emb], axis=0)  # [N_SPECIAL+N_LEAF, D]
    return jnp.take(emb, input_ids, axis=0)                      # [B, L, D]

if __name__ == "__main__":
    import jax
    _d = setup_inputs()
    print(jax.jit(kernel)(*tuple(_d.values())))

</pallas_src>

<mosaic_0001>
#map = affine_map<(d0, d1) -> (0, 0)>
module attributes {stable_mosaic.version = 14 : i64} {
  func.func @_deg_body(%arg0: i32, %arg1: i32, %arg2: memref<1344x128xi32, #tpu.memory_space<hbm>>, %arg3: memref<2x10240xf32, #tpu.memory_space<hbm>>, %arg4: memref<10240xf32, #tpu.memory_space<vmem_shared>>, %arg5: memref<640xf32, #tpu.memory_space<vmem>>, %arg6: memref<128xf32, #tpu.memory_space<vmem>>, %arg7: memref<40x128xi32, #tpu.memory_space<vmem>>) attributes {dimension_semantics = [#tpu.dimension_semantics<core_parallel>, #tpu.dimension_semantics<subcore_parallel>], iteration_bounds = array<i64: 2, 16>, scalar_prefetch = 0 : i64, scratch_operands = 4 : i64, tpu.core_type = #tpu.core_type<sc_vector_subcore>, window_params = [{transform_indices = #map}, {transform_indices = #map}]} {
    %broadcast_in_dim3A = arith.constant 0.000000e+00 : f32
    %broadcast_in_dim3A_0 = vector.broadcast %broadcast_in_dim3A : f32 to vector<16xf32>
    %swap3A = arith.constant 0 : index
    %swap3A_1 = tpu.vector_load %arg5[%swap3A] {strides = array<i32>} : memref<640xf32, #tpu.memory_space<vmem>>, vector<16xf32>,
    tpu.vector_store %arg5[%swap3A], %broadcast_in_dim3A_0 {strides = array<i32>} : memref<640xf32, #tpu.memory_space<vmem>>, vector<16xf32>,
    %swap3A_2 = arith.constant 16 : index
    %swap3A_3 = tpu.vector_load %arg5[%swap3A_2] {strides = array<i32>} : memref<640xf32, #tpu.memory_space<vmem>>, vector<16xf32>,
    tpu.vector_store %arg5[%swap3A_2], %broadcast_in_dim3A_0 {strides = array<i32>} : memref<640xf32, #tpu.memory_space<vmem>>, vector<16xf32>,
    %swap3A_4 = arith.constant 32 : index
    %swap3A_5 = tpu.vector_load %arg5[%swap3A_4] {strides = array<i32>} : memref<640xf32, #tpu.memory_space<vmem>>, vector<16xf32>,
    tpu.vector_store %arg5[%swap3A_4], %broadcast_in_dim3A_0 {strides = array<i32>} : memref<640xf32, #tpu.memory_space<vmem>>, vector<16xf32>,
    %swap3A_6 = arith.constant 48 : index
    %swap3A_7 = tpu.vector_load %arg5[%swap3A_6] {strides = array<i32>} : memref<640xf32, #tpu.memory_space<vmem>>, vector<16xf32>,
    tpu.vector_store %arg5[%swap3A_6], %broadcast_in_dim3A_0 {strides = array<i32>} : memref<640xf32, #tpu.memory_space<vmem>>, vector<16xf32>,
    %swap3A_8 = arith.constant 64 : index
    %swap3A_9 = tpu.vector_load %arg5[%swap3A_8] {strides = array<i32>} : memref<640xf32, #tpu.memory_space<vmem>>, vector<16xf32>,
    tpu.vector_store %arg5[%swap3A_8], %broadcast_in_dim3A_0 {strides = array<i32>} : memref<640xf32, #tpu.memory_space<vmem>>, vector<16xf32>,
    %swap3A_10 = arith.constant 80 : index
    %swap3A_11 = tpu.vector_load %arg5[%swap3A_10] {strides = array<i32>} : memref<640xf32, #tpu.memory_space<vmem>>, vector<16xf32>,
    tpu.vector_store %arg5[%swap3A_10], %broadcast_in_dim3A_0 {strides = array<i32>} : memref<640xf32, #tpu.memory_space<vmem>>, vector<16xf32>,
    %swap3A_12 = arith.constant 96 : index
    %swap3A_13 = tpu.vector_load %arg5[%swap3A_12] {strides = array<i32>} : memref<640xf32, #tpu.memory_space<vmem>>, vector<16xf32>,
    tpu.vector_store %arg5[%swap3A_12], %broadcast_in_dim3A_0 {strides = array<i32>} : memref<640xf32, #tpu.memory_space<vmem>>, vector<16xf32>,
    %swap3A_14 = arith.constant 112 : index
    %swap3A_15 = tpu.vector_load %arg5[%swap3A_14] {strides = array<i32>} : memref<640xf32, #tpu.memory_space<vmem>>, vector<16xf32>,
    tpu.vector_store %arg5[%swap3A_14], %broadcast_in_dim3A_0 {strides = array<i32>} : memref<640xf32, #tpu.memory_space<vmem>>, vector<16xf32>,
    %swap3A_16 = arith.constant 128 : index
    %swap3A_17 = tpu.vector_load %arg5[%swap3A_16] {strides = array<i32>} : memref<640xf32, #tpu.memory_space<vmem>>, vector<16xf32>,
    tpu.vector_store %arg5[%swap3A_16], %broadcast_in_dim3A_0 {strides = array<i32>} : memref<640xf32, #tpu.memory_space<vmem>>, vector<16xf32>,
    %swap3A_18 = arith.constant 144 : index
    %swap3A_19 = tpu.vector_load %arg5[%swap3A_18] {strides = array<i32>} : memref<640xf32, #tpu.memory_space<vmem>>, vector<16xf32>,
    tpu.vector_store %arg5[%swap3A_18], %broadcast_in_dim3A_0 {strides = array<i32>} : memref<640xf32, #tpu.memory_space<vmem>>, vector<16xf32>,
    %swap3A_20 = arith.constant 160 : index
    %swap3A_21 = tpu.vector_load %arg5[%swap3A_20] {strides = array<i32>} : memref<640xf32, #tpu.memory_space<vmem>>, vector<16xf32>,
    tpu.vector_store %arg5[%swap3A_20], %broadcast_in_dim3A_0 {strides = array<i32>} : memref<640xf32, #tpu.memory_space<vmem>>, vector<16xf32>,
    %swap3A_22 = arith.constant 176 : index
    %swap3A_23 = tpu.vector_load %arg5[%swap3A_22] {strides = array<i32>} : memref<640xf32, #tpu.memory_space<vmem>>, vector<16xf32>,
    tpu.vector_store %arg5[%swap3A_22], %broadcast_in_dim3A_0 {strides = array<i32>} : memref<640xf32, #tpu.memory_space<vmem>>, vector<16xf32>,
    %swap3A_24 = arith.constant 192 : index
    %swap3A_25 = tpu.vector_load %arg5[%swap3A_24] {strides = array<i32>} : memref<640xf32, #tpu.memory_space<vmem>>, vector<16xf32>,
    tpu.vector_store %arg5[%swap3A_24], %broadcast_in_dim3A_0 {strides = array<i32>} : memref<640xf32, #tpu.memory_space<vmem>>, vector<16xf32>,
    %swap3A_26 = arith.constant 208 : index
    %swap3A_27 = tpu.vector_load %arg5[%swap3A_26] {strides = array<i32>} : memref<640xf32, #tpu.memory_space<vmem>>, vector<16xf32>,
    tpu.vector_store %arg5[%swap3A_26], %broadcast_in_dim3A_0 {strides = array<i32>} : memref<640xf32, #tpu.memory_space<vmem>>, vector<16xf32>,
    %swap3A_28 = arith.constant 224 : index
    %swap3A_29 = tpu.vector_load %arg5[%swap3A_28] {strides = array<i32>} : memref<640xf32, #tpu.memory_space<vmem>>, vector<16xf32>,
    tpu.vector_store %arg5[%swap3A_28], %broadcast_in_dim3A_0 {strides = array<i32>} : memref<640xf32, #tpu.memory_space<vmem>>, vector<16xf32>,
    %swap3A_30 = arith.constant 240 : index
    %swap3A_31 = tpu.vector_load %arg5[%swap3A_30] {strides = array<i32>} : memref<640xf32, #tpu.memory_space<vmem>>, vector<16xf32>,
    tpu.vector_store %arg5[%swap3A_30], %broadcast_in_dim3A_0 {strides = array<i32>} : memref<640xf32, #tpu.memory_space<vmem>>, vector<16xf32>,
    %swap3A_32 = arith.constant 256 : index
    %swap3A_33 = tpu.vector_load %arg5[%swap3A_32] {strides = array<i32>} : memref<640xf32, #tpu.memory_space<vmem>>, vector<16xf32>,
    tpu.vector_store %arg5[%swap3A_32], %broadcast_in_dim3A_0 {strides = array<i32>} : memref<640xf32, #tpu.memory_space<vmem>>, vector<16xf32>,
    %swap3A_34 = arith.constant 272 : index
    %swap3A_35 = tpu.vector_load %arg5[%swap3A_34] {strides = array<i32>} : memref<640xf32, #tpu.memory_space<vmem>>, vector<16xf32>,
    tpu.vector_store %arg5[%swap3A_34], %broadcast_in_dim3A_0 {strides = array<i32>} : memref<640xf32, #tpu.memory_space<vmem>>, vector<16xf32>,
    %swap3A_36 = arith.constant 288 : index
    %swap3A_37 = tpu.vector_load %arg5[%swap3A_36] {strides = array<i32>} : memref<640xf32, #tpu.memory_space<vmem>>, vector<16xf32>,
    tpu.vector_store %arg5[%swap3A_36], %broadcast_in_dim3A_0 {strides = array<i32>} : memref<640xf32, #tpu.memory_space<vmem>>, vector<16xf32>,
    %swap3A_38 = arith.constant 304 : index
    %swap3A_39 = tpu.vector_load %arg5[%swap3A_38] {strides = array<i32>} : memref<640xf32, #tpu.memory_space<vmem>>, vector<16xf32>,
    tpu.vector_store %arg5[%swap3A_38], %broadcast_in_dim3A_0 {strides = array<i32>} : memref<640xf32, #tpu.memory_space<vmem>>, vector<16xf32>,
    %swap3A_40 = arith.constant 320 : index
    %swap3A_41 = tpu.vector_load %arg5[%swap3A_40] {strides = array<i32>} : memref<640xf32, #tpu.memory_space<vmem>>, vector<16xf32>,
    tpu.vector_store %arg5[%swap3A_40], %broadcast_in_dim3A_0 {strides = array<i32>} : memref<640xf32, #tpu.memory_space<vmem>>, vector<16xf32>,
    %swap3A_42 = arith.constant 336 : index
    %swap3A_43 = tpu.vector_load %arg5[%swap3A_42] {strides = array<i32>} : memref<640xf32, #tpu.memory_space<vmem>>, vector<16xf32>,
    tpu.vector_store %arg5[%swap3A_42], %broadcast_in_dim3A_0 {strides = array<i32>} : memref<640xf32, #tpu.memory_space<vmem>>, vector<16xf32>,
    %swap3A_44 = arith.constant 352 : index
    %swap3A_45 = tpu.vector_load %arg5[%swap3A_44] {strides = array<i32>} : memref<640xf32, #tpu.memory_space<vmem>>, vector<16xf32>,
    tpu.vector_store %arg5[%swap3A_44], %broadcast_in_dim3A_0 {strides = array<i32>} : memref<640xf32, #tpu.memory_space<vmem>>, vector<16xf32>,
    %swap3A_46 = arith.constant 368 : index
    %swap3A_47 = tpu.vector_load %arg5[%swap3A_46] {strides = array<i32>} : memref<640xf32, #tpu.memory_space<vmem>>, vector<16xf32>,
    tpu.vector_store %arg5[%swap3A_46], %broadcast_in_dim3A_0 {strides = array<i32>} : memref<640xf32, #tpu.memory_space<vmem>>, vector<16xf32>,
    %swap3A_48 = arith.constant 384 : index
    %swap3A_49 = tpu.vector_load %arg5[%swap3A_48] {strides = array<i32>} : memref<640xf32, #tpu.memory_space<vmem>>, vector<16xf32>,
    tpu.vector_store %arg5[%swap3A_48], %broadcast_in_dim3A_0 {strides = array<i32>} : memref<640xf32, #tpu.memory_space<vmem>>, vector<16xf32>,
    %swap3A_50 = arith.constant 400 : index
    %swap3A_51 = tpu.vector_load %arg5[%swap3A_50] {strides = array<i32>} : memref<640xf32, #tpu.memory_space<vmem>>, vector<16xf32>,
    tpu.vector_store %arg5[%swap3A_50], %broadcast_in_dim3A_0 {strides = array<i32>} : memref<640xf32, #tpu.memory_space<vmem>>, vector<16xf32>,
    %swap3A_52 = arith.constant 416 : index
    %swap3A_53 = tpu.vector_load %arg5[%swap3A_52] {strides = array<i32>} : memref<640xf32, #tpu.memory_space<vmem>>, vector<16xf32>,
    tpu.vector_store %arg5[%swap3A_52], %broadcast_in_dim3A_0 {strides = array<i32>} : memref<640xf32, #tpu.memory_space<vmem>>, vector<16xf32>,
    %swap3A_54 = arith.constant 432 : index
    %swap3A_55 = tpu.vector_load %arg5[%swap3A_54] {strides = array<i32>} : memref<640xf32, #tpu.memory_space<vmem>>, vector<16xf32>,
    tpu.vector_store %arg5[%swap3A_54], %broadcast_in_dim3A_0 {strides = array<i32>} : memref<640xf32, #tpu.memory_space<vmem>>, vector<16xf32>,
    %swap3A_56 = arith.constant 448 : index
    %swap3A_57 = tpu.vector_load %arg5[%swap3A_56] {strides = array<i32>} : memref<640xf32, #tpu.memory_space<vmem>>, vector<16xf32>,
    tpu.vector_store %arg5[%swap3A_56], %broadcast_in_dim3A_0 {strides = array<i32>} : memref<640xf32, #tpu.memory_space<vmem>>, vector<16xf32>,
    %swap3A_58 = arith.constant 464 : index
    %swap3A_59 = tpu.vector_load %arg5[%swap3A_58] {strides = array<i32>} : memref<640xf32, #tpu.memory_space<vmem>>, vector<16xf32>,
    tpu.vector_store %arg5[%swap3A_58], %broadcast_in_dim3A_0 {strides = array<i32>} : memref<640xf32, #tpu.memory_space<vmem>>, vector<16xf32>,
    %swap3A_60 = arith.constant 480 : index
    %swap3A_61 = tpu.vector_load %arg5[%swap3A_60] {strides = array<i32>} : memref<640xf32, #tpu.memory_space<vmem>>, vector<16xf32>,
    tpu.vector_store %arg5[%swap3A_60], %broadcast_in_dim3A_0 {strides = array<i32>} : memref<640xf32, #tpu.memory_space<vmem>>, vector<16xf32>,
    %swap3A_62 = arith.constant 496 : index
    %swap3A_63 = tpu.vector_load %arg5[%swap3A_62] {strides = array<i32>} : memref<640xf32, #tpu.memory_space<vmem>>, vector<16xf32>,
    tpu.vector_store %arg5[%swap3A_62], %broadcast_in_dim3A_0 {strides = array<i32>} : memref<640xf32, #tpu.memory_space<vmem>>, vector<16xf32>,
    %swap3A_64 = arith.constant 512 : index
    %swap3A_65 = tpu.vector_load %arg5[%swap3A_64] {strides = array<i32>} : memref<640xf32, #tpu.memory_space<vmem>>, vector<16xf32>,
    tpu.vector_store %arg5[%swap3A_64], %broadcast_in_dim3A_0 {strides = array<i32>} : memref<640xf32, #tpu.memory_space<vmem>>, vector<16xf32>,
    %swap3A_66 = arith.constant 528 : index
    %swap3A_67 = tpu.vector_load %arg5[%swap3A_66] {strides = array<i32>} : memref<640xf32, #tpu.memory_space<vmem>>, vector<16xf32>,
    tpu.vector_store %arg5[%swap3A_66], %broadcast_in_dim3A_0 {strides = array<i32>} : memref<640xf32, #tpu.memory_space<vmem>>, vector<16xf32>,
    %swap3A_68 = arith.constant 544 : index
    %swap3A_69 = tpu.vector_load %arg5[%swap3A_68] {strides = array<i32>} : memref<640xf32, #tpu.memory_space<vmem>>, vector<16xf32>,
    tpu.vector_store %arg5[%swap3A_68], %broadcast_in_dim3A_0 {strides = array<i32>} : memref<640xf32, #tpu.memory_space<vmem>>, vector<16xf32>,
    %swap3A_70 = arith.constant 560 : index
    %swap3A_71 = tpu.vector_load %arg5[%swap3A_70] {strides = array<i32>} : memref<640xf32, #tpu.memory_space<vmem>>, vector<16xf32>,
    tpu.vector_store %arg5[%swap3A_70], %broadcast_in_dim3A_0 {strides = array<i32>} : memref<640xf32, #tpu.memory_space<vmem>>, vector<16xf32>,
    %swap3A_72 = arith.constant 576 : index
    %swap3A_73 = tpu.vector_load %arg5[%swap3A_72] {strides = array<i32>} : memref<640xf32, #tpu.memory_space<vmem>>, vector<16xf32>,
    tpu.vector_store %arg5[%swap3A_72], %broadcast_in_dim3A_0 {strides = array<i32>} : memref<640xf32, #tpu.memory_space<vmem>>, vector<16xf32>,
    %swap3A_74 = arith.constant 592 : index
    %swap3A_75 = tpu.vector_load %arg5[%swap3A_74] {strides = array<i32>} : memref<640xf32, #tpu.memory_space<vmem>>, vector<16xf32>,
    tpu.vector_store %arg5[%swap3A_74], %broadcast_in_dim3A_0 {strides = array<i32>} : memref<640xf32, #tpu.memory_space<vmem>>, vector<16xf32>,
    %swap3A_76 = arith.constant 608 : index
    %swap3A_77 = tpu.vector_load %arg5[%swap3A_76] {strides = array<i32>} : memref<640xf32, #tpu.memory_space<vmem>>, vector<16xf32>,
    tpu.vector_store %arg5[%swap3A_76], %broadcast_in_dim3A_0 {strides = array<i32>} : memref<640xf32, #tpu.memory_space<vmem>>, vector<16xf32>,
    %swap3A_78 = arith.constant 624 : index
    %swap3A_79 = tpu.vector_load %arg5[%swap3A_78] {strides = array<i32>} : memref<640xf32, #tpu.memory_space<vmem>>, vector<16xf32>,
    tpu.vector_store %arg5[%swap3A_78], %broadcast_in_dim3A_0 {strides = array<i32>} : memref<640xf32, #tpu.memory_space<vmem>>, vector<16xf32>,
    %add3A = arith.constant 1.000000e+00 : f32
    %add3A_80 = vector.broadcast %add3A : f32 to vector<16xf32>
    %add3A_81 = arith.addf %broadcast_in_dim3A_0, %add3A_80 : vector<16xf32>
    %swap3A_82 = arith.constant 0 : index
    %swap3A_83 = tpu.vector_load %arg6[%swap3A_82] {strides = array<i32>} : memref<128xf32, #tpu.memory_space<vmem>>, vector<16xf32>,
    tpu.vector_store %arg6[%swap3A_82], %add3A_81 {strides = array<i32>} : memref<128xf32, #tpu.memory_space<vmem>>, vector<16xf32>,
    %add3A_84 = arith.constant 1.000000e+00 : f32
    %add3A_85 = vector.broadcast %add3A_84 : f32 to vector<16xf32>
    %add3A_86 = arith.addf %broadcast_in_dim3A_0, %add3A_85 : vector<16xf32>
    %swap3A_87 = arith.constant 16 : index
    %swap3A_88 = tpu.vector_load %arg6[%swap3A_87] {strides = array<i32>} : memref<128xf32, #tpu.memory_space<vmem>>, vector<16xf32>,
    tpu.vector_store %arg6[%swap3A_87], %add3A_86 {strides = array<i32>} : memref<128xf32, #tpu.memory_space<vmem>>, vector<16xf32>,
    %add3A_89 = arith.constant 1.000000e+00 : f32
    %add3A_90 = vector.broadcast %add3A_89 : f32 to vector<16xf32>
    %add3A_91 = arith.addf %broadcast_in_dim3A_0, %add3A_90 : vector<16xf32>
    %swap3A_92 = arith.constant 32 : index
    %swap3A_93 = tpu.vector_load %arg6[%swap3A_92] {strides = array<i32>} : memref<128xf32, #tpu.memory_space<vmem>>, vector<16xf32>,
    tpu.vector_store %arg6[%swap3A_92], %add3A_91 {strides = array<i32>} : memref<128xf32, #tpu.memory_space<vmem>>, vector<16xf32>,
    %add3A_94 = arith.constant 1.000000e+00 : f32
    %add3A_95 = vector.broadcast %add3A_94 : f32 to vector<16xf32>
    %add3A_96 = arith.addf %broadcast_in_dim3A_0, %add3A_95 : vector<16xf32>
    %swap3A_97 = arith.constant 48 : index
    %swap3A_98 = tpu.vector_load %arg6[%swap3A_97] {strides = array<i32>} : memref<128xf32, #tpu.memory_space<vmem>>, vector<16xf32>,
    tpu.vector_store %arg6[%swap3A_97], %add3A_96 {strides = array<i32>} : memref<128xf32, #tpu.memory_space<vmem>>, vector<16xf32>,
    %add3A_99 = arith.constant 1.000000e+00 : f32
    %add3A_100 = vector.broadcast %add3A_99 : f32 to vector<16xf32>
    %add3A_101 = arith.addf %broadcast_in_dim3A_0, %add3A_100 : vector<16xf32>
    %swap3A_102 = arith.constant 64 : index
    %swap3A_103 = tpu.vector_load %arg6[%swap3A_102] {strides = array<i32>} : memref<128xf32, #tpu.memory_space<vmem>>, vector<16xf32>,
    tpu.vector_store %arg6[%swap3A_102], %add3A_101 {strides = array<i32>} : memref<128xf32, #tpu.memory_space<vmem>>, vector<16xf32>,
    %add3A_104 = arith.constant 1.000000e+00 : f32
    %add3A_105 = vector.broadcast %add3A_104 : f32 to vector<16xf32>
    %add3A_106 = arith.addf %broadcast_in_dim3A_0, %add3A_105 : vector<16xf32>
    %swap3A_107 = arith.constant 80 : index
    %swap3A_108 = tpu.vector_load %arg6[%swap3A_107] {strides = array<i32>} : memref<128xf32, #tpu.memory_space<vmem>>, vector<16xf32>,
    tpu.vector_store %arg6[%swap3A_107], %add3A_106 {strides = array<i32>} : memref<128xf32, #tpu.memory_space<vmem>>, vector<16xf32>,
    %add3A_109 = arith.constant 1.000000e+00 : f32
    %add3A_110 = vector.broadcast %add3A_109 : f32 to vector<16xf32>
    %add3A_111 = arith.addf %broadcast_in_dim3A_0, %add3A_110 : vector<16xf32>
    %swap3A_112 = arith.constant 96 : index
    %swap3A_113 = tpu.vector_load %arg6[%swap3A_112] {strides = array<i32>} : memref<128xf32, #tpu.memory_space<vmem>>, vector<16xf32>,
    tpu.vector_store %arg6[%swap3A_112], %add3A_111 {strides = array<i32>} : memref<128xf32, #tpu.memory_space<vmem>>, vector<16xf32>,
    %add3A_114 = arith.constant 1.000000e+00 : f32
    %add3A_115 = vector.broadcast %add3A_114 : f32 to vector<16xf32>
    %add3A_116 = arith.addf %broadcast_in_dim3A_0, %add3A_115 : vector<16xf32>
    %swap3A_117 = arith.constant 112 : index
    %swap3A_118 = tpu.vector_load %arg6[%swap3A_117] {strides = array<i32>} : memref<128xf32, #tpu.memory_space<vmem>>, vector<16xf32>,
    tpu.vector_store %arg6[%swap3A_117], %add3A_116 {strides = array<i32>} : memref<128xf32, #tpu.memory_space<vmem>>, vector<16xf32>,
    %mul3A = arith.constant 640 : i32
    %mul3A_119 = arith.muli %arg1, %mul3A : i32
    "tpu.region"() ({
      %run_scoped3A = tpu.sem_alloc : memref<!tpu.dma_semaphore, #tpu.memory_space<semaphore_mem>>
      %dma_start3A = tpu.memref_slice %arg4[%mul3A_119] : memref<10240xf32, #tpu.memory_space<vmem_shared>> -> memref<640xf32, #tpu.memory_space<vmem_shared>>
      %dma_start3A_135 = tpu.memref_slice %arg4[%mul3A_119] : memref<10240xf32, #tpu.memory_space<vmem_shared>> -> memref<640xf32, #tpu.memory_space<vmem_shared>>
      tpu.enqueue_dma source(%arg5 : memref<640xf32, #tpu.memory_space<vmem>>) target(%dma_start3A_135 : memref<640xf32, #tpu.memory_space<vmem_shared>>) target_semaphore(%run_scoped3A : memref<!tpu.dma_semaphore, #tpu.memory_space<semaphore_mem>>)
      %dma_wait3A = tpu.memref_slice %arg4[%mul3A_119] : memref<10240xf32, #tpu.memory_space<vmem_shared>> -> memref<640xf32, #tpu.memory_space<vmem_shared>>
      %dma_wait3A_136 = tpu.memref_slice %arg4[%mul3A_119] : memref<10240xf32, #tpu.memory_space<vmem_shared>> -> memref<640xf32, #tpu.memory_space<vmem_shared>>
      tpu.wait_dma2 semaphore(%run_scoped3A : memref<!tpu.dma_semaphore, #tpu.memory_space<semaphore_mem>>) src(%arg5 : memref<640xf32, #tpu.memory_space<vmem>>) dst(%dma_wait3A_136 : memref<640xf32, #tpu.memory_space<vmem_shared>>)
      tpu.yield
    }) : () -> ()
    %mul3A_120 = arith.constant 16 : i32
    %mul3A_121 = arith.muli %arg0, %mul3A_120 : i32
    %add3A_122 = arith.addi %mul3A_121, %arg1 : i32
    %mul3A_123 = arith.constant 40 : i32
    %mul3A_124 = arith.muli %add3A_122, %mul3A_123 : i32
    "tpu.region"() ({
      %run_scoped3A = tpu.sem_alloc : memref<!tpu.dma_semaphore, #tpu.memory_space<semaphore_mem>>
      %dma_start3A = arith.constant 0 : i32
      %dma_start3A_135 = tpu.memref_slice %arg2[%mul3A_124, %dma_start3A] : memref<1344x128xi32, #tpu.memory_space<hbm>> -> memref<40x128xi32, #tpu.memory_space<hbm>>
      %dma_start3A_136 = arith.constant 0 : i32
      %dma_start3A_137 = tpu.memref_slice %arg2[%mul3A_124, %dma_start3A_136] : memref<1344x128xi32, #tpu.memory_space<hbm>> -> memref<40x128xi32, #tpu.memory_space<hbm>>
      tpu.enqueue_dma source(%dma_start3A_137 : memref<40x128xi32, #tpu.memory_space<hbm>>) target(%arg7 : memref<40x128xi32, #tpu.memory_space<vmem>>) target_semaphore(%run_scoped3A : memref<!tpu.dma_semaphore, #tpu.memory_space<semaphore_mem>>)
      %dma_wait3A = arith.constant 0 : i32
      %dma_wait3A_138 = tpu.memref_slice %arg2[%mul3A_124, %dma_wait3A] : memref<1344x128xi32, #tpu.memory_space<hbm>> -> memref<40x128xi32, #tpu.memory_space<hbm>>
      %dma_wait3A_139 = arith.constant 0 : i32
      %dma_wait3A_140 = tpu.memref_slice %arg2[%mul3A_124, %dma_wait3A_139] : memref<1344x128xi32, #tpu.memory_space<hbm>> -> memref<40x128xi32, #tpu.memory_space<hbm>>
      tpu.wait_dma2 semaphore(%run_scoped3A : memref<!tpu.dma_semaphore, #tpu.memory_space<semaphore_mem>>) src(%dma_wait3A_140 : memref<40x128xi32, #tpu.memory_space<hbm>>) dst(%arg7 : memref<40x128xi32, #tpu.memory_space<vmem>>)
      tpu.yield
    }) : () -> ()
    %barrier3A = arith.constant 0 : index
    tpu.barrier barrier_id(%barrier3A)
    %scan3A = arith.constant 0 : i32
    %scan3A_125 = arith.constant 0 : i32
    %scan3A_126 = arith.constant 40 : i32
    %scan3A_127 = arith.addi %scan3A_125, %scan3A_126 : i32
    %scan3A_128 = arith.constant 1 : i32
    scf.for %scan3A_135 = %scan3A_125 to %scan3A_127 step %scan3A_128  : i32 {
      "tpu.region"() ({
        %run_scoped3A = tpu.sem_alloc : memref<!tpu.dma_semaphore, #tpu.memory_space<semaphore_mem>>
        %dma_start3A = arith.constant 0 : i32
        %dma_start3A_136 = tpu.memref_slice %arg7[%scan3A_135, %dma_start3A] : memref<40x128xi32, #tpu.memory_space<vmem>> -> memref<1x128xi32, #tpu.memory_space<vmem>>
        %dma_start3A_137 = tpu.memref_squeeze %dma_start3A_136 : memref<1x128xi32, #tpu.memory_space<vmem>> -> memref<128xi32, #tpu.memory_space<vmem>>
        %dma_start3A_138 = arith.constant 0 : i32
        %dma_start3A_139 = tpu.memref_slice %arg4[%dma_start3A_138] : memref<10240xf32, #tpu.memory_space<vmem_shared>> -> memref<10240xf32, #tpu.memory_space<vmem_shared>>
        tpu.enqueue_indirect_dma source(%arg6 : memref<128xf32, #tpu.memory_space<vmem>>) target(%dma_start3A_139 : memref<10240xf32, #tpu.memory_space<vmem_shared>>) offsets(%dma_start3A_137 : memref<128xi32, #tpu.memory_space<vmem>>) semaphore(%run_scoped3A : memref<!tpu.dma_semaphore, #tpu.memory_space<semaphore_mem>>) {add = true}
        %dma_wait3A = arith.constant 0 : i32
        %dma_wait3A_140 = tpu.memref_slice %arg7[%scan3A_135, %dma_wait3A] : memref<40x128xi32, #tpu.memory_space<vmem>> -> memref<1x128xi32, #tpu.memory_space<vmem>>
        %dma_wait3A_141 = tpu.memref_squeeze %dma_wait3A_140 : memref<1x128xi32, #tpu.memory_space<vmem>> -> memref<128xi32, #tpu.memory_space<vmem>>
        %dma_wait3A_142 = arith.constant 0 : i32
        %dma_wait3A_143 = tpu.memref_slice %arg4[%dma_wait3A_142] : memref<10240xf32, #tpu.memory_space<vmem_shared>> -> memref<10240xf32, #tpu.memory_space<vmem_shared>>
        tpu.wait_indirect_dma semaphore(%run_scoped3A : memref<!tpu.dma_semaphore, #tpu.memory_space<semaphore_mem>>) src(%arg6 : memref<128xf32, #tpu.memory_space<vmem>>) dst(%dma_wait3A_143 : memref<10240xf32, #tpu.memory_space<vmem_shared>>)
        tpu.yield
      }) : () -> ()
    }
    %scan3A_129 = arith.constant 40 : i32
    %barrier3A_130 = arith.constant 0 : index
    tpu.barrier barrier_id(%barrier3A_130)
    %mul3A_131 = arith.constant 640 : i32
    %mul3A_132 = arith.muli %arg1, %mul3A_131 : i32
    %mul3A_133 = arith.constant 640 : i32
    %mul3A_134 = arith.muli %arg1, %mul3A_133 : i32
    "tpu.region"() ({
      %run_scoped3A = tpu.sem_alloc : memref<!tpu.dma_semaphore, #tpu.memory_space<semaphore_mem>>
      %dma_start3A = tpu.memref_slice %arg3[%arg0, %mul3A_134] : memref<2x10240xf32, #tpu.memory_space<hbm>> -> memref<1x640xf32, #tpu.memory_space<hbm>>
      %dma_start3A_135 = tpu.memref_squeeze %dma_start3A : memref<1x640xf32, #tpu.memory_space<hbm>> -> memref<640xf32, #tpu.memory_space<hbm>>
      %dma_start3A_136 = tpu.memref_slice %arg4[%mul3A_132] : memref<10240xf32, #tpu.memory_space<vmem_shared>> -> memref<640xf32, #tpu.memory_space<vmem_shared>>
      tpu.enqueue_dma source(%dma_start3A_136 : memref<640xf32, #tpu.memory_space<vmem_shared>>) target(%dma_start3A_135 : memref<640xf32, #tpu.memory_space<hbm>>) target_semaphore(%run_scoped3A : memref<!tpu.dma_semaphore, #tpu.memory_space<semaphore_mem>>)
      %dma_wait3A = tpu.memref_slice %arg3[%arg0, %mul3A_134] : memref<2x10240xf32, #tpu.memory_space<hbm>> -> memref<1x640xf32, #tpu.memory_space<hbm>>
      %dma_wait3A_137 = tpu.memref_squeeze %dma_wait3A : memref<1x640xf32, #tpu.memory_space<hbm>> -> memref<640xf32, #tpu.memory_space<hbm>>
      %dma_wait3A_138 = tpu.memref_slice %arg4[%mul3A_132] : memref<10240xf32, #tpu.memory_space<vmem_shared>> -> memref<640xf32, #tpu.memory_space<vmem_shared>>
      tpu.wait_dma2 semaphore(%run_scoped3A : memref<!tpu.dma_semaphore, #tpu.memory_space<semaphore_mem>>) src(%dma_wait3A_138 : memref<640xf32, #tpu.memory_space<vmem_shared>>) dst(%dma_wait3A_137 : memref<640xf32, #tpu.memory_space<hbm>>)
      tpu.yield
    }) : () -> ()
    return
  }
}

#map = affine_map<(d0, d1) -> (0, 0)>
#map1 = affine_map<(d0, d1) -> (0)>
module attributes {stable_mosaic.version = 14 : i64} {
  func.func @_lookup_body(%arg0: i32, %arg1: i32, %arg2: memref<11520x128xf32, #tpu.memory_space<hbm>>, %arg3: memref<6400x128xi32, #tpu.memory_space<hbm>>, %arg4: memref<8000xi32, #tpu.memory_space<hbm>>, %arg5: memref<819200x128xf32, #tpu.memory_space<hbm>>, %arg6: memref<8000xi32, #tpu.memory_space<vmem>>, %arg7: memref<204x128xi32, #tpu.memory_space<vmem>>, %arg8: memref<512x128xf32, #tpu.memory_space<vmem>>, %arg9: memref<!tpu.dma_semaphore, #tpu.memory_space<semaphore_mem>>, %arg10: memref<!tpu.dma_semaphore, #tpu.memory_space<semaphore_mem>>, %arg11: memref<!tpu.dma_semaphore, #tpu.memory_space<semaphore_mem>>, %arg12: memref<!tpu.dma_semaphore, #tpu.memory_space<semaphore_mem>>, %arg13: memref<!tpu.dma_semaphore, #tpu.memory_space<semaphore_mem>>) attributes {dimension_semantics = [#tpu.dimension_semantics<core_parallel>, #tpu.dimension_semantics<subcore_parallel>], iteration_bounds = array<i64: 2, 16>, scalar_prefetch = 0 : i64, scratch_operands = 8 : i64, tpu.core_type = #tpu.core_type<sc_vector_subcore>, window_params = [{transform_indices = #map}, {transform_indices = #map}, {transform_indices = #map1}, {transform_indices = #map}]} {
    %mul3A = arith.constant 16 : i32
    %mul3A_0 = arith.muli %arg0, %mul3A : i32
    %add3A = arith.addi %mul3A_0, %arg1 : i32
    %mul3A_1 = arith.constant 25600 : i32
    %mul3A_2 = arith.muli %add3A, %mul3A_1 : i32
    "tpu.region"() ({
      %run_scoped3A = tpu.sem_alloc : memref<!tpu.dma_semaphore, #tpu.memory_space<semaphore_mem>>
      tpu.enqueue_dma source(%arg4 : memref<8000xi32, #tpu.memory_space<hbm>>) target(%arg6 : memref<8000xi32, #tpu.memory_space<vmem>>) target_semaphore(%run_scoped3A : memref<!tpu.dma_semaphore, #tpu.memory_space<semaphore_mem>>)
      tpu.wait_dma2 semaphore(%run_scoped3A : memref<!tpu.dma_semaphore, #tpu.memory_space<semaphore_mem>>) src(%arg4 : memref<8000xi32, #tpu.memory_space<hbm>>) dst(%arg6 : memref<8000xi32, #tpu.memory_space<vmem>>)
      tpu.yield
    }) : () -> ()
    %mul3A_3 = arith.constant 200 : i32
    %mul3A_4 = arith.muli %add3A, %mul3A_3 : i32
    "tpu.region"() ({
      %run_scoped3A = tpu.sem_alloc : memref<!tpu.dma_semaphore, #tpu.memory_space<semaphore_mem>>
      %dma_start3A = arith.constant 0 : i32
      %dma_start3A_45 = arith.constant 0 : i32
      %dma_start3A_46 = tpu.memref_slice %arg7[%dma_start3A, %dma_start3A_45] : memref<204x128xi32, #tpu.memory_space<vmem>> -> memref<200x128xi32, #tpu.memory_space<vmem>>
      %dma_start3A_47 = arith.constant 0 : i32
      %dma_start3A_48 = tpu.memref_slice %arg3[%mul3A_4, %dma_start3A_47] : memref<6400x128xi32, #tpu.memory_space<hbm>> -> memref<200x128xi32, #tpu.memory_space<hbm>>
      %dma_start3A_49 = arith.constant 0 : i32
      %dma_start3A_50 = arith.constant 0 : i32
      %dma_start3A_51 = tpu.memref_slice %arg7[%dma_start3A_49, %dma_start3A_50] : memref<204x128xi32, #tpu.memory_space<vmem>> -> memref<200x128xi32, #tpu.memory_space<vmem>>
      %dma_start3A_52 = arith.constant 0 : i32
      %dma_start3A_53 = tpu.memref_slice %arg3[%mul3A_4, %dma_start3A_52] : memref<6400x128xi32, #tpu.memory_space<hbm>> -> memref<200x128xi32, #tpu.memory_space<hbm>>
      tpu.enqueue_dma source(%dma_start3A_53 : memref<200x128xi32, #tpu.memory_space<hbm>>) target(%dma_start3A_51 : memref<200x128xi32, #tpu.memory_space<vmem>>) target_semaphore(%run_scoped3A : memref<!tpu.dma_semaphore, #tpu.memory_space<semaphore_mem>>)
      %dma_wait3A = arith.constant 0 : i32
      %dma_wait3A_54 = arith.constant 0 : i32
      %dma_wait3A_55 = tpu.memref_slice %arg7[%dma_wait3A, %dma_wait3A_54] : memref<204x128xi32, #tpu.memory_space<vmem>> -> memref<200x128xi32, #tpu.memory_space<vmem>>
      %dma_wait3A_56 = arith.constant 0 : i32
      %dma_wait3A_57 = tpu.memref_slice %arg3[%mul3A_4, %dma_wait3A_56] : memref<6400x128xi32, #tpu.memory_space<hbm>> -> memref<200x128xi32, #tpu.memory_space<hbm>>
      %dma_wait3A_58 = arith.constant 0 : i32
      %dma_wait3A_59 = arith.constant 0 : i32
      %dma_wait3A_60 = tpu.memref_slice %arg7[%dma_wait3A_58, %dma_wait3A_59] : memref<204x128xi32, #tpu.memory_space<vmem>> -> memref<200x128xi32, #tpu.memory_space<vmem>>
      %dma_wait3A_61 = arith.constant 0 : i32
      %dma_wait3A_62 = tpu.memref_slice %arg3[%mul3A_4, %dma_wait3A_61] : memref<6400x128xi32, #tpu.memory_space<hbm>> -> memref<200x128xi32, #tpu.memory_space<hbm>>
      tpu.wait_dma2 semaphore(%run_scoped3A : memref<!tpu.dma_semaphore, #tpu.memory_space<semaphore_mem>>) src(%dma_wait3A_62 : memref<200x128xi32, #tpu.memory_space<hbm>>) dst(%dma_wait3A_60 : memref<200x128xi32, #tpu.memory_space<vmem>>)
      tpu.yield
    }) : () -> ()
    %min3A = arith.constant 0 : i32
    %min3A_5 = arith.constant 199 : i32
    %min3A_6 = arith.minsi %min3A, %min3A_5 : i32
    %scan3A = arith.constant 0 : i32
    %scan3A_7 = arith.constant 0 : i32
    %scan3A_8 = arith.constant 8 : i32
    %scan3A_9 = arith.addi %scan3A_7, %scan3A_8 : i32
    %scan3A_10 = arith.constant 1 : i32
    scf.for %scan3A_45 = %scan3A_7 to %scan3A_9 step %scan3A_10  : i32 {
      %mul3A_46 = arith.constant 16 : i32
      %mul3A_47 = arith.muli %scan3A_45, %mul3A_46 : i32
      %get3A = arith.index_cast %min3A_6 : i32 to index
      %get3A_48 = arith.index_cast %mul3A_47 : i32 to index
      %get3A_49 = tpu.vector_load %arg7[%get3A, %get3A_48] {strides = array<i32>} : memref<204x128xi32, #tpu.memory_space<vmem>>, vector<16xi32>,
      %sub3A = arith.constant 3 : i32
      %sub3A_50 = vector.broadcast %sub3A : i32 to vector<16xi32>
      %sub3A_51 = arith.subi %get3A_49, %sub3A_50 : vector<16xi32>
      %max3A = arith.constant 0 : i32
      %max3A_52 = vector.broadcast %max3A : i32 to vector<16xi32>
      %max3A_53 = arith.maxsi %sub3A_51, %max3A_52 : vector<16xi32>
      %gather3A = tpu.vector_load_idx %arg6[%max3A_53] : memref<8000xi32, #tpu.memory_space<vmem>>[vector<16xi32>], vector<16xi32>,
      %lt3A = arith.constant 3 : i32
      %lt3A_54 = vector.broadcast %lt3A : i32 to vector<16xi32>
      %lt3A_55 = arith.cmpi slt, %get3A_49, %lt3A_54 : vector<16xi32>
      %add3A_56 = arith.constant 10240 : i32
      %add3A_57 = vector.broadcast %add3A_56 : i32 to vector<16xi32>
      %add3A_58 = arith.addi %get3A_49, %add3A_57 : vector<16xi32>
      %select_n3A = arith.select %lt3A_55, %add3A_58, %gather3A : vector<16xi1>, vector<16xi32>
      %mul3A_59 = arith.constant 16 : i32
      %mul3A_60 = arith.muli %scan3A_45, %mul3A_59 : i32
      %swap3A = arith.constant 0 : i32
      %swap3A_61 = arith.index_cast %swap3A : i32 to index
      %swap3A_62 = arith.index_cast %mul3A_60 : i32 to index
      %swap3A_63 = tpu.vector_load %arg7[%swap3A_61, %swap3A_62] {strides = array<i32>} : memref<204x128xi32, #tpu.memory_space<vmem>>, vector<16xi32>,
      tpu.vector_store %arg7[%swap3A_61, %swap3A_62], %select_n3A {strides = array<i32>} : memref<204x128xi32, #tpu.memory_space<vmem>>, vector<16xi32>,
    }
    %scan3A_11 = arith.constant 8 : i32
    %min3A_12 = arith.constant 1 : i32
    %min3A_13 = arith.constant 199 : i32
    %min3A_14 = arith.minsi %min3A_12, %min3A_13 : i32
    %scan3A_15 = arith.constant 0 : i32
    %scan3A_16 = arith.constant 0 : i32
    %scan3A_17 = arith.constant 8 : i32
    %scan3A_18 = arith.addi %scan3A_16, %scan3A_17 : i32
    %scan3A_19 = arith.constant 1 : i32
    scf.for %scan3A_45 = %scan3A_16 to %scan3A_18 step %scan3A_19  : i32 {
      %mul3A_46 = arith.constant 16 : i32
      %mul3A_47 = arith.muli %scan3A_45, %mul3A_46 : i32
      %get3A = arith.index_cast %min3A_14 : i32 to index
      %get3A_48 = arith.index_cast %mul3A_47 : i32 to index
      %get3A_49 = tpu.vector_load %arg7[%get3A, %get3A_48] {strides = array<i32>} : memref<204x128xi32, #tpu.memory_space<vmem>>, vector<16xi32>,
      %sub3A = arith.constant 3 : i32
      %sub3A_50 = vector.broadcast %sub3A : i32 to vector<16xi32>
      %sub3A_51 = arith.subi %get3A_49, %sub3A_50 : vector<16xi32>
      %max3A = arith.constant 0 : i32
      %max3A_52 = vector.broadcast %max3A : i32 to vector<16xi32>
      %max3A_53 = arith.maxsi %sub3A_51, %max3A_52 : vector<16xi32>
      %gather3A = tpu.vector_load_idx %arg6[%max3A_53] : memref<8000xi32, #tpu.memory_space<vmem>>[vector<16xi32>], vector<16xi32>,
      %lt3A = arith.constant 3 : i32
      %lt3A_54 = vector.broadcast %lt3A : i32 to vector<16xi32>
      %lt3A_55 = arith.cmpi slt, %get3A_49, %lt3A_54 : vector<16xi32>
      %add3A_56 = arith.constant 10240 : i32
      %add3A_57 = vector.broadcast %add3A_56 : i32 to vector<16xi32>
      %add3A_58 = arith.addi %get3A_49, %add3A_57 : vector<16xi32>
      %select_n3A = arith.select %lt3A_55, %add3A_58, %gather3A : vector<16xi1>, vector<16xi32>
      %mul3A_59 = arith.constant 16 : i32
      %mul3A_60 = arith.muli %scan3A_45, %mul3A_59 : i32
      %swap3A = arith.constant 1 : i32
      %swap3A_61 = arith.index_cast %swap3A : i32 to index
      %swap3A_62 = arith.index_cast %mul3A_60 : i32 to index
      %swap3A_63 = tpu.vector_load %arg7[%swap3A_61, %swap3A_62] {strides = array<i32>} : memref<204x128xi32, #tpu.memory_space<vmem>>, vector<16xi32>,
      tpu.vector_store %arg7[%swap3A_61, %swap3A_62], %select_n3A {strides = array<i32>} : memref<204x128xi32, #tpu.memory_space<vmem>>, vector<16xi32>,
    }
    %scan3A_20 = arith.constant 8 : i32
    %min3A_21 = arith.constant 2 : i32
    %min3A_22 = arith.constant 199 : i32
    %min3A_23 = arith.minsi %min3A_21, %min3A_22 : i32
    %scan3A_24 = arith.constant 0 : i32
    %scan3A_25 = arith.constant 0 : i32
    %scan3A_26 = arith.constant 8 : i32
    %scan3A_27 = arith.addi %scan3A_25, %scan3A_26 : i32
    %scan3A_28 = arith.constant 1 : i32
    scf.for %scan3A_45 = %scan3A_25 to %scan3A_27 step %scan3A_28  : i32 {
      %mul3A_46 = arith.constant 16 : i32
      %mul3A_47 = arith.muli %scan3A_45, %mul3A_46 : i32
      %get3A = arith.index_cast %min3A_23 : i32 to index
      %get3A_48 = arith.index_cast %mul3A_47 : i32 to index
      %get3A_49 = tpu.vector_load %arg7[%get3A, %get3A_48] {strides = array<i32>} : memref<204x128xi32, #tpu.memory_space<vmem>>, vector<16xi32>,
      %sub3A = arith.constant 3 : i32
      %sub3A_50 = vector.broadcast %sub3A : i32 to vector<16xi32>
      %sub3A_51 = arith.subi %get3A_49, %sub3A_50 : vector<16xi32>
      %max3A = arith.constant 0 : i32
      %max3A_52 = vector.broadcast %max3A : i32 to vector<16xi32>
      %max3A_53 = arith.maxsi %sub3A_51, %max3A_52 : vector<16xi32>
      %gather3A = tpu.vector_load_idx %arg6[%max3A_53] : memref<8000xi32, #tpu.memory_space<vmem>>[vector<16xi32>], vector<16xi32>,
      %lt3A = arith.constant 3 : i32
      %lt3A_54 = vector.broadcast %lt3A : i32 to vector<16xi32>
      %lt3A_55 = arith.cmpi slt, %get3A_49, %lt3A_54 : vector<16xi32>
      %add3A_56 = arith.constant 10240 : i32
      %add3A_57 = vector.broadcast %add3A_56 : i32 to vector<16xi32>
      %add3A_58 = arith.addi %get3A_49, %add3A_57 : vector<16xi32>
      %select_n3A = arith.select %lt3A_55, %add3A_58, %gather3A : vector<16xi1>, vector<16xi32>
      %mul3A_59 = arith.constant 16 : i32
      %mul3A_60 = arith.muli %scan3A_45, %mul3A_59 : i32
      %swap3A = arith.constant 2 : i32
      %swap3A_61 = arith.index_cast %swap3A : i32 to index
      %swap3A_62 = arith.index_cast %mul3A_60 : i32 to index
      %swap3A_63 = tpu.vector_load %arg7[%swap3A_61, %swap3A_62] {strides = array<i32>} : memref<204x128xi32, #tpu.memory_space<vmem>>, vector<16xi32>,
      tpu.vector_store %arg7[%swap3A_61, %swap3A_62], %select_n3A {strides = array<i32>} : memref<204x128xi32, #tpu.memory_space<vmem>>, vector<16xi32>,
    }
    %scan3A_29 = arith.constant 8 : i32
    %min3A_30 = arith.constant 3 : i32
    %min3A_31 = arith.constant 199 : i32
    %min3A_32 = arith.minsi %min3A_30, %min3A_31 : i32
    %scan3A_33 = arith.constant 0 : i32
    %scan3A_34 = arith.constant 0 : i32
    %scan3A_35 = arith.constant 8 : i32
    %scan3A_36 = arith.addi %scan3A_34, %scan3A_35 : i32
    %scan3A_37 = arith.constant 1 : i32
    scf.for %scan3A_45 = %scan3A_34 to %scan3A_36 step %scan3A_37  : i32 {
      %mul3A_46 = arith.constant 16 : i32
      %mul3A_47 = arith.muli %scan3A_45, %mul3A_46 : i32
      %get3A = arith.index_cast %min3A_32 : i32 to index
      %get3A_48 = arith.index_cast %mul3A_47 : i32 to index
      %get3A_49 = tpu.vector_load %arg7[%get3A, %get3A_48] {strides = array<i32>} : memref<204x128xi32, #tpu.memory_space<vmem>>, vector<16xi32>,
      %sub3A = arith.constant 3 : i32
      %sub3A_50 = vector.broadcast %sub3A : i32 to vector<16xi32>
      %sub3A_51 = arith.subi %get3A_49, %sub3A_50 : vector<16xi32>
      %max3A = arith.constant 0 : i32
      %max3A_52 = vector.broadcast %max3A : i32 to vector<16xi32>
      %max3A_53 = arith.maxsi %sub3A_51, %max3A_52 : vector<16xi32>
      %gather3A = tpu.vector_load_idx %arg6[%max3A_53] : memref<8000xi32, #tpu.memory_space<vmem>>[vector<16xi32>], vector<16xi32>,
      %lt3A = arith.constant 3 : i32
      %lt3A_54 = vector.broadcast %lt3A : i32 to vector<16xi32>
      %lt3A_55 = arith.cmpi slt, %get3A_49, %lt3A_54 : vector<16xi32>
      %add3A_56 = arith.constant 10240 : i32
      %add3A_57 = vector.broadcast %add3A_56 : i32 to vector<16xi32>
      %add3A_58 = arith.addi %get3A_49, %add3A_57 : vector<16xi32>
      %select_n3A = arith.select %lt3A_55, %add3A_58, %gather3A : vector<16xi1>, vector<16xi32>
      %mul3A_59 = arith.constant 16 : i32
      %mul3A_60 = arith.muli %scan3A_45, %mul3A_59 : i32
      %swap3A = arith.constant 3 : i32
      %swap3A_61 = arith.index_cast %swap3A : i32 to index
      %swap3A_62 = arith.index_cast %mul3A_60 : i32 to index
      %swap3A_63 = tpu.vector_load %arg7[%swap3A_61, %swap3A_62] {strides = array<i32>} : memref<204x128xi32, #tpu.memory_space<vmem>>, vector<16xi32>,
      tpu.vector_store %arg7[%swap3A_61, %swap3A_62], %select_n3A {strides = array<i32>} : memref<204x128xi32, #tpu.memory_space<vmem>>, vector<16xi32>,
    }
    %scan3A_38 = arith.constant 8 : i32
    %scan3A_39 = arith.constant 0 : i32
    %scan3A_40 = arith.constant 0 : i32
    %scan3A_41 = arith.constant 50 : i32
    %scan3A_42 = arith.addi %scan3A_40, %scan3A_41 : i32
    %scan3A_43 = arith.constant 1 : i32
    scf.for %scan3A_45 = %scan3A_40 to %scan3A_42 step %scan3A_43  : i32 {
      %mul3A_46 = arith.constant 4 : i32
      %mul3A_47 = arith.muli %mul3A_46, %scan3A_45 : i32
      %add3A_48 = arith.constant 0 : i32
      %add3A_49 = arith.addi %mul3A_47, %add3A_48 : i32
      %dma_start3A = arith.constant 0 : i32
      %dma_start3A_50 = arith.constant 0 : i32
      %dma_start3A_51 = tpu.memref_slice %arg8[%dma_start3A, %dma_start3A_50] : memref<512x128xf32, #tpu.memory_space<vmem>> -> memref<128x128xf32, #tpu.memory_space<vmem>>
      %dma_start3A_52 = arith.constant 0 : i32
      %dma_start3A_53 = tpu.memref_slice %arg7[%add3A_49, %dma_start3A_52] : memref<204x128xi32, #tpu.memory_space<vmem>> -> memref<1x128xi32, #tpu.memory_space<vmem>>
      %dma_start3A_54 = tpu.memref_squeeze %dma_start3A_53 : memref<1x128xi32, #tpu.memory_space<vmem>> -> memref<128xi32, #tpu.memory_space<vmem>>
      %dma_start3A_55 = arith.constant 0 : i32
      %dma_start3A_56 = arith.constant 0 : i32
      %dma_start3A_57 = tpu.memref_slice %arg2[%dma_start3A_55, %dma_start3A_56] : memref<11520x128xf32, #tpu.memory_space<hbm>> -> memref<11520x128xf32, #tpu.memory_space<hbm>>
      tpu.enqueue_indirect_dma source(%dma_start3A_57 : memref<11520x128xf32, #tpu.memory_space<hbm>>) target(%dma_start3A_51 : memref<128x128xf32, #tpu.memory_space<vmem>>) offsets(%dma_start3A_54 : memref<128xi32, #tpu.memory_space<vmem>>) semaphore(%arg9 : memref<!tpu.dma_semaphore, #tpu.memory_space<semaphore_mem>>)
      %add3A_58 = arith.constant 1 : i32
      %add3A_59 = arith.addi %mul3A_47, %add3A_58 : i32
      %dma_start3A_60 = arith.constant 128 : i32
      %dma_start3A_61 = arith.constant 0 : i32
      %dma_start3A_62 = tpu.memref_slice %arg8[%dma_start3A_60, %dma_start3A_61] : memref<512x128xf32, #tpu.memory_space<vmem>> -> memref<128x128xf32, #tpu.memory_space<vmem>>
      %dma_start3A_63 = arith.constant 0 : i32
      %dma_start3A_64 = tpu.memref_slice %arg7[%add3A_59, %dma_start3A_63] : memref<204x128xi32, #tpu.memory_space<vmem>> -> memref<1x128xi32, #tpu.memory_space<vmem>>
      %dma_start3A_65 = tpu.memref_squeeze %dma_start3A_64 : memref<1x128xi32, #tpu.memory_space<vmem>> -> memref<128xi32, #tpu.memory_space<vmem>>
      %dma_start3A_66 = arith.constant 0 : i32
      %dma_start3A_67 = arith.constant 0 : i32
      %dma_start3A_68 = tpu.memref_slice %arg2[%dma_start3A_66, %dma_start3A_67] : memref<11520x128xf32, #tpu.memory_space<hbm>> -> memref<11520x128xf32, #tpu.memory_space<hbm>>
      tpu.enqueue_indirect_dma source(%dma_start3A_68 : memref<11520x128xf32, #tpu.memory_space<hbm>>) target(%dma_start3A_62 : memref<128x128xf32, #tpu.memory_space<vmem>>) offsets(%dma_start3A_65 : memref<128xi32, #tpu.memory_space<vmem>>) semaphore(%arg10 : memref<!tpu.dma_semaphore, #tpu.memory_space<semaphore_mem>>)
      %add3A_69 = arith.constant 2 : i32
      %add3A_70 = arith.addi %mul3A_47, %add3A_69 : i32
      %dma_start3A_71 = arith.constant 256 : i32
      %dma_start3A_72 = arith.constant 0 : i32
      %dma_start3A_73 = tpu.memref_slice %arg8[%dma_start3A_71, %dma_start3A_72] : memref<512x128xf32, #tpu.memory_space<vmem>> -> memref<128x128xf32, #tpu.memory_space<vmem>>
      %dma_start3A_74 = arith.constant 0 : i32
      %dma_start3A_75 = tpu.memref_slice %arg7[%add3A_70, %dma_start3A_74] : memref<204x128xi32, #tpu.memory_space<vmem>> -> memref<1x128xi32, #tpu.memory_space<vmem>>
      %dma_start3A_76 = tpu.memref_squeeze %dma_start3A_75 : memref<1x128xi32, #tpu.memory_space<vmem>> -> memref<128xi32, #tpu.memory_space<vmem>>
      %dma_start3A_77 = arith.constant 0 : i32
      %dma_start3A_78 = arith.constant 0 : i32
      %dma_start3A_79 = tpu.memref_slice %arg2[%dma_start3A_77, %dma_start3A_78] : memref<11520x128xf32, #tpu.memory_space<hbm>> -> memref<11520x128xf32, #tpu.memory_space<hbm>>
      tpu.enqueue_indirect_dma source(%dma_start3A_79 : memref<11520x128xf32, #tpu.memory_space<hbm>>) target(%dma_start3A_73 : memref<128x128xf32, #tpu.memory_space<vmem>>) offsets(%dma_start3A_76 : memref<128xi32, #tpu.memory_space<vmem>>) semaphore(%arg11 : memref<!tpu.dma_semaphore, #tpu.memory_space<semaphore_mem>>)
      %add3A_80 = arith.constant 3 : i32
      %add3A_81 = arith.addi %mul3A_47, %add3A_80 : i32
      %dma_start3A_82 = arith.constant 384 : i32
      %dma_start3A_83 = arith.constant 0 : i32
      %dma_start3A_84 = tpu.memref_slice %arg8[%dma_start3A_82, %dma_start3A_83] : memref<512x128xf32, #tpu.memory_space<vmem>> -> memref<128x128xf32, #tpu.memory_space<vmem>>
      %dma_start3A_85 = arith.constant 0 : i32
      %dma_start3A_86 = tpu.memref_slice %arg7[%add3A_81, %dma_start3A_85] : memref<204x128xi32, #tpu.memory_space<vmem>> -> memref<1x128xi32, #tpu.memory_space<vmem>>
      %dma_start3A_87 = tpu.memref_squeeze %dma_start3A_86 : memref<1x128xi32, #tpu.memory_space<vmem>> -> memref<128xi32, #tpu.memory_space<vmem>>
      %dma_start3A_88 = arith.constant 0 : i32
      %dma_start3A_89 = arith.constant 0 : i32
      %dma_start3A_90 = tpu.memref_slice %arg2[%dma_start3A_88, %dma_start3A_89] : memref<11520x128xf32, #tpu.memory_space<hbm>> -> memref<11520x128xf32, #tpu.memory_space<hbm>>
      tpu.enqueue_indirect_dma source(%dma_start3A_90 : memref<11520x128xf32, #tpu.memory_space<hbm>>) target(%dma_start3A_84 : memref<128x128xf32, #tpu.memory_space<vmem>>) offsets(%dma_start3A_87 : memref<128xi32, #tpu.memory_space<vmem>>) semaphore(%arg12 : memref<!tpu.dma_semaphore, #tpu.memory_space<semaphore_mem>>)
      %add3A_91 = arith.constant 4 : i32
      %add3A_92 = arith.addi %mul3A_47, %add3A_91 : i32
      %add3A_93 = arith.constant 0 : i32
      %add3A_94 = arith.addi %add3A_92, %add3A_93 : i32
      %min3A_95 = arith.constant 199 : i32
      %min3A_96 = arith.minsi %add3A_94, %min3A_95 : i32
      %scan3A_97 = arith.constant 0 : i32
      %scan3A_98 = arith.constant 0 : i32
      %scan3A_99 = arith.constant 8 : i32
      %scan3A_100 = arith.addi %scan3A_98, %scan3A_99 : i32
      %scan3A_101 = arith.constant 1 : i32
      scf.for %scan3A_185 = %scan3A_98 to %scan3A_100 step %scan3A_101  : i32 {
        %mul3A_186 = arith.constant 16 : i32
        %mul3A_187 = arith.muli %scan3A_185, %mul3A_186 : i32
        %get3A = arith.index_cast %min3A_96 : i32 to index
        %get3A_188 = arith.index_cast %mul3A_187 : i32 to index
        %get3A_189 = tpu.vector_load %arg7[%get3A, %get3A_188] {strides = array<i32>} : memref<204x128xi32, #tpu.memory_space<vmem>>, vector<16xi32>,
        %sub3A = arith.constant 3 : i32
        %sub3A_190 = vector.broadcast %sub3A : i32 to vector<16xi32>
        %sub3A_191 = arith.subi %get3A_189, %sub3A_190 : vector<16xi32>
        %max3A = arith.constant 0 : i32
        %max3A_192 = vector.broadcast %max3A : i32 to vector<16xi32>
        %max3A_193 = arith.maxsi %sub3A_191, %max3A_192 : vector<16xi32>
        %gather3A = tpu.vector_load_idx %arg6[%max3A_193] : memref<8000xi32, #tpu.memory_space<vmem>>[vector<16xi32>], vector<16xi32>,
        %lt3A = arith.constant 3 : i32
        %lt3A_194 = vector.broadcast %lt3A : i32 to vector<16xi32>
        %lt3A_195 = arith.cmpi slt, %get3A_189, %lt3A_194 : vector<16xi32>
        %add3A_196 = arith.constant 10240 : i32
        %add3A_197 = vector.broadcast %add3A_196 : i32 to vector<16xi32>
        %add3A_198 = arith.addi %get3A_189, %add3A_197 : vector<16xi32>
        %select_n3A = arith.select %lt3A_195, %add3A_198, %gather3A : vector<16xi1>, vector<16xi32>
        %mul3A_199 = arith.constant 16 : i32
        %mul3A_200 = arith.muli %scan3A_185, %mul3A_199 : i32
        %swap3A = arith.index_cast %add3A_94 : i32 to index
        %swap3A_201 = arith.index_cast %mul3A_200 : i32 to index
        %swap3A_202 = tpu.vector_load %arg7[%swap3A, %swap3A_201] {strides = array<i32>} : memref<204x128xi32, #tpu.memory_space<vmem>>, vector<16xi32>,
        tpu.vector_store %arg7[%swap3A, %swap3A_201], %select_n3A {strides = array<i32>} : memref<204x128xi32, #tpu.memory_space<vmem>>, vector<16xi32>,
      }
      %scan3A_102 = arith.constant 8 : i32
      %add3A_103 = arith.constant 4 : i32
      %add3A_104 = arith.addi %mul3A_47, %add3A_103 : i32
      %add3A_105 = arith.constant 1 : i32
      %add3A_106 = arith.addi %add3A_104, %add3A_105 : i32
      %min3A_107 = arith.constant 199 : i32
      %min3A_108 = arith.minsi %add3A_106, %min3A_107 : i32
      %scan3A_109 = arith.constant 0 : i32
      %scan3A_110 = arith.constant 0 : i32
      %scan3A_111 = arith.constant 8 : i32
      %scan3A_112 = arith.addi %scan3A_110, %scan3A_111 : i32
      %scan3A_113 = arith.constant 1 : i32
      scf.for %scan3A_185 = %scan3A_110 to %scan3A_112 step %scan3A_113  : i32 {
        %mul3A_186 = arith.constant 16 : i32
        %mul3A_187 = arith.muli %scan3A_185, %mul3A_186 : i32
        %get3A = arith.index_cast %min3A_108 : i32 to index
        %get3A_188 = arith.index_cast %mul3A_187 : i32 to index
        %get3A_189 = tpu.vector_load %arg7[%get3A, %get3A_188] {strides = array<i32>} : memref<204x128xi32, #tpu.memory_space<vmem>>, vector<16xi32>,
        %sub3A = arith.constant 3 : i32
        %sub3A_190 = vector.broadcast %sub3A : i32 to vector<16xi32>
        %sub3A_191 = arith.subi %get3A_189, %sub3A_190 : vector<16xi32>
        %max3A = arith.constant 0 : i32
        %max3A_192 = vector.broadcast %max3A : i32 to vector<16xi32>
        %max3A_193 = arith.maxsi %sub3A_191, %max3A_192 : vector<16xi32>
        %gather3A = tpu.vector_load_idx %arg6[%max3A_193] : memref<8000xi32, #tpu.memory_space<vmem>>[vector<16xi32>], vector<16xi32>,
        %lt3A = arith.constant 3 : i32
        %lt3A_194 = vector.broadcast %lt3A : i32 to vector<16xi32>
        %lt3A_195 = arith.cmpi slt, %get3A_189, %lt3A_194 : vector<16xi32>
        %add3A_196 = arith.constant 10240 : i32
        %add3A_197 = vector.broadcast %add3A_196 : i32 to vector<16xi32>
        %add3A_198 = arith.addi %get3A_189, %add3A_197 : vector<16xi32>
        %select_n3A = arith.select %lt3A_195, %add3A_198, %gather3A : vector<16xi1>, vector<16xi32>
        %mul3A_199 = arith.constant 16 : i32
        %mul3A_200 = arith.muli %scan3A_185, %mul3A_199 : i32
        %swap3A = arith.index_cast %add3A_106 : i32 to index
        %swap3A_201 = arith.index_cast %mul3A_200 : i32 to index
        %swap3A_202 = tpu.vector_load %arg7[%swap3A, %swap3A_201] {strides = array<i32>} : memref<204x128xi32, #tpu.memory_space<vmem>>, vector<16xi32>,
        tpu.vector_store %arg7[%swap3A, %swap3A_201], %select_n3A {strides = array<i32>} : memref<204x128xi32, #tpu.memory_space<vmem>>, vector<16xi32>,
      }
      %scan3A_114 = arith.constant 8 : i32
      %add3A_115 = arith.constant 4 : i32
      %add3A_116 = arith.addi %mul3A_47, %add3A_115 : i32
      %add3A_117 = arith.constant 2 : i32
      %add3A_118 = arith.addi %add3A_116, %add3A_117 : i32
      %min3A_119 = arith.constant 199 : i32
      %min3A_120 = arith.minsi %add3A_118, %min3A_119 : i32
      %scan3A_121 = arith.constant 0 : i32
      %scan3A_122 = arith.constant 0 : i32
      %scan3A_123 = arith.constant 8 : i32
      %scan3A_124 = arith.addi %scan3A_122, %scan3A_123 : i32
      %scan3A_125 = arith.constant 1 : i32
      scf.for %scan3A_185 = %scan3A_122 to %scan3A_124 step %scan3A_125  : i32 {
        %mul3A_186 = arith.constant 16 : i32
        %mul3A_187 = arith.muli %scan3A_185, %mul3A_186 : i32
        %get3A = arith.index_cast %min3A_120 : i32 to index
        %get3A_188 = arith.index_cast %mul3A_187 : i32 to index
        %get3A_189 = tpu.vector_load %arg7[%get3A, %get3A_188] {strides = array<i32>} : memref<204x128xi32, #tpu.memory_space<vmem>>, vector<16xi32>,
        %sub3A = arith.constant 3 : i32
        %sub3A_190 = vector.broadcast %sub3A : i32 to vector<16xi32>
        %sub3A_191 = arith.subi %get3A_189, %sub3A_190 : vector<16xi32>
        %max3A = arith.constant 0 : i32
        %max3A_192 = vector.broadcast %max3A : i32 to vector<16xi32>
        %max3A_193 = arith.maxsi %sub3A_191, %max3A_192 : vector<16xi32>
        %gather3A = tpu.vector_load_idx %arg6[%max3A_193] : memref<8000xi32, #tpu.memory_space<vmem>>[vector<16xi32>], vector<16xi32>,
        %lt3A = arith.constant 3 : i32
        %lt3A_194 = vector.broadcast %lt3A : i32 to vector<16xi32>
        %lt3A_195 = arith.cmpi slt, %get3A_189, %lt3A_194 : vector<16xi32>
        %add3A_196 = arith.constant 10240 : i32
        %add3A_197 = vector.broadcast %add3A_196 : i32 to vector<16xi32>
        %add3A_198 = arith.addi %get3A_189, %add3A_197 : vector<16xi32>
        %select_n3A = arith.select %lt3A_195, %add3A_198, %gather3A : vector<16xi1>, vector<16xi32>
        %mul3A_199 = arith.constant 16 : i32
        %mul3A_200 = arith.muli %scan3A_185, %mul3A_199 : i32
        %swap3A = arith.index_cast %add3A_118 : i32 to index
        %swap3A_201 = arith.index_cast %mul3A_200 : i32 to index
        %swap3A_202 = tpu.vector_load %arg7[%swap3A, %swap3A_201] {strides = array<i32>} : memref<204x128xi32, #tpu.memory_space<vmem>>, vector<16xi32>,
        tpu.vector_store %arg7[%swap3A, %swap3A_201], %select_n3A {strides = array<i32>} : memref<204x128xi32, #tpu.memory_space<vmem>>, vector<16xi32>,
      }
      %scan3A_126 = arith.constant 8 : i32
      %add3A_127 = arith.constant 4 : i32
      %add3A_128 = arith.addi %mul3A_47, %add3A_127 : i32
      %add3A_129 = arith.constant 3 : i32
      %add3A_130 = arith.addi %add3A_128, %add3A_129 : i32
      %min3A_131 = arith.constant 199 : i32
      %min3A_132 = arith.minsi %add3A_130, %min3A_131 : i32
      %scan3A_133 = arith.constant 0 : i32
      %scan3A_134 = arith.constant 0 : i32
      %scan3A_135 = arith.constant 8 : i32
      %scan3A_136 = arith.addi %scan3A_134, %scan3A_135 : i32
      %scan3A_137 = arith.constant 1 : i32
      scf.for %scan3A_185 = %scan3A_134 to %scan3A_136 step %scan3A_137  : i32 {
        %mul3A_186 = arith.constant 16 : i32
        %mul3A_187 = arith.muli %scan3A_185, %mul3A_186 : i32
        %get3A = arith.index_cast %min3A_132 : i32 to index
        %get3A_188 = arith.index_cast %mul3A_187 : i32 to index
        %get3A_189 = tpu.vector_load %arg7[%get3A, %get3A_188] {strides = array<i32>} : memref<204x128xi32, #tpu.memory_space<vmem>>, vector<16xi32>,
        %sub3A = arith.constant 3 : i32
        %sub3A_190 = vector.broadcast %sub3A : i32 to vector<16xi32>
        %sub3A_191 = arith.subi %get3A_189, %sub3A_190 : vector<16xi32>
        %max3A = arith.constant 0 : i32
        %max3A_192 = vector.broadcast %max3A : i32 to vector<16xi32>
        %max3A_193 = arith.maxsi %sub3A_191, %max3A_192 : vector<16xi32>
        %gather3A = tpu.vector_load_idx %arg6[%max3A_193] : memref<8000xi32, #tpu.memory_space<vmem>>[vector<16xi32>], vector<16xi32>,
        %lt3A = arith.constant 3 : i32
        %lt3A_194 = vector.broadcast %lt3A : i32 to vector<16xi32>
        %lt3A_195 = arith.cmpi slt, %get3A_189, %lt3A_194 : vector<16xi32>
        %add3A_196 = arith.constant 10240 : i32
        %add3A_197 = vector.broadcast %add3A_196 : i32 to vector<16xi32>
        %add3A_198 = arith.addi %get3A_189, %add3A_197 : vector<16xi32>
        %select_n3A = arith.select %lt3A_195, %add3A_198, %gather3A : vector<16xi1>, vector<16xi32>
        %mul3A_199 = arith.constant 16 : i32
        %mul3A_200 = arith.muli %scan3A_185, %mul3A_199 : i32
        %swap3A = arith.index_cast %add3A_130 : i32 to index
        %swap3A_201 = arith.index_cast %mul3A_200 : i32 to index
        %swap3A_202 = tpu.vector_load %arg7[%swap3A, %swap3A_201] {strides = array<i32>} : memref<204x128xi32, #tpu.memory_space<vmem>>, vector<16xi32>,
        tpu.vector_store %arg7[%swap3A, %swap3A_201], %select_n3A {strides = array<i32>} : memref<204x128xi32, #tpu.memory_space<vmem>>, vector<16xi32>,
      }
      %scan3A_138 = arith.constant 8 : i32
      %dma_wait3A = arith.constant 0 : i32
      %dma_wait3A_139 = arith.constant 0 : i32
      %dma_wait3A_140 = tpu.memref_slice %arg8[%dma_wait3A, %dma_wait3A_139] : memref<512x128xf32, #tpu.memory_space<vmem>> -> memref<128x128xf32, #tpu.memory_space<vmem>>
      %dma_wait3A_141 = arith.constant 0 : i32
      %dma_wait3A_142 = tpu.memref_slice %arg7[%add3A_49, %dma_wait3A_141] : memref<204x128xi32, #tpu.memory_space<vmem>> -> memref<1x128xi32, #tpu.memory_space<vmem>>
      %dma_wait3A_143 = tpu.memref_squeeze %dma_wait3A_142 : memref<1x128xi32, #tpu.memory_space<vmem>> -> memref<128xi32, #tpu.memory_space<vmem>>
      %dma_wait3A_144 = arith.constant 0 : i32
      %dma_wait3A_145 = arith.constant 0 : i32
      %dma_wait3A_146 = tpu.memref_slice %arg2[%dma_wait3A_144, %dma_wait3A_145] : memref<11520x128xf32, #tpu.memory_space<hbm>> -> memref<11520x128xf32, #tpu.memory_space<hbm>>
      tpu.wait_indirect_dma semaphore(%arg9 : memref<!tpu.dma_semaphore, #tpu.memory_space<semaphore_mem>>) src(%dma_wait3A_146 : memref<11520x128xf32, #tpu.memory_space<hbm>>) dst(%dma_wait3A_140 : memref<128x128xf32, #tpu.memory_space<vmem>>)
      %dma_wait3A_147 = arith.constant 128 : i32
      %dma_wait3A_148 = arith.constant 0 : i32
      %dma_wait3A_149 = tpu.memref_slice %arg8[%dma_wait3A_147, %dma_wait3A_148] : memref<512x128xf32, #tpu.memory_space<vmem>> -> memref<128x128xf32, #tpu.memory_space<vmem>>
      %dma_wait3A_150 = arith.constant 0 : i32
      %dma_wait3A_151 = tpu.memref_slice %arg7[%add3A_59, %dma_wait3A_150] : memref<204x128xi32, #tpu.memory_space<vmem>> -> memref<1x128xi32, #tpu.memory_space<vmem>>
      %dma_wait3A_152 = tpu.memref_squeeze %dma_wait3A_151 : memref<1x128xi32, #tpu.memory_space<vmem>> -> memref<128xi32, #tpu.memory_space<vmem>>
      %dma_wait3A_153 = arith.constant 0 : i32
      %dma_wait3A_154 = arith.constant 0 : i32
      %dma_wait3A_155 = tpu.memref_slice %arg2[%dma_wait3A_153, %dma_wait3A_154] : memref<11520x128xf32, #tpu.memory_space<hbm>> -> memref<11520x128xf32, #tpu.memory_space<hbm>>
      tpu.wait_indirect_dma semaphore(%arg10 : memref<!tpu.dma_semaphore, #tpu.memory_space<semaphore_mem>>) src(%dma_wait3A_155 : memref<11520x128xf32, #tpu.memory_space<hbm>>) dst(%dma_wait3A_149 : memref<128x128xf32, #tpu.memory_space<vmem>>)
      %dma_wait3A_156 = arith.constant 256 : i32
      %dma_wait3A_157 = arith.constant 0 : i32
      %dma_wait3A_158 = tpu.memref_slice %arg8[%dma_wait3A_156, %dma_wait3A_157] : memref<512x128xf32, #tpu.memory_space<vmem>> -> memref<128x128xf32, #tpu.memory_space<vmem>>
      %dma_wait3A_159 = arith.constant 0 : i32
      %dma_wait3A_160 = tpu.memref_slice %arg7[%add3A_70, %dma_wait3A_159] : memref<204x128xi32, #tpu.memory_space<vmem>> -> memref<1x128xi32, #tpu.memory_space<vmem>>
      %dma_wait3A_161 = tpu.memref_squeeze %dma_wait3A_160 : memref<1x128xi32, #tpu.memory_space<vmem>> -> memref<128xi32, #tpu.memory_space<vmem>>
      %dma_wait3A_162 = arith.constant 0 : i32
      %dma_wait3A_163 = arith.constant 0 : i32
      %dma_wait3A_164 = tpu.memref_slice %arg2[%dma_wait3A_162, %dma_wait3A_163] : memref<11520x128xf32, #tpu.memory_space<hbm>> -> memref<11520x128xf32, #tpu.memory_space<hbm>>
      tpu.wait_indirect_dma semaphore(%arg11 : memref<!tpu.dma_semaphore, #tpu.memory_space<semaphore_mem>>) src(%dma_wait3A_164 : memref<11520x128xf32, #tpu.memory_space<hbm>>) dst(%dma_wait3A_158 : memref<128x128xf32, #tpu.memory_space<vmem>>)
      %dma_wait3A_165 = arith.constant 384 : i32
      %dma_wait3A_166 = arith.constant 0 : i32
      %dma_wait3A_167 = tpu.memref_slice %arg8[%dma_wait3A_165, %dma_wait3A_166] : memref<512x128xf32, #tpu.memory_space<vmem>> -> memref<128x128xf32, #tpu.memory_space<vmem>>
      %dma_wait3A_168 = arith.constant 0 : i32
      %dma_wait3A_169 = tpu.memref_slice %arg7[%add3A_81, %dma_wait3A_168] : memref<204x128xi32, #tpu.memory_space<vmem>> -> memref<1x128xi32, #tpu.memory_space<vmem>>
      %dma_wait3A_170 = tpu.memref_squeeze %dma_wait3A_169 : memref<1x128xi32, #tpu.memory_space<vmem>> -> memref<128xi32, #tpu.memory_space<vmem>>
      %dma_wait3A_171 = arith.constant 0 : i32
      %dma_wait3A_172 = arith.constant 0 : i32
      %dma_wait3A_173 = tpu.memref_slice %arg2[%dma_wait3A_171, %dma_wait3A_172] : memref<11520x128xf32, #tpu.memory_space<hbm>> -> memref<11520x128xf32, #tpu.memory_space<hbm>>
      tpu.wait_indirect_dma semaphore(%arg12 : memref<!tpu.dma_semaphore, #tpu.memory_space<semaphore_mem>>) src(%dma_wait3A_173 : memref<11520x128xf32, #tpu.memory_space<hbm>>) dst(%dma_wait3A_167 : memref<128x128xf32, #tpu.memory_space<vmem>>)
      %mul3A_174 = arith.constant 128 : i32
      %mul3A_175 = arith.muli %mul3A_47, %mul3A_174 : i32
      %add3A_176 = arith.addi %mul3A_2, %mul3A_175 : i32
      %dma_start3A_177 = arith.constant 0 : i32
      %dma_start3A_178 = tpu.memref_slice %arg5[%add3A_176, %dma_start3A_177] : memref<819200x128xf32, #tpu.memory_space<hbm>> -> memref<512x128xf32, #tpu.memory_space<hbm>>
      %dma_start3A_179 = arith.constant 0 : i32
      %dma_start3A_180 = tpu.memref_slice %arg5[%add3A_176, %dma_start3A_179] : memref<819200x128xf32, #tpu.memory_space<hbm>> -> memref<512x128xf32, #tpu.memory_space<hbm>>
      tpu.enqueue_dma source(%arg8 : memref<512x128xf32, #tpu.memory_space<vmem>>) target(%dma_start3A_180 : memref<512x128xf32, #tpu.memory_space<hbm>>) target_semaphore(%arg13 : memref<!tpu.dma_semaphore, #tpu.memory_space<semaphore_mem>>)
      %dma_wait3A_181 = arith.constant 0 : i32
      %dma_wait3A_182 = tpu.memref_slice %arg5[%add3A_176, %dma_wait3A_181] : memref<819200x128xf32, #tpu.memory_space<hbm>> -> memref<512x128xf32, #tpu.memory_space<hbm>>
      %dma_wait3A_183 = arith.constant 0 : i32
      %dma_wait3A_184 = tpu.memref_slice %arg5[%add3A_176, %dma_wait3A_183] : memref<819200x128xf32, #tpu.memory_space<hbm>> -> memref<512x128xf32, #tpu.memory_space<hbm>>
      tpu.wait_dma2 semaphore(%arg13 : memref<!tpu.dma_semaphore, #tpu.memory_space<semaphore_mem>>) src(%arg8 : memref<512x128xf32, #tpu.memory_space<vmem>>) dst(%dma_wait3A_184 : memref<512x128xf32, #tpu.memory_space<hbm>>)
    }
    %scan3A_44 = arith.constant 50 : i32
    return
  }
}

#map = affine_map<(d0, d1) -> (0, 0)>
#map1 = affine_map<(d0, d1) -> (0, 0, 0)>
module attributes {stable_mosaic.version = 14 : i64} {
  func.func @_msg_body(%arg0: i32, %arg1: i32, %arg2: memref<10240x128xf32, #tpu.memory_space<hbm>>, %arg3: memref<1344x128xi32, #tpu.memory_space<hbm>>, %arg4: memref<1344x128xi32, #tpu.memory_space<hbm>>, %arg5: memref<2x10240x128xf32, #tpu.memory_space<hbm>>, %arg6: memref<10240x128xf32, #tpu.memory_space<vmem_shared>>, %arg7: memref<64x128xi32, #tpu.memory_space<vmem>>, %arg8: memref<64x128xi32, #tpu.memory_space<vmem>>, %arg9: memref<128x128xf32, #tpu.memory_space<vmem>>, %arg10: memref<128x128xf32, #tpu.memory_space<vmem>>, %arg11: memref<!tpu.dma_semaphore, #tpu.memory_space<semaphore_mem>>, %arg12: memref<!tpu.dma_semaphore, #tpu.memory_space<semaphore_mem>>, %arg13: memref<!tpu.dma_semaphore, #tpu.memory_space<semaphore_mem>>, %arg14: memref<!tpu.dma_semaphore, #tpu.memory_space<semaphore_mem>>) attributes {dimension_semantics = [#tpu.dimension_semantics<core_parallel>, #tpu.dimension_semantics<subcore_parallel>], iteration_bounds = array<i64: 2, 16>, scalar_prefetch = 0 : i64, scratch_operands = 9 : i64, tpu.core_type = #tpu.core_type<sc_vector_subcore>, window_params = [{transform_indices = #map}, {transform_indices = #map}, {transform_indices = #map}, {transform_indices = #map1}]} {
    %broadcast_in_dim3A = arith.constant 0.000000e+00 : f32
    %broadcast_in_dim3A_0 = vector.broadcast %broadcast_in_dim3A : f32 to vector<16xf32>
    %scan3A = arith.constant 0 : i32
    %scan3A_1 = arith.constant 0 : i32
    %scan3A_2 = arith.constant 128 : i32
    %scan3A_3 = arith.addi %scan3A_1, %scan3A_2 : i32
    %scan3A_4 = arith.constant 1 : i32
    scf.for %scan3A_103 = %scan3A_1 to %scan3A_3 step %scan3A_4  : i32 {
      %swap3A = arith.index_cast %scan3A_103 : i32 to index
      %swap3A_104 = arith.constant 0 : index
      %swap3A_105 = tpu.vector_load %arg9[%swap3A, %swap3A_104] {strides = array<i32>} : memref<128x128xf32, #tpu.memory_space<vmem>>, vector<16xf32>,
      tpu.vector_store %arg9[%swap3A, %swap3A_104], %broadcast_in_dim3A_0 {strides = array<i32>} : memref<128x128xf32, #tpu.memory_space<vmem>>, vector<16xf32>,
      %swap3A_106 = arith.index_cast %scan3A_103 : i32 to index
      %swap3A_107 = arith.constant 16 : index
      %swap3A_108 = tpu.vector_load %arg9[%swap3A_106, %swap3A_107] {strides = array<i32>} : memref<128x128xf32, #tpu.memory_space<vmem>>, vector<16xf32>,
      tpu.vector_store %arg9[%swap3A_106, %swap3A_107], %broadcast_in_dim3A_0 {strides = array<i32>} : memref<128x128xf32, #tpu.memory_space<vmem>>, vector<16xf32>,
      %swap3A_109 = arith.index_cast %scan3A_103 : i32 to index
      %swap3A_110 = arith.constant 32 : index
      %swap3A_111 = tpu.vector_load %arg9[%swap3A_109, %swap3A_110] {strides = array<i32>} : memref<128x128xf32, #tpu.memory_space<vmem>>, vector<16xf32>,
      tpu.vector_store %arg9[%swap3A_109, %swap3A_110], %broadcast_in_dim3A_0 {strides = array<i32>} : memref<128x128xf32, #tpu.memory_space<vmem>>, vector<16xf32>,
      %swap3A_112 = arith.index_cast %scan3A_103 : i32 to index
      %swap3A_113 = arith.constant 48 : index
      %swap3A_114 = tpu.vector_load %arg9[%swap3A_112, %swap3A_113] {strides = array<i32>} : memref<128x128xf32, #tpu.memory_space<vmem>>, vector<16xf32>,
      tpu.vector_store %arg9[%swap3A_112, %swap3A_113], %broadcast_in_dim3A_0 {strides = array<i32>} : memref<128x128xf32, #tpu.memory_space<vmem>>, vector<16xf32>,
      %swap3A_115 = arith.index_cast %scan3A_103 : i32 to index
      %swap3A_116 = arith.constant 64 : index
      %swap3A_117 = tpu.vector_load %arg9[%swap3A_115, %swap3A_116] {strides = array<i32>} : memref<128x128xf32, #tpu.memory_space<vmem>>, vector<16xf32>,
      tpu.vector_store %arg9[%swap3A_115, %swap3A_116], %broadcast_in_dim3A_0 {strides = array<i32>} : memref<128x128xf32, #tpu.memory_space<vmem>>, vector<16xf32>,
      %swap3A_118 = arith.index_cast %scan3A_103 : i32 to index
      %swap3A_119 = arith.constant 80 : index
      %swap3A_120 = tpu.vector_load %arg9[%swap3A_118, %swap3A_119] {strides = array<i32>} : memref<128x128xf32, #tpu.memory_space<vmem>>, vector<16xf32>,
      tpu.vector_store %arg9[%swap3A_118, %swap3A_119], %broadcast_in_dim3A_0 {strides = array<i32>} : memref<128x128xf32, #tpu.memory_space<vmem>>, vector<16xf32>,
      %swap3A_121 = arith.index_cast %scan3A_103 : i32 to index
      %swap3A_122 = arith.constant 96 : index
      %swap3A_123 = tpu.vector_load %arg9[%swap3A_121, %swap3A_122] {strides = array<i32>} : memref<128x128xf32, #tpu.memory_space<vmem>>, vector<16xf32>,
      tpu.vector_store %arg9[%swap3A_121, %swap3A_122], %broadcast_in_dim3A_0 {strides = array<i32>} : memref<128x128xf32, #tpu.memory_space<vmem>>, vector<16xf32>,
      %swap3A_124 = arith.index_cast %scan3A_103 : i32 to index
      %swap3A_125 = arith.constant 112 : index
      %swap3A_126 = tpu.vector_load %arg9[%swap3A_124, %swap3A_125] {strides = array<i32>} : memref<128x128xf32, #tpu.memory_space<vmem>>, vector<16xf32>,
      tpu.vector_store %arg9[%swap3A_124, %swap3A_125], %broadcast_in_dim3A_0 {strides = array<i32>} : memref<128x128xf32, #tpu.memory_space<vmem>>, vector<16xf32>,
    }
    %scan3A_5 = arith.constant 128 : i32
    %mul3A = arith.constant 640 : i32
    %mul3A_6 = arith.muli %arg1, %mul3A : i32
    %add3A = arith.constant 0 : i32
    %add3A_7 = arith.addi %mul3A_6, %add3A : i32
    "tpu.region"() ({
      %run_scoped3A = tpu.sem_alloc : memref<!tpu.dma_semaphore, #tpu.memory_space<semaphore_mem>>
      %dma_start3A = arith.constant 0 : i32
      %dma_start3A_103 = tpu.memref_slice %arg6[%add3A_7, %dma_start3A] : memref<10240x128xf32, #tpu.memory_space<vmem_shared>> -> memref<128x128xf32, #tpu.memory_space<vmem_shared>>
      %dma_start3A_104 = arith.constant 0 : i32
      %dma_start3A_105 = tpu.memref_slice %arg6[%add3A_7, %dma_start3A_104] : memref<10240x128xf32, #tpu.memory_space<vmem_shared>> -> memref<128x128xf32, #tpu.memory_space<vmem_shared>>
      tpu.enqueue_dma source(%arg9 : memref<128x128xf32, #tpu.memory_space<vmem>>) target(%dma_start3A_105 : memref<128x128xf32, #tpu.memory_space<vmem_shared>>) target_semaphore(%run_scoped3A : memref<!tpu.dma_semaphore, #tpu.memory_space<semaphore_mem>>)
      %dma_wait3A = arith.constant 0 : i32
      %dma_wait3A_106 = tpu.memref_slice %arg6[%add3A_7, %dma_wait3A] : memref<10240x128xf32, #tpu.memory_space<vmem_shared>> -> memref<128x128xf32, #tpu.memory_space<vmem_shared>>
      %dma_wait3A_107 = arith.constant 0 : i32
      %dma_wait3A_108 = tpu.memref_slice %arg6[%add3A_7, %dma_wait3A_107] : memref<10240x128xf32, #tpu.memory_space<vmem_shared>> -> memref<128x128xf32, #tpu.memory_space<vmem_shared>>
      tpu.wait_dma2 semaphore(%run_scoped3A : memref<!tpu.dma_semaphore, #tpu.memory_space<semaphore_mem>>) src(%arg9 : memref<128x128xf32, #tpu.memory_space<vmem>>) dst(%dma_wait3A_108 : memref<128x128xf32, #tpu.memory_space<vmem_shared>>)
      tpu.yield
    }) : () -> ()
    %mul3A_8 = arith.constant 640 : i32
    %mul3A_9 = arith.muli %arg1, %mul3A_8 : i32
    %add3A_10 = arith.constant 128 : i32
    %add3A_11 = arith.addi %mul3A_9, %add3A_10 : i32
    "tpu.region"() ({
      %run_scoped3A = tpu.sem_alloc : memref<!tpu.dma_semaphore, #tpu.memory_space<semaphore_mem>>
      %dma_start3A = arith.constant 0 : i32
      %dma_start3A_103 = tpu.memref_slice %arg6[%add3A_11, %dma_start3A] : memref<10240x128xf32, #tpu.memory_space<vmem_shared>> -> memref<128x128xf32, #tpu.memory_space<vmem_shared>>
      %dma_start3A_104 = arith.constant 0 : i32
      %dma_start3A_105 = tpu.memref_slice %arg6[%add3A_11, %dma_start3A_104] : memref<10240x128xf32, #tpu.memory_space<vmem_shared>> -> memref<128x128xf32, #tpu.memory_space<vmem_shared>>
      tpu.enqueue_dma source(%arg9 : memref<128x128xf32, #tpu.memory_space<vmem>>) target(%dma_start3A_105 : memref<128x128xf32, #tpu.memory_space<vmem_shared>>) target_semaphore(%run_scoped3A : memref<!tpu.dma_semaphore, #tpu.memory_space<semaphore_mem>>)
      %dma_wait3A = arith.constant 0 : i32
      %dma_wait3A_106 = tpu.memref_slice %arg6[%add3A_11, %dma_wait3A] : memref<10240x128xf32, #tpu.memory_space<vmem_shared>> -> memref<128x128xf32, #tpu.memory_space<vmem_shared>>
      %dma_wait3A_107 = arith.constant 0 : i32
      %dma_wait3A_108 = tpu.memref_slice %arg6[%add3A_11, %dma_wait3A_107] : memref<10240x128xf32, #tpu.memory_space<vmem_shared>> -> memref<128x128xf32, #tpu.memory_space<vmem_shared>>
      tpu.wait_dma2 semaphore(%run_scoped3A : memref<!tpu.dma_semaphore, #tpu.memory_space<semaphore_mem>>) src(%arg9 : memref<128x128xf32, #tpu.memory_space<vmem>>) dst(%dma_wait3A_108 : memref<128x128xf32, #tpu.memory_space<vmem_shared>>)
      tpu.yield
    }) : () -> ()
    %mul3A_12 = arith.constant 640 : i32
    %mul3A_13 = arith.muli %arg1, %mul3A_12 : i32
    %add3A_14 = arith.constant 256 : i32
    %add3A_15 = arith.addi %mul3A_13, %add3A_14 : i32
    "tpu.region"() ({
      %run_scoped3A = tpu.sem_alloc : memref<!tpu.dma_semaphore, #tpu.memory_space<semaphore_mem>>
      %dma_start3A = arith.constant 0 : i32
      %dma_start3A_103 = tpu.memref_slice %arg6[%add3A_15, %dma_start3A] : memref<10240x128xf32, #tpu.memory_space<vmem_shared>> -> memref<128x128xf32, #tpu.memory_space<vmem_shared>>
      %dma_start3A_104 = arith.constant 0 : i32
      %dma_start3A_105 = tpu.memref_slice %arg6[%add3A_15, %dma_start3A_104] : memref<10240x128xf32, #tpu.memory_space<vmem_shared>> -> memref<128x128xf32, #tpu.memory_space<vmem_shared>>
      tpu.enqueue_dma source(%arg9 : memref<128x128xf32, #tpu.memory_space<vmem>>) target(%dma_start3A_105 : memref<128x128xf32, #tpu.memory_space<vmem_shared>>) target_semaphore(%run_scoped3A : memref<!tpu.dma_semaphore, #tpu.memory_space<semaphore_mem>>)
      %dma_wait3A = arith.constant 0 : i32
      %dma_wait3A_106 = tpu.memref_slice %arg6[%add3A_15, %dma_wait3A] : memref<10240x128xf32, #tpu.memory_space<vmem_shared>> -> memref<128x128xf32, #tpu.memory_space<vmem_shared>>
      %dma_wait3A_107 = arith.constant 0 : i32
      %dma_wait3A_108 = tpu.memref_slice %arg6[%add3A_15, %dma_wait3A_107] : memref<10240x128xf32, #tpu.memory_space<vmem_shared>> -> memref<128x128xf32, #tpu.memory_space<vmem_shared>>
      tpu.wait_dma2 semaphore(%run_scoped3A : memref<!tpu.dma_semaphore, #tpu.memory_space<semaphore_mem>>) src(%arg9 : memref<128x128xf32, #tpu.memory_space<vmem>>) dst(%dma_wait3A_108 : memref<128x128xf32, #tpu.memory_space<vmem_shared>>)
      tpu.yield
    }) : () -> ()
    %mul3A_16 = arith.constant 640 : i32
    %mul3A_17 = arith.muli %arg1, %mul3A_16 : i32
    %add3A_18 = arith.constant 384 : i32
    %add3A_19 = arith.addi %mul3A_17, %add3A_18 : i32
    "tpu.region"() ({
      %run_scoped3A = tpu.sem_alloc : memref<!tpu.dma_semaphore, #tpu.memory_space<semaphore_mem>>
      %dma_start3A = arith.constant 0 : i32
      %dma_start3A_103 = tpu.memref_slice %arg6[%add3A_19, %dma_start3A] : memref<10240x128xf32, #tpu.memory_space<vmem_shared>> -> memref<128x128xf32, #tpu.memory_space<vmem_shared>>
      %dma_start3A_104 = arith.constant 0 : i32
      %dma_start3A_105 = tpu.memref_slice %arg6[%add3A_19, %dma_start3A_104] : memref<10240x128xf32, #tpu.memory_space<vmem_shared>> -> memref<128x128xf32, #tpu.memory_space<vmem_shared>>
      tpu.enqueue_dma source(%arg9 : memref<128x128xf32, #tpu.memory_space<vmem>>) target(%dma_start3A_105 : memref<128x128xf32, #tpu.memory_space<vmem_shared>>) target_semaphore(%run_scoped3A : memref<!tpu.dma_semaphore, #tpu.memory_space<semaphore_mem>>)
      %dma_wait3A = arith.constant 0 : i32
      %dma_wait3A_106 = tpu.memref_slice %arg6[%add3A_19, %dma_wait3A] : memref<10240x128xf32, #tpu.memory_space<vmem_shared>> -> memref<128x128xf32, #tpu.memory_space<vmem_shared>>
      %dma_wait3A_107 = arith.constant 0 : i32
      %dma_wait3A_108 = tpu.memref_slice %arg6[%add3A_19, %dma_wait3A_107] : memref<10240x128xf32, #tpu.memory_space<vmem_shared>> -> memref<128x128xf32, #tpu.memory_space<vmem_shared>>
      tpu.wait_dma2 semaphore(%run_scoped3A : memref<!tpu.dma_semaphore, #tpu.memory_space<semaphore_mem>>) src(%arg9 : memref<128x128xf32, #tpu.memory_space<vmem>>) dst(%dma_wait3A_108 : memref<128x128xf32, #tpu.memory_space<vmem_shared>>)
      tpu.yield
    }) : () -> ()
    %mul3A_20 = arith.constant 640 : i32
    %mul3A_21 = arith.muli %arg1, %mul3A_20 : i32
    %add3A_22 = arith.constant 512 : i32
    %add3A_23 = arith.addi %mul3A_21, %add3A_22 : i32
    "tpu.region"() ({
      %run_scoped3A = tpu.sem_alloc : memref<!tpu.dma_semaphore, #tpu.memory_space<semaphore_mem>>
      %dma_start3A = arith.constant 0 : i32
      %dma_start3A_103 = tpu.memref_slice %arg6[%add3A_23, %dma_start3A] : memref<10240x128xf32, #tpu.memory_space<vmem_shared>> -> memref<128x128xf32, #tpu.memory_space<vmem_shared>>
      %dma_start3A_104 = arith.constant 0 : i32
      %dma_start3A_105 = tpu.memref_slice %arg6[%add3A_23, %dma_start3A_104] : memref<10240x128xf32, #tpu.memory_space<vmem_shared>> -> memref<128x128xf32, #tpu.memory_space<vmem_shared>>
      tpu.enqueue_dma source(%arg9 : memref<128x128xf32, #tpu.memory_space<vmem>>) target(%dma_start3A_105 : memref<128x128xf32, #tpu.memory_space<vmem_shared>>) target_semaphore(%run_scoped3A : memref<!tpu.dma_semaphore, #tpu.memory_space<semaphore_mem>>)
      %dma_wait3A = arith.constant 0 : i32
      %dma_wait3A_106 = tpu.memref_slice %arg6[%add3A_23, %dma_wait3A] : memref<10240x128xf32, #tpu.memory_space<vmem_shared>> -> memref<128x128xf32, #tpu.memory_space<vmem_shared>>
      %dma_wait3A_107 = arith.constant 0 : i32
      %dma_wait3A_108 = tpu.memref_slice %arg6[%add3A_23, %dma_wait3A_107] : memref<10240x128xf32, #tpu.memory_space<vmem_shared>> -> memref<128x128xf32, #tpu.memory_space<vmem_shared>>
      tpu.wait_dma2 semaphore(%run_scoped3A : memref<!tpu.dma_semaphore, #tpu.memory_space<semaphore_mem>>) src(%arg9 : memref<128x128xf32, #tpu.memory_space<vmem>>) dst(%dma_wait3A_108 : memref<128x128xf32, #tpu.memory_space<vmem_shared>>)
      tpu.yield
    }) : () -> ()
    %eq3A = arith.constant 0 : i32
    %eq3A_24 = arith.cmpi eq, %arg0, %eq3A : i32
    %jit3A = arith.constant 64 : i32
    %jit3A_25 = arith.constant 16 : i32
    %select_n3A = arith.select %eq3A_24, %jit3A, %jit3A_25 : i32
    %eq3A_26 = arith.constant 0 : i32
    %eq3A_27 = arith.cmpi eq, %arg0, %eq3A_26 : i32
    %mul3A_28 = arith.constant 64 : i32
    %mul3A_29 = arith.muli %arg1, %mul3A_28 : i32
    %mul3A_30 = arith.constant 16 : i32
    %mul3A_31 = arith.muli %arg1, %mul3A_30 : i32
    %add3A_32 = arith.constant 1024 : i32
    %add3A_33 = arith.addi %add3A_32, %mul3A_31 : i32
    %select_n3A_34 = arith.select %eq3A_27, %mul3A_29, %add3A_33 : i32
    "tpu.region"() ({
      %run_scoped3A = tpu.sem_alloc : memref<!tpu.dma_semaphore, #tpu.memory_space<semaphore_mem>>
      %dma_start3A = arith.constant 0 : i32
      %dma_start3A_103 = arith.constant 0 : i32
      %dma_start3A_104 = tpu.memref_slice %arg7[%dma_start3A, %dma_start3A_103] : memref<64x128xi32, #tpu.memory_space<vmem>> -> memref<64x128xi32, #tpu.memory_space<vmem>>
      %dma_start3A_105 = arith.constant 0 : i32
      %dma_start3A_106 = tpu.memref_slice %arg3[%select_n3A_34, %dma_start3A_105] : memref<1344x128xi32, #tpu.memory_space<hbm>> -> memref<64x128xi32, #tpu.memory_space<hbm>>
      %dma_start3A_107 = arith.constant 0 : i32
      %dma_start3A_108 = arith.constant 0 : i32
      %dma_start3A_109 = tpu.memref_slice %arg7[%dma_start3A_107, %dma_start3A_108] : memref<64x128xi32, #tpu.memory_space<vmem>> -> memref<64x128xi32, #tpu.memory_space<vmem>>
      %dma_start3A_110 = arith.constant 0 : i32
      %dma_start3A_111 = tpu.memref_slice %arg3[%select_n3A_34, %dma_start3A_110] : memref<1344x128xi32, #tpu.memory_space<hbm>> -> memref<64x128xi32, #tpu.memory_space<hbm>>
      tpu.enqueue_dma source(%dma_start3A_111 : memref<64x128xi32, #tpu.memory_space<hbm>>) target(%dma_start3A_109 : memref<64x128xi32, #tpu.memory_space<vmem>>) target_semaphore(%run_scoped3A : memref<!tpu.dma_semaphore, #tpu.memory_space<semaphore_mem>>)
      %dma_wait3A = arith.constant 0 : i32
      %dma_wait3A_112 = arith.constant 0 : i32
      %dma_wait3A_113 = tpu.memref_slice %arg7[%dma_wait3A, %dma_wait3A_112] : memref<64x128xi32, #tpu.memory_space<vmem>> -> memref<64x128xi32, #tpu.memory_space<vmem>>
      %dma_wait3A_114 = arith.constant 0 : i32
      %dma_wait3A_115 = tpu.memref_slice %arg3[%select_n3A_34, %dma_wait3A_114] : memref<1344x128xi32, #tpu.memory_space<hbm>> -> memref<64x128xi32, #tpu.memory_space<hbm>>
      %dma_wait3A_116 = arith.constant 0 : i32
      %dma_wait3A_117 = arith.constant 0 : i32
      %dma_wait3A_118 = tpu.memref_slice %arg7[%dma_wait3A_116, %dma_wait3A_117] : memref<64x128xi32, #tpu.memory_space<vmem>> -> memref<64x128xi32, #tpu.memory_space<vmem>>
      %dma_wait3A_119 = arith.constant 0 : i32
      %dma_wait3A_120 = tpu.memref_slice %arg3[%select_n3A_34, %dma_wait3A_119] : memref<1344x128xi32, #tpu.memory_space<hbm>> -> memref<64x128xi32, #tpu.memory_space<hbm>>
      tpu.wait_dma2 semaphore(%run_scoped3A : memref<!tpu.dma_semaphore, #tpu.memory_space<semaphore_mem>>) src(%dma_wait3A_120 : memref<64x128xi32, #tpu.memory_space<hbm>>) dst(%dma_wait3A_118 : memref<64x128xi32, #tpu.memory_space<vmem>>)
      tpu.yield
    }) : () -> ()
    "tpu.region"() ({
      %run_scoped3A = tpu.sem_alloc : memref<!tpu.dma_semaphore, #tpu.memory_space<semaphore_mem>>
      %dma_start3A = arith.constant 0 : i32
      %dma_start3A_103 = arith.constant 0 : i32
      %dma_start3A_104 = tpu.memref_slice %arg8[%dma_start3A, %dma_start3A_103] : memref<64x128xi32, #tpu.memory_space<vmem>> -> memref<64x128xi32, #tpu.memory_space<vmem>>
      %dma_start3A_105 = arith.constant 0 : i32
      %dma_start3A_106 = tpu.memref_slice %arg4[%select_n3A_34, %dma_start3A_105] : memref<1344x128xi32, #tpu.memory_space<hbm>> -> memref<64x128xi32, #tpu.memory_space<hbm>>
      %dma_start3A_107 = arith.constant 0 : i32
      %dma_start3A_108 = arith.constant 0 : i32
      %dma_start3A_109 = tpu.memref_slice %arg8[%dma_start3A_107, %dma_start3A_108] : memref<64x128xi32, #tpu.memory_space<vmem>> -> memref<64x128xi32, #tpu.memory_space<vmem>>
      %dma_start3A_110 = arith.constant 0 : i32
      %dma_start3A_111 = tpu.memref_slice %arg4[%select_n3A_34, %dma_start3A_110] : memref<1344x128xi32, #tpu.memory_space<hbm>> -> memref<64x128xi32, #tpu.memory_space<hbm>>
      tpu.enqueue_dma source(%dma_start3A_111 : memref<64x128xi32, #tpu.memory_space<hbm>>) target(%dma_start3A_109 : memref<64x128xi32, #tpu.memory_space<vmem>>) target_semaphore(%run_scoped3A : memref<!tpu.dma_semaphore, #tpu.memory_space<semaphore_mem>>)
      %dma_wait3A = arith.constant 0 : i32
      %dma_wait3A_112 = arith.constant 0 : i32
      %dma_wait3A_113 = tpu.memref_slice %arg8[%dma_wait3A, %dma_wait3A_112] : memref<64x128xi32, #tpu.memory_space<vmem>> -> memref<64x128xi32, #tpu.memory_space<vmem>>
      %dma_wait3A_114 = arith.constant 0 : i32
      %dma_wait3A_115 = tpu.memref_slice %arg4[%select_n3A_34, %dma_wait3A_114] : memref<1344x128xi32, #tpu.memory_space<hbm>> -> memref<64x128xi32, #tpu.memory_space<hbm>>
      %dma_wait3A_116 = arith.constant 0 : i32
      %dma_wait3A_117 = arith.constant 0 : i32
      %dma_wait3A_118 = tpu.memref_slice %arg8[%dma_wait3A_116, %dma_wait3A_117] : memref<64x128xi32, #tpu.memory_space<vmem>> -> memref<64x128xi32, #tpu.memory_space<vmem>>
      %dma_wait3A_119 = arith.constant 0 : i32
      %dma_wait3A_120 = tpu.memref_slice %arg4[%select_n3A_34, %dma_wait3A_119] : memref<1344x128xi32, #tpu.memory_space<hbm>> -> memref<64x128xi32, #tpu.memory_space<hbm>>
      tpu.wait_dma2 semaphore(%run_scoped3A : memref<!tpu.dma_semaphore, #tpu.memory_space<semaphore_mem>>) src(%dma_wait3A_120 : memref<64x128xi32, #tpu.memory_space<hbm>>) dst(%dma_wait3A_118 : memref<64x128xi32, #tpu.memory_space<vmem>>)
      tpu.yield
    }) : () -> ()
    %barrier3A = arith.constant 0 : index
    tpu.barrier barrier_id(%barrier3A)
    %jit3A_35 = arith.constant 2 : i32
    %div3A = arith.divsi %select_n3A, %jit3A_35 : i32
    %sign3A = arith.constant 0 : i32
    %sign3A_36 = arith.cmpi sgt, %select_n3A, %sign3A : i32
    %sign3A_37 = arith.extui %sign3A_36 : i1 to i32
    %sign3A_38 = arith.constant 0 : i32
    %sign3A_39 = arith.cmpi slt, %select_n3A, %sign3A_38 : i32
    %sign3A_40 = arith.extui %sign3A_39 : i1 to i32
    %sign3A_41 = arith.subi %sign3A_37, %sign3A_40 : i32
    %sign3A_42 = arith.constant 0 : i32
    %sign3A_43 = arith.cmpi sgt, %jit3A_35, %sign3A_42 : i32
    %sign3A_44 = arith.extui %sign3A_43 : i1 to i32
    %sign3A_45 = arith.constant 0 : i32
    %sign3A_46 = arith.cmpi slt, %jit3A_35, %sign3A_45 : i32
    %sign3A_47 = arith.extui %sign3A_46 : i1 to i32
    %sign3A_48 = arith.subi %sign3A_44, %sign3A_47 : i32
    %ne3A = arith.cmpi ne, %sign3A_41, %sign3A_48 : i32
    %rem3A = arith.remsi %select_n3A, %jit3A_35 : i32
    %ne3A_49 = arith.constant 0 : i32
    %ne3A_50 = arith.cmpi ne, %rem3A, %ne3A_49 : i32
    %and3A = arith.andi %ne3A, %ne3A_50 : i1
    %sub3A = arith.constant 1 : i32
    %sub3A_51 = arith.subi %div3A, %sub3A : i32
    %select_n3A_52 = arith.select %and3A, %sub3A_51, %div3A : i32
    %while3A = arith.constant 0 : i32
    %while3A_53 = arith.constant 0 : i32
    %while3A_54 = arith.subi %select_n3A_52, %while3A_53 : i32
    %while3A_55 = arith.addi %while3A_53, %while3A_54 : i32
    %while3A_56 = arith.constant 1 : i32
    %while3A_57 = arith.divsi %while3A_54, %while3A_56 : i32
    %while3A_58 = arith.muli %while3A_57, %while3A_56 : i32
    %while3A_59 = arith.addi %while3A_53, %while3A_58 : i32
    %while3A_60 = arith.constant 1 : i32
    scf.for %while3A_103 = %while3A_53 to %while3A_59 step %while3A_60  : i32 {
      %mul3A_104 = arith.constant 2 : i32
      %mul3A_105 = arith.muli %mul3A_104, %while3A_103 : i32
      %add3A_106 = arith.constant 0 : i32
      %add3A_107 = arith.addi %mul3A_105, %add3A_106 : i32
      %dma_start3A = arith.constant 0 : i32
      %dma_start3A_108 = tpu.memref_slice %arg7[%add3A_107, %dma_start3A] : memref<64x128xi32, #tpu.memory_space<vmem>> -> memref<1x128xi32, #tpu.memory_space<vmem>>
      %dma_start3A_109 = tpu.memref_squeeze %dma_start3A_108 : memref<1x128xi32, #tpu.memory_space<vmem>> -> memref<128xi32, #tpu.memory_space<vmem>>
      %dma_start3A_110 = arith.constant 0 : i32
      %dma_start3A_111 = arith.constant 0 : i32
      %dma_start3A_112 = tpu.memref_slice %arg2[%dma_start3A_110, %dma_start3A_111] : memref<10240x128xf32, #tpu.memory_space<hbm>> -> memref<10240x128xf32, #tpu.memory_space<hbm>>
      tpu.enqueue_indirect_dma source(%dma_start3A_112 : memref<10240x128xf32, #tpu.memory_space<hbm>>) target(%arg9 : memref<128x128xf32, #tpu.memory_space<vmem>>) offsets(%dma_start3A_109 : memref<128xi32, #tpu.memory_space<vmem>>) semaphore(%arg11 : memref<!tpu.dma_semaphore, #tpu.memory_space<semaphore_mem>>)
      %add3A_113 = arith.constant 1 : i32
      %add3A_114 = arith.addi %mul3A_105, %add3A_113 : i32
      %dma_start3A_115 = arith.constant 0 : i32
      %dma_start3A_116 = tpu.memref_slice %arg7[%add3A_114, %dma_start3A_115] : memref<64x128xi32, #tpu.memory_space<vmem>> -> memref<1x128xi32, #tpu.memory_space<vmem>>
      %dma_start3A_117 = tpu.memref_squeeze %dma_start3A_116 : memref<1x128xi32, #tpu.memory_space<vmem>> -> memref<128xi32, #tpu.memory_space<vmem>>
      %dma_start3A_118 = arith.constant 0 : i32
      %dma_start3A_119 = arith.constant 0 : i32
      %dma_start3A_120 = tpu.memref_slice %arg2[%dma_start3A_118, %dma_start3A_119] : memref<10240x128xf32, #tpu.memory_space<hbm>> -> memref<10240x128xf32, #tpu.memory_space<hbm>>
      tpu.enqueue_indirect_dma source(%dma_start3A_120 : memref<10240x128xf32, #tpu.memory_space<hbm>>) target(%arg10 : memref<128x128xf32, #tpu.memory_space<vmem>>) offsets(%dma_start3A_117 : memref<128xi32, #tpu.memory_space<vmem>>) semaphore(%arg12 : memref<!tpu.dma_semaphore, #tpu.memory_space<semaphore_mem>>)
      %dma_wait3A = arith.constant 0 : i32
      %dma_wait3A_121 = tpu.memref_slice %arg7[%add3A_107, %dma_wait3A] : memref<64x128xi32, #tpu.memory_space<vmem>> -> memref<1x128xi32, #tpu.memory_space<vmem>>
      %dma_wait3A_122 = tpu.memref_squeeze %dma_wait3A_121 : memref<1x128xi32, #tpu.memory_space<vmem>> -> memref<128xi32, #tpu.memory_space<vmem>>
      %dma_wait3A_123 = arith.constant 0 : i32
      %dma_wait3A_124 = arith.constant 0 : i32
      %dma_wait3A_125 = tpu.memref_slice %arg2[%dma_wait3A_123, %dma_wait3A_124] : memref<10240x128xf32, #tpu.memory_space<hbm>> -> memref<10240x128xf32, #tpu.memory_space<hbm>>
      tpu.wait_indirect_dma semaphore(%arg11 : memref<!tpu.dma_semaphore, #tpu.memory_space<semaphore_mem>>) src(%dma_wait3A_125 : memref<10240x128xf32, #tpu.memory_space<hbm>>) dst(%arg9 : memref<128x128xf32, #tpu.memory_space<vmem>>)
      %add3A_126 = arith.constant 0 : i32
      %add3A_127 = arith.addi %mul3A_105, %add3A_126 : i32
      %dma_start3A_128 = arith.constant 0 : i32
      %dma_start3A_129 = tpu.memref_slice %arg8[%add3A_127, %dma_start3A_128] : memref<64x128xi32, #tpu.memory_space<vmem>> -> memref<1x128xi32, #tpu.memory_space<vmem>>
      %dma_start3A_130 = tpu.memref_squeeze %dma_start3A_129 : memref<1x128xi32, #tpu.memory_space<vmem>> -> memref<128xi32, #tpu.memory_space<vmem>>
      %dma_start3A_131 = arith.constant 0 : i32
      %dma_start3A_132 = arith.constant 0 : i32
      %dma_start3A_133 = tpu.memref_slice %arg6[%dma_start3A_131, %dma_start3A_132] : memref<10240x128xf32, #tpu.memory_space<vmem_shared>> -> memref<10240x128xf32, #tpu.memory_space<vmem_shared>>
      tpu.enqueue_indirect_dma source(%arg9 : memref<128x128xf32, #tpu.memory_space<vmem>>) target(%dma_start3A_133 : memref<10240x128xf32, #tpu.memory_space<vmem_shared>>) offsets(%dma_start3A_130 : memref<128xi32, #tpu.memory_space<vmem>>) semaphore(%arg13 : memref<!tpu.dma_semaphore, #tpu.memory_space<semaphore_mem>>) {add = true}
      %dma_wait3A_134 = arith.constant 0 : i32
      %dma_wait3A_135 = tpu.memref_slice %arg7[%add3A_114, %dma_wait3A_134] : memref<64x128xi32, #tpu.memory_space<vmem>> -> memref<1x128xi32, #tpu.memory_space<vmem>>
      %dma_wait3A_136 = tpu.memref_squeeze %dma_wait3A_135 : memref<1x128xi32, #tpu.memory_space<vmem>> -> memref<128xi32, #tpu.memory_space<vmem>>
      %dma_wait3A_137 = arith.constant 0 : i32
      %dma_wait3A_138 = arith.constant 0 : i32
      %dma_wait3A_139 = tpu.memref_slice %arg2[%dma_wait3A_137, %dma_wait3A_138] : memref<10240x128xf32, #tpu.memory_space<hbm>> -> memref<10240x128xf32, #tpu.memory_space<hbm>>
      tpu.wait_indirect_dma semaphore(%arg12 : memref<!tpu.dma_semaphore, #tpu.memory_space<semaphore_mem>>) src(%dma_wait3A_139 : memref<10240x128xf32, #tpu.memory_space<hbm>>) dst(%arg10 : memref<128x128xf32, #tpu.memory_space<vmem>>)
      %add3A_140 = arith.constant 1 : i32
      %add3A_141 = arith.addi %mul3A_105, %add3A_140 : i32
      %dma_start3A_142 = arith.constant 0 : i32
      %dma_start3A_143 = tpu.memref_slice %arg8[%add3A_141, %dma_start3A_142] : memref<64x128xi32, #tpu.memory_space<vmem>> -> memref<1x128xi32, #tpu.memory_space<vmem>>
      %dma_start3A_144 = tpu.memref_squeeze %dma_start3A_143 : memref<1x128xi32, #tpu.memory_space<vmem>> -> memref<128xi32, #tpu.memory_space<vmem>>
      %dma_start3A_145 = arith.constant 0 : i32
      %dma_start3A_146 = arith.constant 0 : i32
      %dma_start3A_147 = tpu.memref_slice %arg6[%dma_start3A_145, %dma_start3A_146] : memref<10240x128xf32, #tpu.memory_space<vmem_shared>> -> memref<10240x128xf32, #tpu.memory_space<vmem_shared>>
      tpu.enqueue_indirect_dma source(%arg10 : memref<128x128xf32, #tpu.memory_space<vmem>>) target(%dma_start3A_147 : memref<10240x128xf32, #tpu.memory_space<vmem_shared>>) offsets(%dma_start3A_144 : memref<128xi32, #tpu.memory_space<vmem>>) semaphore(%arg14 : memref<!tpu.dma_semaphore, #tpu.memory_space<semaphore_mem>>) {add = true}
      %dma_wait3A_148 = arith.constant 0 : i32
      %dma_wait3A_149 = tpu.memref_slice %arg8[%add3A_127, %dma_wait3A_148] : memref<64x128xi32, #tpu.memory_space<vmem>> -> memref<1x128xi32, #tpu.memory_space<vmem>>
      %dma_wait3A_150 = tpu.memref_squeeze %dma_wait3A_149 : memref<1x128xi32, #tpu.memory_space<vmem>> -> memref<128xi32, #tpu.memory_space<vmem>>
      %dma_wait3A_151 = arith.constant 0 : i32
      %dma_wait3A_152 = arith.constant 0 : i32
      %dma_wait3A_153 = tpu.memref_slice %arg6[%dma_wait3A_151, %dma_wait3A_152] : memref<10240x128xf32, #tpu.memory_space<vmem_shared>> -> memref<10240x128xf32, #tpu.memory_space<vmem_shared>>
      tpu.wait_indirect_dma semaphore(%arg13 : memref<!tpu.dma_semaphore, #tpu.memory_space<semaphore_mem>>) src(%arg9 : memref<128x128xf32, #tpu.memory_space<vmem>>) dst(%dma_wait3A_153 : memref<10240x128xf32, #tpu.memory_space<vmem_shared>>)
      %dma_wait3A_154 = arith.constant 0 : i32
      %dma_wait3A_155 = tpu.memref_slice %arg8[%add3A_141, %dma_wait3A_154] : memref<64x128xi32, #tpu.memory_space<vmem>> -> memref<1x128xi32, #tpu.memory_space<vmem>>
      %dma_wait3A_156 = tpu.memref_squeeze %dma_wait3A_155 : memref<1x128xi32, #tpu.memory_space<vmem>> -> memref<128xi32, #tpu.memory_space<vmem>>
      %dma_wait3A_157 = arith.constant 0 : i32
      %dma_wait3A_158 = arith.constant 0 : i32
      %dma_wait3A_159 = tpu.memref_slice %arg6[%dma_wait3A_157, %dma_wait3A_158] : memref<10240x128xf32, #tpu.memory_space<vmem_shared>> -> memref<10240x128xf32, #tpu.memory_space<vmem_shared>>
      tpu.wait_indirect_dma semaphore(%arg14 : memref<!tpu.dma_semaphore, #tpu.memory_space<semaphore_mem>>) src(%arg10 : memref<128x128xf32, #tpu.memory_space<vmem>>) dst(%dma_wait3A_159 : memref<10240x128xf32, #tpu.memory_space<vmem_shared>>)
    }
    %while3A_61 = arith.constant 1 : i32
    scf.for %while3A_103 = %while3A_59 to %while3A_55 step %while3A_61  : i32 {
      %mul3A_104 = arith.constant 2 : i32
      %mul3A_105 = arith.muli %mul3A_104, %while3A_103 : i32
      %add3A_106 = arith.constant 0 : i32
      %add3A_107 = arith.addi %mul3A_105, %add3A_106 : i32
      %dma_start3A = arith.constant 0 : i32
      %dma_start3A_108 = tpu.memref_slice %arg7[%add3A_107, %dma_start3A] : memref<64x128xi32, #tpu.memory_space<vmem>> -> memref<1x128xi32, #tpu.memory_space<vmem>>
      %dma_start3A_109 = tpu.memref_squeeze %dma_start3A_108 : memref<1x128xi32, #tpu.memory_space<vmem>> -> memref<128xi32, #tpu.memory_space<vmem>>
      %dma_start3A_110 = arith.constant 0 : i32
      %dma_start3A_111 = arith.constant 0 : i32
      %dma_start3A_112 = tpu.memref_slice %arg2[%dma_start3A_110, %dma_start3A_111] : memref<10240x128xf32, #tpu.memory_space<hbm>> -> memref<10240x128xf32, #tpu.memory_space<hbm>>
      tpu.enqueue_indirect_dma source(%dma_start3A_112 : memref<10240x128xf32, #tpu.memory_space<hbm>>) target(%arg9 : memref<128x128xf32, #tpu.memory_space<vmem>>) offsets(%dma_start3A_109 : memref<128xi32, #tpu.memory_space<vmem>>) semaphore(%arg11 : memref<!tpu.dma_semaphore, #tpu.memory_space<semaphore_mem>>)
      %add3A_113 = arith.constant 1 : i32
      %add3A_114 = arith.addi %mul3A_105, %add3A_113 : i32
      %dma_start3A_115 = arith.constant 0 : i32
      %dma_start3A_116 = tpu.memref_slice %arg7[%add3A_114, %dma_start3A_115] : memref<64x128xi32, #tpu.memory_space<vmem>> -> memref<1x128xi32, #tpu.memory_space<vmem>>
      %dma_start3A_117 = tpu.memref_squeeze %dma_start3A_116 : memref<1x128xi32, #tpu.memory_space<vmem>> -> memref<128xi32, #tpu.memory_space<vmem>>
      %dma_start3A_118 = arith.constant 0 : i32
      %dma_start3A_119 = arith.constant 0 : i32
      %dma_start3A_120 = tpu.memref_slice %arg2[%dma_start3A_118, %dma_start3A_119] : memref<10240x128xf32, #tpu.memory_space<hbm>> -> memref<10240x128xf32, #tpu.memory_space<hbm>>
      tpu.enqueue_indirect_dma source(%dma_start3A_120 : memref<10240x128xf32, #tpu.memory_space<hbm>>) target(%arg10 : memref<128x128xf32, #tpu.memory_space<vmem>>) offsets(%dma_start3A_117 : memref<128xi32, #tpu.memory_space<vmem>>) semaphore(%arg12 : memref<!tpu.dma_semaphore, #tpu.memory_space<semaphore_mem>>)
      %dma_wait3A = arith.constant 0 : i32
      %dma_wait3A_121 = tpu.memref_slice %arg7[%add3A_107, %dma_wait3A] : memref<64x128xi32, #tpu.memory_space<vmem>> -> memref<1x128xi32, #tpu.memory_space<vmem>>
      %dma_wait3A_122 = tpu.memref_squeeze %dma_wait3A_121 : memref<1x128xi32, #tpu.memory_space<vmem>> -> memref<128xi32, #tpu.memory_space<vmem>>
      %dma_wait3A_123 = arith.constant 0 : i32
      %dma_wait3A_124 = arith.constant 0 : i32
      %dma_wait3A_125 = tpu.memref_slice %arg2[%dma_wait3A_123, %dma_wait3A_124] : memref<10240x128xf32, #tpu.memory_space<hbm>> -> memref<10240x128xf32, #tpu.memory_space<hbm>>
      tpu.wait_indirect_dma semaphore(%arg11 : memref<!tpu.dma_semaphore, #tpu.memory_space<semaphore_mem>>) src(%dma_wait3A_125 : memref<10240x128xf32, #tpu.memory_space<hbm>>) dst(%arg9 : memref<128x128xf32, #tpu.memory_space<vmem>>)
      %add3A_126 = arith.constant 0 : i32
      %add3A_127 = arith.addi %mul3A_105, %add3A_126 : i32
      %dma_start3A_128 = arith.constant 0 : i32
      %dma_start3A_129 = tpu.memref_slice %arg8[%add3A_127, %dma_start3A_128] : memref<64x128xi32, #tpu.memory_space<vmem>> -> memref<1x128xi32, #tpu.memory_space<vmem>>
      %dma_start3A_130 = tpu.memref_squeeze %dma_start3A_129 : memref<1x128xi32, #tpu.memory_space<vmem>> -> memref<128xi32, #tpu.memory_space<vmem>>
      %dma_start3A_131 = arith.constant 0 : i32
      %dma_start3A_132 = arith.constant 0 : i32
      %dma_start3A_133 = tpu.memref_slice %arg6[%dma_start3A_131, %dma_start3A_132] : memref<10240x128xf32, #tpu.memory_space<vmem_shared>> -> memref<10240x128xf32, #tpu.memory_space<vmem_shared>>
      tpu.enqueue_indirect_dma source(%arg9 : memref<128x128xf32, #tpu.memory_space<vmem>>) target(%dma_start3A_133 : memref<10240x128xf32, #tpu.memory_space<vmem_shared>>) offsets(%dma_start3A_130 : memref<128xi32, #tpu.memory_space<vmem>>) semaphore(%arg13 : memref<!tpu.dma_semaphore, #tpu.memory_space<semaphore_mem>>) {add = true}
      %dma_wait3A_134 = arith.constant 0 : i32
      %dma_wait3A_135 = tpu.memref_slice %arg7[%add3A_114, %dma_wait3A_134] : memref<64x128xi32, #tpu.memory_space<vmem>> -> memref<1x128xi32, #tpu.memory_space<vmem>>
      %dma_wait3A_136 = tpu.memref_squeeze %dma_wait3A_135 : memref<1x128xi32, #tpu.memory_space<vmem>> -> memref<128xi32, #tpu.memory_space<vmem>>
      %dma_wait3A_137 = arith.constant 0 : i32
      %dma_wait3A_138 = arith.constant 0 : i32
      %dma_wait3A_139 = tpu.memref_slice %arg2[%dma_wait3A_137, %dma_wait3A_138] : memref<10240x128xf32, #tpu.memory_space<hbm>> -> memref<10240x128xf32, #tpu.memory_space<hbm>>
      tpu.wait_indirect_dma semaphore(%arg12 : memref<!tpu.dma_semaphore, #tpu.memory_space<semaphore_mem>>) src(%dma_wait3A_139 : memref<10240x128xf32, #tpu.memory_space<hbm>>) dst(%arg10 : memref<128x128xf32, #tpu.memory_space<vmem>>)
      %add3A_140 = arith.constant 1 : i32
      %add3A_141 = arith.addi %mul3A_105, %add3A_140 : i32
      %dma_start3A_142 = arith.constant 0 : i32
      %dma_start3A_143 = tpu.memref_slice %arg8[%add3A_141, %dma_start3A_142] : memref<64x128xi32, #tpu.memory_space<vmem>> -> memref<1x128xi32, #tpu.memory_space<vmem>>
      %dma_start3A_144 = tpu.memref_squeeze %dma_start3A_143 : memref<1x128xi32, #tpu.memory_space<vmem>> -> memref<128xi32, #tpu.memory_space<vmem>>
      %dma_start3A_145 = arith.constant 0 : i32
      %dma_start3A_146 = arith.constant 0 : i32
      %dma_start3A_147 = tpu.memref_slice %arg6[%dma_start3A_145, %dma_start3A_146] : memref<10240x128xf32, #tpu.memory_space<vmem_shared>> -> memref<10240x128xf32, #tpu.memory_space<vmem_shared>>
      tpu.enqueue_indirect_dma source(%arg10 : memref<128x128xf32, #tpu.memory_space<vmem>>) target(%dma_start3A_147 : memref<10240x128xf32, #tpu.memory_space<vmem_shared>>) offsets(%dma_start3A_144 : memref<128xi32, #tpu.memory_space<vmem>>) semaphore(%arg14 : memref<!tpu.dma_semaphore, #tpu.memory_space<semaphore_mem>>) {add = true}
      %dma_wait3A_148 = arith.constant 0 : i32
      %dma_wait3A_149 = tpu.memref_slice %arg8[%add3A_127, %dma_wait3A_148] : memref<64x128xi32, #tpu.memory_space<vmem>> -> memref<1x128xi32, #tpu.memory_space<vmem>>
      %dma_wait3A_150 = tpu.memref_squeeze %dma_wait3A_149 : memref<1x128xi32, #tpu.memory_space<vmem>> -> memref<128xi32, #tpu.memory_space<vmem>>
      %dma_wait3A_151 = arith.constant 0 : i32
      %dma_wait3A_152 = arith.constant 0 : i32
      %dma_wait3A_153 = tpu.memref_slice %arg6[%dma_wait3A_151, %dma_wait3A_152] : memref<10240x128xf32, #tpu.memory_space<vmem_shared>> -> memref<10240x128xf32, #tpu.memory_space<vmem_shared>>
      tpu.wait_indirect_dma semaphore(%arg13 : memref<!tpu.dma_semaphore, #tpu.memory_space<semaphore_mem>>) src(%arg9 : memref<128x128xf32, #tpu.memory_space<vmem>>) dst(%dma_wait3A_153 : memref<10240x128xf32, #tpu.memory_space<vmem_shared>>)
      %dma_wait3A_154 = arith.constant 0 : i32
      %dma_wait3A_155 = tpu.memref_slice %arg8[%add3A_141, %dma_wait3A_154] : memref<64x128xi32, #tpu.memory_space<vmem>> -> memref<1x128xi32, #tpu.memory_space<vmem>>
      %dma_wait3A_156 = tpu.memref_squeeze %dma_wait3A_155 : memref<1x128xi32, #tpu.memory_space<vmem>> -> memref<128xi32, #tpu.memory_space<vmem>>
      %dma_wait3A_157 = arith.constant 0 : i32
      %dma_wait3A_158 = arith.constant 0 : i32
      %dma_wait3A_159 = tpu.memref_slice %arg6[%dma_wait3A_157, %dma_wait3A_158] : memref<10240x128xf32, #tpu.memory_space<vmem_shared>> -> memref<10240x128xf32, #tpu.memory_space<vmem_shared>>
      tpu.wait_indirect_dma semaphore(%arg14 : memref<!tpu.dma_semaphore, #tpu.memory_space<semaphore_mem>>) src(%arg10 : memref<128x128xf32, #tpu.memory_space<vmem>>) dst(%dma_wait3A_159 : memref<10240x128xf32, #tpu.memory_space<vmem_shared>>)
    }
    %barrier3A_62 = arith.constant 0 : index
    tpu.barrier barrier_id(%barrier3A_62)
    %mul3A_63 = arith.constant 640 : i32
    %mul3A_64 = arith.muli %arg1, %mul3A_63 : i32
    %add3A_65 = arith.constant 0 : i32
    %add3A_66 = arith.addi %mul3A_64, %add3A_65 : i32
    "tpu.region"() ({
      %run_scoped3A = tpu.sem_alloc : memref<!tpu.dma_semaphore, #tpu.memory_space<semaphore_mem>>
      %dma_start3A = arith.constant 0 : i32
      %dma_start3A_103 = tpu.memref_slice %arg6[%add3A_66, %dma_start3A] : memref<10240x128xf32, #tpu.memory_space<vmem_shared>> -> memref<128x128xf32, #tpu.memory_space<vmem_shared>>
      %dma_start3A_104 = arith.constant 0 : i32
      %dma_start3A_105 = tpu.memref_slice %arg6[%add3A_66, %dma_start3A_104] : memref<10240x128xf32, #tpu.memory_space<vmem_shared>> -> memref<128x128xf32, #tpu.memory_space<vmem_shared>>
      tpu.enqueue_dma source(%dma_start3A_105 : memref<128x128xf32, #tpu.memory_space<vmem_shared>>) target(%arg9 : memref<128x128xf32, #tpu.memory_space<vmem>>) target_semaphore(%run_scoped3A : memref<!tpu.dma_semaphore, #tpu.memory_space<semaphore_mem>>)
      %dma_wait3A = arith.constant 0 : i32
      %dma_wait3A_106 = tpu.memref_slice %arg6[%add3A_66, %dma_wait3A] : memref<10240x128xf32, #tpu.memory_space<vmem_shared>> -> memref<128x128xf32, #tpu.memory_space<vmem_shared>>
      %dma_wait3A_107 = arith.constant 0 : i32
      %dma_wait3A_108 = tpu.memref_slice %arg6[%add3A_66, %dma_wait3A_107] : memref<10240x128xf32, #tpu.memory_space<vmem_shared>> -> memref<128x128xf32, #tpu.memory_space<vmem_shared>>
      tpu.wait_dma2 semaphore(%run_scoped3A : memref<!tpu.dma_semaphore, #tpu.memory_space<semaphore_mem>>) src(%dma_wait3A_108 : memref<128x128xf32, #tpu.memory_space<vmem_shared>>) dst(%arg9 : memref<128x128xf32, #tpu.memory_space<vmem>>)
      tpu.yield
    }) : () -> ()
    %mul3A_67 = arith.constant 640 : i32
    %mul3A_68 = arith.muli %arg1, %mul3A_67 : i32
    %add3A_69 = arith.constant 0 : i32
    %add3A_70 = arith.addi %mul3A_68, %add3A_69 : i32
    "tpu.region"() ({
      %run_scoped3A = tpu.sem_alloc : memref<!tpu.dma_semaphore, #tpu.memory_space<semaphore_mem>>
      %dma_start3A = arith.constant 0 : i32
      %dma_start3A_103 = tpu.memref_slice %arg5[%arg0, %add3A_70, %dma_start3A] : memref<2x10240x128xf32, #tpu.memory_space<hbm>> -> memref<1x128x128xf32, #tpu.memory_space<hbm>>
      %dma_start3A_104 = tpu.memref_squeeze %dma_start3A_103 : memref<1x128x128xf32, #tpu.memory_space<hbm>> -> memref<128x128xf32, #tpu.memory_space<hbm>>
      %dma_start3A_105 = arith.constant 0 : i32
      %dma_start3A_106 = tpu.memref_slice %arg5[%arg0, %add3A_70, %dma_start3A_105] : memref<2x10240x128xf32, #tpu.memory_space<hbm>> -> memref<1x128x128xf32, #tpu.memory_space<hbm>>
      %dma_start3A_107 = tpu.memref_squeeze %dma_start3A_106 : memref<1x128x128xf32, #tpu.memory_space<hbm>> -> memref<128x128xf32, #tpu.memory_space<hbm>>
      tpu.enqueue_dma source(%arg9 : memref<128x128xf32, #tpu.memory_space<vmem>>) target(%dma_start3A_107 : memref<128x128xf32, #tpu.memory_space<hbm>>) target_semaphore(%run_scoped3A : memref<!tpu.dma_semaphore, #tpu.memory_space<semaphore_mem>>)
      %dma_wait3A = arith.constant 0 : i32
      %dma_wait3A_108 = tpu.memref_slice %arg5[%arg0, %add3A_70, %dma_wait3A] : memref<2x10240x128xf32, #tpu.memory_space<hbm>> -> memref<1x128x128xf32, #tpu.memory_space<hbm>>
      %dma_wait3A_109 = tpu.memref_squeeze %dma_wait3A_108 : memref<1x128x128xf32, #tpu.memory_space<hbm>> -> memref<128x128xf32, #tpu.memory_space<hbm>>
      %dma_wait3A_110 = arith.constant 0 : i32
      %dma_wait3A_111 = tpu.memref_slice %arg5[%arg0, %add3A_70, %dma_wait3A_110] : memref<2x10240x128xf32, #tpu.memory_space<hbm>> -> memref<1x128x128xf32, #tpu.memory_space<hbm>>
      %dma_wait3A_112 = tpu.memref_squeeze %dma_wait3A_111 : memref<1x128x128xf32, #tpu.memory_space<hbm>> -> memref<128x128xf32, #tpu.memory_space<hbm>>
      tpu.wait_dma2 semaphore(%run_scoped3A : memref<!tpu.dma_semaphore, #tpu.memory_space<semaphore_mem>>) src(%arg9 : memref<128x128xf32, #tpu.memory_space<vmem>>) dst(%dma_wait3A_112 : memref<128x128xf32, #tpu.memory_space<hbm>>)
      tpu.yield
    }) : () -> ()
    %mul3A_71 = arith.constant 640 : i32
    %mul3A_72 = arith.muli %arg1, %mul3A_71 : i32
    %add3A_73 = arith.constant 128 : i32
    %add3A_74 = arith.addi %mul3A_72, %add3A_73 : i32
    "tpu.region"() ({
      %run_scoped3A = tpu.sem_alloc : memref<!tpu.dma_semaphore, #tpu.memory_space<semaphore_mem>>
      %dma_start3A = arith.constant 0 : i32
      %dma_start3A_103 = tpu.memref_slice %arg6[%add3A_74, %dma_start3A] : memref<10240x128xf32, #tpu.memory_space<vmem_shared>> -> memref<128x128xf32, #tpu.memory_space<vmem_shared>>
      %dma_start3A_104 = arith.constant 0 : i32
      %dma_start3A_105 = tpu.memref_slice %arg6[%add3A_74, %dma_start3A_104] : memref<10240x128xf32, #tpu.memory_space<vmem_shared>> -> memref<128x128xf32, #tpu.memory_space<vmem_shared>>
      tpu.enqueue_dma source(%dma_start3A_105 : memref<128x128xf32, #tpu.memory_space<vmem_shared>>) target(%arg10 : memref<128x128xf32, #tpu.memory_space<vmem>>) target_semaphore(%run_scoped3A : memref<!tpu.dma_semaphore, #tpu.memory_space<semaphore_mem>>)
      %dma_wait3A = arith.constant 0 : i32
      %dma_wait3A_106 = tpu.memref_slice %arg6[%add3A_74, %dma_wait3A] : memref<10240x128xf32, #tpu.memory_space<vmem_shared>> -> memref<128x128xf32, #tpu.memory_space<vmem_shared>>
      %dma_wait3A_107 = arith.constant 0 : i32
      %dma_wait3A_108 = tpu.memref_slice %arg6[%add3A_74, %dma_wait3A_107] : memref<10240x128xf32, #tpu.memory_space<vmem_shared>> -> memref<128x128xf32, #tpu.memory_space<vmem_shared>>
      tpu.wait_dma2 semaphore(%run_scoped3A : memref<!tpu.dma_semaphore, #tpu.memory_space<semaphore_mem>>) src(%dma_wait3A_108 : memref<128x128xf32, #tpu.memory_space<vmem_shared>>) dst(%arg10 : memref<128x128xf32, #tpu.memory_space<vmem>>)
      tpu.yield
    }) : () -> ()
    %mul3A_75 = arith.constant 640 : i32
    %mul3A_76 = arith.muli %arg1, %mul3A_75 : i32
    %add3A_77 = arith.constant 128 : i32
    %add3A_78 = arith.addi %mul3A_76, %add3A_77 : i32
    "tpu.region"() ({
      %run_scoped3A = tpu.sem_alloc : memref<!tpu.dma_semaphore, #tpu.memory_space<semaphore_mem>>
      %dma_start3A = arith.constant 0 : i32
      %dma_start3A_103 = tpu.memref_slice %arg5[%arg0, %add3A_78, %dma_start3A] : memref<2x10240x128xf32, #tpu.memory_space<hbm>> -> memref<1x128x128xf32, #tpu.memory_space<hbm>>
      %dma_start3A_104 = tpu.memref_squeeze %dma_start3A_103 : memref<1x128x128xf32, #tpu.memory_space<hbm>> -> memref<128x128xf32, #tpu.memory_space<hbm>>
      %dma_start3A_105 = arith.constant 0 : i32
      %dma_start3A_106 = tpu.memref_slice %arg5[%arg0, %add3A_78, %dma_start3A_105] : memref<2x10240x128xf32, #tpu.memory_space<hbm>> -> memref<1x128x128xf32, #tpu.memory_space<hbm>>
      %dma_start3A_107 = tpu.memref_squeeze %dma_start3A_106 : memref<1x128x128xf32, #tpu.memory_space<hbm>> -> memref<128x128xf32, #tpu.memory_space<hbm>>
      tpu.enqueue_dma source(%arg10 : memref<128x128xf32, #tpu.memory_space<vmem>>) target(%dma_start3A_107 : memref<128x128xf32, #tpu.memory_space<hbm>>) target_semaphore(%run_scoped3A : memref<!tpu.dma_semaphore, #tpu.memory_space<semaphore_mem>>)
      %dma_wait3A = arith.constant 0 : i32
      %dma_wait3A_108 = tpu.memref_slice %arg5[%arg0, %add3A_78, %dma_wait3A] : memref<2x10240x128xf32, #tpu.memory_space<hbm>> -> memref<1x128x128xf32, #tpu.memory_space<hbm>>
      %dma_wait3A_109 = tpu.memref_squeeze %dma_wait3A_108 : memref<1x128x128xf32, #tpu.memory_space<hbm>> -> memref<128x128xf32, #tpu.memory_space<hbm>>
      %dma_wait3A_110 = arith.constant 0 : i32
      %dma_wait3A_111 = tpu.memref_slice %arg5[%arg0, %add3A_78, %dma_wait3A_110] : memref<2x10240x128xf32, #tpu.memory_space<hbm>> -> memref<1x128x128xf32, #tpu.memory_space<hbm>>
      %dma_wait3A_112 = tpu.memref_squeeze %dma_wait3A_111 : memref<1x128x128xf32, #tpu.memory_space<hbm>> -> memref<128x128xf32, #tpu.memory_space<hbm>>
      tpu.wait_dma2 semaphore(%run_scoped3A : memref<!tpu.dma_semaphore, #tpu.memory_space<semaphore_mem>>) src(%arg10 : memref<128x128xf32, #tpu.memory_space<vmem>>) dst(%dma_wait3A_112 : memref<128x128xf32, #tpu.memory_space<hbm>>)
      tpu.yield
    }) : () -> ()
    %mul3A_79 = arith.constant 640 : i32
    %mul3A_80 = arith.muli %arg1, %mul3A_79 : i32
    %add3A_81 = arith.constant 256 : i32
    %add3A_82 = arith.addi %mul3A_80, %add3A_81 : i32
    "tpu.region"() ({
      %run_scoped3A = tpu.sem_alloc : memref<!tpu.dma_semaphore, #tpu.memory_space<semaphore_mem>>
      %dma_start3A = arith.constant 0 : i32
      %dma_start3A_103 = tpu.memref_slice %arg6[%add3A_82, %dma_start3A] : memref<10240x128xf32, #tpu.memory_space<vmem_shared>> -> memref<128x128xf32, #tpu.memory_space<vmem_shared>>
      %dma_start3A_104 = arith.constant 0 : i32
      %dma_start3A_105 = tpu.memref_slice %arg6[%add3A_82, %dma_start3A_104] : memref<10240x128xf32, #tpu.memory_space<vmem_shared>> -> memref<128x128xf32, #tpu.memory_space<vmem_shared>>
      tpu.enqueue_dma source(%dma_start3A_105 : memref<128x128xf32, #tpu.memory_space<vmem_shared>>) target(%arg9 : memref<128x128xf32, #tpu.memory_space<vmem>>) target_semaphore(%run_scoped3A : memref<!tpu.dma_semaphore, #tpu.memory_space<semaphore_mem>>)
      %dma_wait3A = arith.constant 0 : i32
      %dma_wait3A_106 = tpu.memref_slice %arg6[%add3A_82, %dma_wait3A] : memref<10240x128xf32, #tpu.memory_space<vmem_shared>> -> memref<128x128xf32, #tpu.memory_space<vmem_shared>>
      %dma_wait3A_107 = arith.constant 0 : i32
      %dma_wait3A_108 = tpu.memref_slice %arg6[%add3A_82, %dma_wait3A_107] : memref<10240x128xf32, #tpu.memory_space<vmem_shared>> -> memref<128x128xf32, #tpu.memory_space<vmem_shared>>
      tpu.wait_dma2 semaphore(%run_scoped3A : memref<!tpu.dma_semaphore, #tpu.memory_space<semaphore_mem>>) src(%dma_wait3A_108 : memref<128x128xf32, #tpu.memory_space<vmem_shared>>) dst(%arg9 : memref<128x128xf32, #tpu.memory_space<vmem>>)
      tpu.yield
    }) : () -> ()
    %mul3A_83 = arith.constant 640 : i32
    %mul3A_84 = arith.muli %arg1, %mul3A_83 : i32
    %add3A_85 = arith.constant 256 : i32
    %add3A_86 = arith.addi %mul3A_84, %add3A_85 : i32
    "tpu.region"() ({
      %run_scoped3A = tpu.sem_alloc : memref<!tpu.dma_semaphore, #tpu.memory_space<semaphore_mem>>
      %dma_start3A = arith.constant 0 : i32
      %dma_start3A_103 = tpu.memref_slice %arg5[%arg0, %add3A_86, %dma_start3A] : memref<2x10240x128xf32, #tpu.memory_space<hbm>> -> memref<1x128x128xf32, #tpu.memory_space<hbm>>
      %dma_start3A_104 = tpu.memref_squeeze %dma_start3A_103 : memref<1x128x128xf32, #tpu.memory_space<hbm>> -> memref<128x128xf32, #tpu.memory_space<hbm>>
      %dma_start3A_105 = arith.constant 0 : i32
      %dma_start3A_106 = tpu.memref_slice %arg5[%arg0, %add3A_86, %dma_start3A_105] : memref<2x10240x128xf32, #tpu.memory_space<hbm>> -> memref<1x128x128xf32, #tpu.memory_space<hbm>>
      %dma_start3A_107 = tpu.memref_squeeze %dma_start3A_106 : memref<1x128x128xf32, #tpu.memory_space<hbm>> -> memref<128x128xf32, #tpu.memory_space<hbm>>
      tpu.enqueue_dma source(%arg9 : memref<128x128xf32, #tpu.memory_space<vmem>>) target(%dma_start3A_107 : memref<128x128xf32, #tpu.memory_space<hbm>>) target_semaphore(%run_scoped3A : memref<!tpu.dma_semaphore, #tpu.memory_space<semaphore_mem>>)
      %dma_wait3A = arith.constant 0 : i32
      %dma_wait3A_108 = tpu.memref_slice %arg5[%arg0, %add3A_86, %dma_wait3A] : memref<2x10240x128xf32, #tpu.memory_space<hbm>> -> memref<1x128x128xf32, #tpu.memory_space<hbm>>
      %dma_wait3A_109 = tpu.memref_squeeze %dma_wait3A_108 : memref<1x128x128xf32, #tpu.memory_space<hbm>> -> memref<128x128xf32, #tpu.memory_space<hbm>>
      %dma_wait3A_110 = arith.constant 0 : i32
      %dma_wait3A_111 = tpu.memref_slice %arg5[%arg0, %add3A_86, %dma_wait3A_110] : memref<2x10240x128xf32, #tpu.memory_space<hbm>> -> memref<1x128x128xf32, #tpu.memory_space<hbm>>
      %dma_wait3A_112 = tpu.memref_squeeze %dma_wait3A_111 : memref<1x128x128xf32, #tpu.memory_space<hbm>> -> memref<128x128xf32, #tpu.memory_space<hbm>>
      tpu.wait_dma2 semaphore(%run_scoped3A : memref<!tpu.dma_semaphore, #tpu.memory_space<semaphore_mem>>) src(%arg9 : memref<128x128xf32, #tpu.memory_space<vmem>>) dst(%dma_wait3A_112 : memref<128x128xf32, #tpu.memory_space<hbm>>)
      tpu.yield
    }) : () -> ()
    %mul3A_87 = arith.constant 640 : i32
    %mul3A_88 = arith.muli %arg1, %mul3A_87 : i32
    %add3A_89 = arith.constant 384 : i32
    %add3A_90 = arith.addi %mul3A_88, %add3A_89 : i32
    "tpu.region"() ({
      %run_scoped3A = tpu.sem_alloc : memref<!tpu.dma_semaphore, #tpu.memory_space<semaphore_mem>>
      %dma_start3A = arith.constant 0 : i32
      %dma_start3A_103 = tpu.memref_slice %arg6[%add3A_90, %dma_start3A] : memref<10240x128xf32, #tpu.memory_space<vmem_shared>> -> memref<128x128xf32, #tpu.memory_space<vmem_shared>>
      %dma_start3A_104 = arith.constant 0 : i32
      %dma_start3A_105 = tpu.memref_slice %arg6[%add3A_90, %dma_start3A_104] : memref<10240x128xf32, #tpu.memory_space<vmem_shared>> -> memref<128x128xf32, #tpu.memory_space<vmem_shared>>
      tpu.enqueue_dma source(%dma_start3A_105 : memref<128x128xf32, #tpu.memory_space<vmem_shared>>) target(%arg10 : memref<128x128xf32, #tpu.memory_space<vmem>>) target_semaphore(%run_scoped3A : memref<!tpu.dma_semaphore, #tpu.memory_space<semaphore_mem>>)
      %dma_wait3A = arith.constant 0 : i32
      %dma_wait3A_106 = tpu.memref_slice %arg6[%add3A_90, %dma_wait3A] : memref<10240x128xf32, #tpu.memory_space<vmem_shared>> -> memref<128x128xf32, #tpu.memory_space<vmem_shared>>
      %dma_wait3A_107 = arith.constant 0 : i32
      %dma_wait3A_108 = tpu.memref_slice %arg6[%add3A_90, %dma_wait3A_107] : memref<10240x128xf32, #tpu.memory_space<vmem_shared>> -> memref<128x128xf32, #tpu.memory_space<vmem_shared>>
      tpu.wait_dma2 semaphore(%run_scoped3A : memref<!tpu.dma_semaphore, #tpu.memory_space<semaphore_mem>>) src(%dma_wait3A_108 : memref<128x128xf32, #tpu.memory_space<vmem_shared>>) dst(%arg10 : memref<128x128xf32, #tpu.memory_space<vmem>>)
      tpu.yield
    }) : () -> ()
    %mul3A_91 = arith.constant 640 : i32
    %mul3A_92 = arith.muli %arg1, %mul3A_91 : i32
    %add3A_93 = arith.constant 384 : i32
    %add3A_94 = arith.addi %mul3A_92, %add3A_93 : i32
    "tpu.region"() ({
      %run_scoped3A = tpu.sem_alloc : memref<!tpu.dma_semaphore, #tpu.memory_space<semaphore_mem>>
      %dma_start3A = arith.constant 0 : i32
      %dma_start3A_103 = tpu.memref_slice %arg5[%arg0, %add3A_94, %dma_start3A] : memref<2x10240x128xf32, #tpu.memory_space<hbm>> -> memref<1x128x128xf32, #tpu.memory_space<hbm>>
      %dma_start3A_104 = tpu.memref_squeeze %dma_start3A_103 : memref<1x128x128xf32, #tpu.memory_space<hbm>> -> memref<128x128xf32, #tpu.memory_space<hbm>>
      %dma_start3A_105 = arith.constant 0 : i32
      %dma_start3A_106 = tpu.memref_slice %arg5[%arg0, %add3A_94, %dma_start3A_105] : memref<2x10240x128xf32, #tpu.memory_space<hbm>> -> memref<1x128x128xf32, #tpu.memory_space<hbm>>
      %dma_start3A_107 = tpu.memref_squeeze %dma_start3A_106 : memref<1x128x128xf32, #tpu.memory_space<hbm>> -> memref<128x128xf32, #tpu.memory_space<hbm>>
      tpu.enqueue_dma source(%arg10 : memref<128x128xf32, #tpu.memory_space<vmem>>) target(%dma_start3A_107 : memref<128x128xf32, #tpu.memory_space<hbm>>) target_semaphore(%run_scoped3A : memref<!tpu.dma_semaphore, #tpu.memory_space<semaphore_mem>>)
      %dma_wait3A = arith.constant 0 : i32
      %dma_wait3A_108 = tpu.memref_slice %arg5[%arg0, %add3A_94, %dma_wait3A] : memref<2x10240x128xf32, #tpu.memory_space<hbm>> -> memref<1x128x128xf32, #tpu.memory_space<hbm>>
      %dma_wait3A_109 = tpu.memref_squeeze %dma_wait3A_108 : memref<1x128x128xf32, #tpu.memory_space<hbm>> -> memref<128x128xf32, #tpu.memory_space<hbm>>
      %dma_wait3A_110 = arith.constant 0 : i32
      %dma_wait3A_111 = tpu.memref_slice %arg5[%arg0, %add3A_94, %dma_wait3A_110] : memref<2x10240x128xf32, #tpu.memory_space<hbm>> -> memref<1x128x128xf32, #tpu.memory_space<hbm>>
      %dma_wait3A_112 = tpu.memref_squeeze %dma_wait3A_111 : memref<1x128x128xf32, #tpu.memory_space<hbm>> -> memref<128x128xf32, #tpu.memory_space<hbm>>
      tpu.wait_dma2 semaphore(%run_scoped3A : memref<!tpu.dma_semaphore, #tpu.memory_space<semaphore_mem>>) src(%arg10 : memref<128x128xf32, #tpu.memory_space<vmem>>) dst(%dma_wait3A_112 : memref<128x128xf32, #tpu.memory_space<hbm>>)
      tpu.yield
    }) : () -> ()
    %mul3A_95 = arith.constant 640 : i32
    %mul3A_96 = arith.muli %arg1, %mul3A_95 : i32
    %add3A_97 = arith.constant 512 : i32
    %add3A_98 = arith.addi %mul3A_96, %add3A_97 : i32
    "tpu.region"() ({
      %run_scoped3A = tpu.sem_alloc : memref<!tpu.dma_semaphore, #tpu.memory_space<semaphore_mem>>
      %dma_start3A = arith.constant 0 : i32
      %dma_start3A_103 = tpu.memref_slice %arg6[%add3A_98, %dma_start3A] : memref<10240x128xf32, #tpu.memory_space<vmem_shared>> -> memref<128x128xf32, #tpu.memory_space<vmem_shared>>
      %dma_start3A_104 = arith.constant 0 : i32
      %dma_start3A_105 = tpu.memref_slice %arg6[%add3A_98, %dma_start3A_104] : memref<10240x128xf32, #tpu.memory_space<vmem_shared>> -> memref<128x128xf32, #tpu.memory_space<vmem_shared>>
      tpu.enqueue_dma source(%dma_start3A_105 : memref<128x128xf32, #tpu.memory_space<vmem_shared>>) target(%arg9 : memref<128x128xf32, #tpu.memory_space<vmem>>) target_semaphore(%run_scoped3A : memref<!tpu.dma_semaphore, #tpu.memory_space<semaphore_mem>>)
      %dma_wait3A = arith.constant 0 : i32
      %dma_wait3A_106 = tpu.memref_slice %arg6[%add3A_98, %dma_wait3A] : memref<10240x128xf32, #tpu.memory_space<vmem_shared>> -> memref<128x128xf32, #tpu.memory_space<vmem_shared>>
      %dma_wait3A_107 = arith.constant 0 : i32
      %dma_wait3A_108 = tpu.memref_slice %arg6[%add3A_98, %dma_wait3A_107] : memref<10240x128xf32, #tpu.memory_space<vmem_shared>> -> memref<128x128xf32, #tpu.memory_space<vmem_shared>>
      tpu.wait_dma2 semaphore(%run_scoped3A : memref<!tpu.dma_semaphore, #tpu.memory_space<semaphore_mem>>) src(%dma_wait3A_108 : memref<128x128xf32, #tpu.memory_space<vmem_shared>>) dst(%arg9 : memref<128x128xf32, #tpu.memory_space<vmem>>)
      tpu.yield
    }) : () -> ()
    %mul3A_99 = arith.constant 640 : i32
    %mul3A_100 = arith.muli %arg1, %mul3A_99 : i32
    %add3A_101 = arith.constant 512 : i32
    %add3A_102 = arith.addi %mul3A_100, %add3A_101 : i32
    "tpu.region"() ({
      %run_scoped3A = tpu.sem_alloc : memref<!tpu.dma_semaphore, #tpu.memory_space<semaphore_mem>>
      %dma_start3A = arith.constant 0 : i32
      %dma_start3A_103 = tpu.memref_slice %arg5[%arg0, %add3A_102, %dma_start3A] : memref<2x10240x128xf32, #tpu.memory_space<hbm>> -> memref<1x128x128xf32, #tpu.memory_space<hbm>>
      %dma_start3A_104 = tpu.memref_squeeze %dma_start3A_103 : memref<1x128x128xf32, #tpu.memory_space<hbm>> -> memref<128x128xf32, #tpu.memory_space<hbm>>
      %dma_start3A_105 = arith.constant 0 : i32
      %dma_start3A_106 = tpu.memref_slice %arg5[%arg0, %add3A_102, %dma_start3A_105] : memref<2x10240x128xf32, #tpu.memory_space<hbm>> -> memref<1x128x128xf32, #tpu.memory_space<hbm>>
      %dma_start3A_107 = tpu.memref_squeeze %dma_start3A_106 : memref<1x128x128xf32, #tpu.memory_space<hbm>> -> memref<128x128xf32, #tpu.memory_space<hbm>>
      tpu.enqueue_dma source(%arg9 : memref<128x128xf32, #tpu.memory_space<vmem>>) target(%dma_start3A_107 : memref<128x128xf32, #tpu.memory_space<hbm>>) target_semaphore(%run_scoped3A : memref<!tpu.dma_semaphore, #tpu.memory_space<semaphore_mem>>)
      %dma_wait3A = arith.constant 0 : i32
      %dma_wait3A_108 = tpu.memref_slice %arg5[%arg0, %add3A_102, %dma_wait3A] : memref<2x10240x128xf32, #tpu.memory_space<hbm>> -> memref<1x128x128xf32, #tpu.memory_space<hbm>>
      %dma_wait3A_109 = tpu.memref_squeeze %dma_wait3A_108 : memref<1x128x128xf32, #tpu.memory_space<hbm>> -> memref<128x128xf32, #tpu.memory_space<hbm>>
      %dma_wait3A_110 = arith.constant 0 : i32
      %dma_wait3A_111 = tpu.memref_slice %arg5[%arg0, %add3A_102, %dma_wait3A_110] : memref<2x10240x128xf32, #tpu.memory_space<hbm>> -> memref<1x128x128xf32, #tpu.memory_space<hbm>>
      %dma_wait3A_112 = tpu.memref_squeeze %dma_wait3A_111 : memref<1x128x128xf32, #tpu.memory_space<hbm>> -> memref<128x128xf32, #tpu.memory_space<hbm>>
      tpu.wait_dma2 semaphore(%run_scoped3A : memref<!tpu.dma_semaphore, #tpu.memory_space<semaphore_mem>>) src(%arg9 : memref<128x128xf32, #tpu.memory_space<vmem>>) dst(%dma_wait3A_112 : memref<128x128xf32, #tpu.memory_space<hbm>>)
      tpu.yield
    }) : () -> ()
    return
  }
}

module attributes {stable_mosaic.version = 14 : i64} {
  func.func @_tc1_body(%arg0: i32, %arg1: memref<1280x128xf32, #tpu.memory_space<vmem>>, %arg2: memref<128x128xf32, #tpu.memory_space<vmem>>, %arg3: memref<1280x2xf32, #tpu.memory_space<vmem>>, %arg4: memref<1280x128xf32, #tpu.memory_space<vmem>>) attributes {dimension_semantics = [#tpu.dimension_semantics<arbitrary>], iteration_bounds = array<i64: 8>, scalar_prefetch = 0 : i64, scratch_operands = 0 : i64, tpu.core_type = #tpu.core_type<tc>, window_params = [{transform_indices = @transform_0, window_bounds = array<i64: 1280, 128>}, {pipeline_mode = #tpu.pipeline_mode<synchronous>, transform_indices = @transform_1, window_bounds = array<i64: 128, 128>}, {transform_indices = @transform_2, window_bounds = array<i64: 1280, 2>}, {transform_indices = @transform_3, window_bounds = array<i64: 1280, 128>}]} {
    %get3A = arith.constant 0 : index
    %get3A_0 = arith.constant 0 : index
    %get3A_1 = vector.load %arg1[%get3A, %get3A_0] : memref<1280x128xf32, #tpu.memory_space<vmem>>, vector<1280x128xf32>
    %get3A_2 = arith.constant 0 : index
    %get3A_3 = arith.constant 0 : index
    %get3A_4 = vector.load %arg2[%get3A_2, %get3A_3] : memref<128x128xf32, #tpu.memory_space<vmem>>, vector<128x128xf32>
    %dot_general3A = arith.constant dense<0.000000e+00> : vector<1280x128xf32>
    %dot_general3A_5 = tpu.matmul %get3A_1, %get3A_4, %dot_general3A {dimension_numbers = #tpu.dot_dimension_numbers<[1], [0], [0], [1], [0, 0, 1, 1], [], []>, transpose_lhs_hint = false} : vector<1280x128xf32>, vector<128x128xf32>, vector<1280x128xf32> -> vector<1280x128xf32>
    %get3A_6 = arith.constant 0 : index
    %get3A_7 = arith.constant 0 : index
    %get3A_8 = vector.load %arg3[%get3A_6, %get3A_7] : memref<1280x2xf32, #tpu.memory_space<vmem>>, vector<1280x1xf32>
    %get3A_9 = arith.constant 0 : index
    %get3A_10 = arith.constant 1 : index
    %get3A_11 = vector.load %arg3[%get3A_9, %get3A_10] : memref<1280x2xf32, #tpu.memory_space<vmem>>, vector<1280x1xf32>
    %add3A = arith.addf %get3A_8, %get3A_11 : vector<1280x1xf32>
    %add3A_12 = arith.constant 1.000000e+00 : f32
    %add3A_13 = vector.broadcast %add3A_12 : f32 to vector<1280x1xf32>
    %add3A_14 = arith.addf %add3A, %add3A_13 : vector<1280x1xf32>
    %rsqrt3A = math.rsqrt %add3A_14 : vector<1280x1xf32>
    %mul3A = vector.broadcast %rsqrt3A : vector<1280x1xf32> to vector<1280x128xf32>
    %mul3A_15 = arith.mulf %dot_general3A_5, %mul3A : vector<1280x128xf32>
    %swap3A = arith.constant 0 : index
    %swap3A_16 = arith.constant 0 : index
    %swap3A_17 = vector.load %arg4[%swap3A, %swap3A_16] : memref<1280x128xf32, #tpu.memory_space<vmem>>, vector<1280x128xf32>
    tpu.vector_store %arg4[%swap3A, %swap3A_16], %mul3A_15 {strides = array<i32>} : memref<1280x128xf32, #tpu.memory_space<vmem>>, vector<1280x128xf32>,
    return
  }
  func.func @transform_0(%arg0: i32) -> (i32, i32) {
    %c0_i32 = arith.constant 0 : i32
    %c0_i32_0 = arith.constant 0 : i32
    return %arg0, %c0_i32 : i32, i32
  }
  func.func @transform_1(%arg0: i32) -> (i32, i32) {
    %c0_i32 = arith.constant 0 : i32
    %c0_i32_0 = arith.constant 0 : i32
    %c0_i32_1 = arith.constant 0 : i32
    return %c0_i32, %c0_i32_0 : i32, i32
  }
  func.func @transform_2(%arg0: i32) -> (i32, i32) {
    %c0_i32 = arith.constant 0 : i32
    %c0_i32_0 = arith.constant 0 : i32
    return %arg0, %c0_i32 : i32, i32
  }
  func.func @transform_3(%arg0: i32) -> (i32, i32) {
    %c0_i32 = arith.constant 0 : i32
    %c0_i32_0 = arith.constant 0 : i32
    return %arg0, %c0_i32 : i32, i32
  }
}

module attributes {stable_mosaic.version = 14 : i64} {
  func.func @_tc2_body(%arg0: i32, %arg1: memref<2x1280x128xf32, #tpu.memory_space<vmem>>, %arg2: memref<1280x128xf32, #tpu.memory_space<vmem>>, %arg3: memref<1280x2xf32, #tpu.memory_space<vmem>>, %arg4: memref<1280x128xf32, #tpu.memory_space<vmem>>, %arg5: memref<1x128xf32, #tpu.memory_space<vmem>>, %arg6: memref<1280x128xf32, #tpu.memory_space<vmem>>) attributes {dimension_semantics = [#tpu.dimension_semantics<arbitrary>], iteration_bounds = array<i64: 9>, scalar_prefetch = 0 : i64, scratch_operands = 0 : i64, tpu.core_type = #tpu.core_type<tc>, window_params = [{transform_indices = @transform_0, window_bounds = array<i64: 2, 1280, 128>}, {transform_indices = @transform_1, window_bounds = array<i64: 1280, 128>}, {transform_indices = @transform_2, window_bounds = array<i64: 1280, 2>}, {pipeline_mode = #tpu.pipeline_mode<synchronous>, transform_indices = @transform_3, window_bounds = array<i64: 1280, 128>}, {pipeline_mode = #tpu.pipeline_mode<synchronous>, transform_indices = @transform_4, window_bounds = array<i64: 1, 128>}, {transform_indices = @transform_5, window_bounds = array<i64: 1280, 128>}]} {
    %eq3A = arith.constant 8 : i32
    %eq3A_0 = arith.cmpi eq, %arg0, %eq3A : i32
    %convert_element_type3A = arith.extui %eq3A_0 : i1 to i32
    %cond3A = arith.constant 0 : i32
    %cond3A_1 = arith.cmpi ne, %convert_element_type3A, %cond3A : i32
    scf.if %cond3A_1 {
      %get3A = arith.constant 0 : index
      %get3A_6 = arith.constant 0 : index
      %get3A_7 = vector.load %arg4[%get3A, %get3A_6] : memref<1280x128xf32, #tpu.memory_space<vmem>>, vector<1280x128xf32>
      %swap3A = arith.constant 0 : index
      %swap3A_8 = arith.constant 0 : index
      %swap3A_9 = vector.load %arg6[%swap3A, %swap3A_8] : memref<1280x128xf32, #tpu.memory_space<vmem>>, vector<1280x128xf32>
      tpu.vector_store %arg6[%swap3A, %swap3A_8], %get3A_7 {strides = array<i32>} : memref<1280x128xf32, #tpu.memory_space<vmem>>, vector<1280x128xf32>,
    } else {
    }
    %lt3A = arith.constant 8 : i32
    %lt3A_2 = arith.cmpi slt, %arg0, %lt3A : i32
    %convert_element_type3A_3 = arith.extui %lt3A_2 : i1 to i32
    %cond3A_4 = arith.constant 0 : i32
    %cond3A_5 = arith.cmpi ne, %convert_element_type3A_3, %cond3A_4 : i32
    scf.if %cond3A_5 {
      %get3A = arith.constant 0 : index
      %get3A_6 = arith.constant 0 : index
      %get3A_7 = arith.constant 0 : index
      %get3A_8 = vector.load %arg1[%get3A, %get3A_6, %get3A_7] : memref<2x1280x128xf32, #tpu.memory_space<vmem>>, vector<1x1280x128xf32>
      %get3A_9 = vector.shape_cast %get3A_8 : vector<1x1280x128xf32> to vector<1280x128xf32>
      %get3A_10 = arith.constant 1 : index
      %get3A_11 = arith.constant 0 : index
      %get3A_12 = arith.constant 0 : index
      %get3A_13 = vector.load %arg1[%get3A_10, %get3A_11, %get3A_12] : memref<2x1280x128xf32, #tpu.memory_space<vmem>>, vector<1x1280x128xf32>
      %get3A_14 = vector.shape_cast %get3A_13 : vector<1x1280x128xf32> to vector<1280x128xf32>
      %add3A = arith.addf %get3A_9, %get3A_14 : vector<1280x128xf32>
      %get3A_15 = arith.constant 0 : index
      %get3A_16 = arith.constant 0 : index
      %get3A_17 = vector.load %arg2[%get3A_15, %get3A_16] : memref<1280x128xf32, #tpu.memory_space<vmem>>, vector<1280x128xf32>
      %add3A_18 = arith.addf %add3A, %get3A_17 : vector<1280x128xf32>
      %get3A_19 = arith.constant 0 : index
      %get3A_20 = arith.constant 0 : index
      %get3A_21 = vector.load %arg3[%get3A_19, %get3A_20] : memref<1280x2xf32, #tpu.memory_space<vmem>>, vector<1280x1xf32>
      %get3A_22 = arith.constant 0 : index
      %get3A_23 = arith.constant 1 : index
      %get3A_24 = vector.load %arg3[%get3A_22, %get3A_23] : memref<1280x2xf32, #tpu.memory_space<vmem>>, vector<1280x1xf32>
      %add3A_25 = arith.addf %get3A_21, %get3A_24 : vector<1280x1xf32>
      %add3A_26 = arith.constant 1.000000e+00 : f32
      %add3A_27 = vector.broadcast %add3A_26 : f32 to vector<1280x1xf32>
      %add3A_28 = arith.addf %add3A_25, %add3A_27 : vector<1280x1xf32>
      %rsqrt3A = math.rsqrt %add3A_28 : vector<1280x1xf32>
      %mul3A = vector.broadcast %rsqrt3A : vector<1280x1xf32> to vector<1280x128xf32>
      %mul3A_29 = arith.mulf %add3A_18, %mul3A : vector<1280x128xf32>
      %get3A_30 = arith.constant 0 : index
      %get3A_31 = arith.constant 0 : index
      %get3A_32 = vector.load %arg5[%get3A_30, %get3A_31] : memref<1x128xf32, #tpu.memory_space<vmem>>, vector<1x128xf32>
      %add3A_33 = vector.broadcast %get3A_32 : vector<1x128xf32> to vector<1280x128xf32>
      %add3A_34 = arith.addf %mul3A_29, %add3A_33 : vector<1280x128xf32>
      %swap3A = arith.constant 0 : index
      %swap3A_35 = arith.constant 0 : index
      %swap3A_36 = vector.load %arg6[%swap3A, %swap3A_35] : memref<1280x128xf32, #tpu.memory_space<vmem>>, vector<1280x128xf32>
      tpu.vector_store %arg6[%swap3A, %swap3A_35], %add3A_34 {strides = array<i32>} : memref<1280x128xf32, #tpu.memory_space<vmem>>, vector<1280x128xf32>,
    } else {
    }
    return
  }
  func.func @transform_0(%arg0: i32) -> (i32, i32, i32) {
    %min3A = arith.constant 7 : i32
    %min3A_0 = arith.minsi %arg0, %min3A : i32
    %c0_i32 = arith.constant 0 : i32
    %c0_i32_1 = arith.constant 0 : i32
    %c0_i32_2 = arith.constant 0 : i32
    return %c0_i32, %min3A_0, %c0_i32_1 : i32, i32, i32
  }
  func.func @transform_1(%arg0: i32) -> (i32, i32) {
    %min3A = arith.constant 7 : i32
    %min3A_0 = arith.minsi %arg0, %min3A : i32
    %c0_i32 = arith.constant 0 : i32
    %c0_i32_1 = arith.constant 0 : i32
    return %min3A_0, %c0_i32 : i32, i32
  }
  func.func @transform_2(%arg0: i32) -> (i32, i32) {
    %min3A = arith.constant 7 : i32
    %min3A_0 = arith.minsi %arg0, %min3A : i32
    %c0_i32 = arith.constant 0 : i32
    %c0_i32_1 = arith.constant 0 : i32
    return %min3A_0, %c0_i32 : i32, i32
  }
  func.func @transform_3(%arg0: i32) -> (i32, i32) {
    %c0_i32 = arith.constant 0 : i32
    %c0_i32_0 = arith.constant 0 : i32
    %c0_i32_1 = arith.constant 0 : i32
    return %c0_i32, %c0_i32_0 : i32, i32
  }
  func.func @transform_4(%arg0: i32) -> (i32, i32) {
    %c0_i32 = arith.constant 0 : i32
    %c0_i32_0 = arith.constant 0 : i32
    %c0_i32_1 = arith.constant 0 : i32
    return %c0_i32, %c0_i32_0 : i32, i32
  }
  func.func @transform_5(%arg0: i32) -> (i32, i32) {
    %c0_i32 = arith.constant 0 : i32
    %c0_i32_0 = arith.constant 0 : i32
    return %arg0, %c0_i32 : i32, i32
  }
}

</mosaic_0001>

<sc_bundles>
// kernel: kernel.10.cloned.1.call-start
scs
__scs_entry_jumppad:
0x0: {  	(pc) =	sbr.rel $0x88, $3  }
0x1: {  	(tag) =	ssettag $0x0;
	lr =	simm.s32 $0x1  }
0x2: {  	[smem:$0x3F9A] =	sst lr;
	_ =	strace $0xD0000000  }
0x3: {  	_ = 	snop  }
0x4: {  	_ = 	snop  }
0x5: {  	_ = 	snop  }
0x6: {  	_ = 	snop  }
0x7: {  	_ = 	snop  }
__scs_overlays_trampoline_lowered:
0x8: {  	[smem:$0x3FA9] =	sst s0  }
0x9: {  	[smem:$0x3FAA] =	sst s1  }
0xa: {  	[smem:$0x3FAB] =	sst s2  }
0xb: {  	[smem:$0x3FAC] =	sst s3  }
0xc: {  	[smem:$0x3FAD] =	sst s4  }
0xd: {  	[smem:$0x3FAE] =	sst s5  }
0xe: {  	[smem:$0x3FAF] =	sst s6  }
0xf: {  	[smem:$0x3FB0] =	sst s7  }
0x10: {  	[smem:$0x3FB1] =	sst s8  }
0x11: {  	[smem:$0x3FB2] =	sst s9;
	s0 =	simm.s32 @!p0 $0x0  }
0x12: {  	s1 =	sld [smem:$0x3F98];
	s0 =	simm.s32 @p0 $0x1  }
0x13: {  	[smem:$0x3FB3] =	sst s0;
	s0 =	simm.s32 @!p1 $0x0  }
0x14: {  	s2 =	sld [smem:$0x3F97];
	s0 =	simm.s32 @p1 $0x1  }
0x15: {  	[smem:$0x3FB4] =	sst s0;
	s0 =	simm.s32 @!p2 $0x0  }
0x16: {  	s3 =	sld [smem:$0x3FDB];
	s0 =	simm.s32 @p2 $0x1  }
0x17: {  	s4 =	simm.s32 $0x1BF5;
	[smem:$0x3FB6] =	sst s0  }
0x18: {  	s0 =	sld [smem:$0x3F99];
	_ =	swait.ge [sflag:s4], $0x0  }
0x19: {  	s7 =	sld [smem:$0x3F9A]  }
0x1a: {  	s8 =	sadd.s32 $0xFFFFE003, lr  }
0x1b: {  	s9 =	sadd.s32 $0xFFFFFEF7, lr;
	s5 =	simm.s32 $0xFFFFFFFF;
	p2 =	slt.u32 s8, $0xFFFFF086  }
0x1c: {  	p1 =	slt.u32 s9, $0xF7A;
	s5 =	simm.s32 @!p2 $0x0  }
0x1d: {  	s5 =	simm.s32 @p1 $0x1;
	p0 =	seq.s32 s7, s2  }
0x1e: {  	s7 =	smul.u32 @!p0 $0xF7A, s2;
	p2 =	seq.s32 @!p0 s5, $0x0  }
0x1f: {  	s9 =	smul.u32 $0xF7A, s1;
	s8 =	simm.s32 @!p0 $0x1BF5;
	p2 =	por !p2, p0  }
0x20: {  	[sflag:s8] =	ssyncset.s32 @!p0 $0xFFFFF086;
	s6 =	sadd.s32 @!p0 s3, s7;
	s7 =	simm.s32 @!p0 $0x108  }
0x21: {  	s3 =	sadd.s32 s3, s9;
	s6 =	sadd.s32 @!p0 $0x88, s6;
	s7 =	simm.s32 @p2 $0x1082  }
0x22: {  	[simem:s7], [sflag:s8] =	dma.local @!p0 [hbm:s6], $0xF7A  }
0x23: {  	s9 =	sor.u32 $0xD0000000, s2;
	s6 =	simm.s32 $0x108;
	_ =	swait.ge @!p0 [sflag:s8], $0x0  }
0x24: {  	s3 =	sadd.s32 $0x88, s3;
	s6 =	simm.s32 @!p1 $0x1082;
	[sflag:s4] =	ssyncset.s32 $0xFFFFF086  }
0x25: {  	[simem:s6], [sflag:s4] =	dma.local [hbm:s3], $0xF7A  }
0x26: {  	[smem:$0x3F9A] =	sst s1;
	(tag) =	ssettag s2;
	_ =	strace s9  }
0x27: {  	s1 =	sld [smem:$0x3FAA]  }
0x28: {  	s2 =	sld [smem:$0x3FAB]  }
0x29: {  	s4 =	sld [smem:$0x3FAD]  }
0x2a: {  	p0 =	seq.s32 s5, $0x0;
	s5 =	sld [smem:$0x3FAE]  }
0x2b: {  	s6 =	sld [smem:$0x3FAF]  }
0x2c: {  	s7 =	sld [smem:$0x3FB0]  }
0x2d: {  	s3 =	simm.s32 $0x108;
	s8 =	sld [smem:$0x3FB1]  }
0x2e: {  	s3 =	simm.s32 @!p0 $0x1082;
	s9 =	sld [smem:$0x3FB2]  }
0x2f: {  	lr =	sadd.s32 s0, s3;
	s0 =	sld [smem:$0x3FA9]  }
0x30: {  	s3 =	sld [smem:$0x3FAC]  }
0x31: {  	[smem:$0x3FB5] =	sst s10  }
0x32: {  	s10 =	sld [smem:$0x3FB3];
	_ =	sdelay $0x3  }
0x33: {  	p0 =	seq.s32 s10, $0x1;
	s10 =	sld [smem:$0x3FB5];
	_ =	sdelay $0x3  }
0x34: {  	[smem:$0x3FB5] =	sst s10  }
0x35: {  	s10 =	sld [smem:$0x3FB4];
	_ =	sdelay $0x3  }
0x36: {  	p1 =	seq.s32 s10, $0x1;
	s10 =	sld [smem:$0x3FB5];
	_ =	sdelay $0x3  }
0x37: {  	[smem:$0x3FB5] =	sst s10  }
0x38: {  	s10 =	sld [smem:$0x3FB6]  }
0x39: {  	_ = 	snop;
	(pc) =	sbr.ind lr, $3  }
0x3a: {  	_ = 	snop  }
0x3b: {  	_ = 	snop  }
0x3c: {  	p2 =	seq.s32 s10, $0x1;
	s10 =	sld [smem:$0x3FB5]  }
0x3d: {  	_ =	shalt  }
0x3e: {  	_ =	shalt  }
0x3f: {  	_ =	shalt  }
0x40: {  	_ =	shalt  }
0x41: {  	_ =	shalt  }
0x42: {  	_ =	shalt  }
0x43: {  	_ =	shalt  }
0x44: {  	_ =	shalt  }
0x45: {  	_ =	shalt  }
0x46: {  	_ =	shalt  }
0x47: {  	_ =	shalt  }
0x48: {  	_ =	shalt  }
0x49: {  	_ =	shalt  }
0x4a: {  	_ =	shalt  }
0x4b: {  	_ =	shalt  }
0x4c: {  	_ =	shalt  }
0x4d: {  	_ =	shalt  }
0x4e: {  	_ =	shalt  }
0x4f: {  	_ =	shalt  }
0x50: {  	_ =	shalt  }
0x51: {  	_ =	shalt  }
0x52: {  	_ =	shalt  }
0x53: {  	_ =	shalt  }
0x54: {  	_ =	shalt  }
0x55: {  	_ =	shalt  }
0x56: {  	_ =	shalt  }
0x57: {  	_ =	shalt  }
0x58: {  	_ =	shalt  }
0x59: {  	_ =	shalt  }
0x5a: {  	_ =	shalt  }
0x5b: {  	_ =	shalt  }
0x5c: {  	_ =	shalt  }
0x5d: {  	_ =	shalt  }
0x5e: {  	_ =	shalt  }
0x5f: {  	_ =	shalt  }
0x60: {  	_ =	shalt  }
0x61: {  	_ =	shalt  }
0x62: {  	_ =	shalt  }
0x63: {  	_ =	shalt  }
0x64: {  	_ =	shalt  }
0x65: {  	_ =	shalt  }
0x66: {  	_ =	shalt  }
0x67: {  	_ =	shalt  }
0x68: {  	_ =	shalt  }
0x69: {  	_ =	shalt  }
0x6a: {  	_ =	shalt  }
0x6b: {  	_ =	shalt  }
0x6c: {  	_ =	shalt  }
0x6d: {  	_ =	shalt  }
0x6e: {  	_ =	shalt  }
0x6f: {  	_ =	shalt  }
0x70: {  	_ =	shalt  }
0x71: {  	_ =	shalt  }
0x72: {  	_ =	shalt  }
0x73: {  	_ =	shalt  }
0x74: {  	_ =	shalt  }
0x75: {  	_ =	shalt  }
0x76: {  	_ =	shalt  }
0x77: {  	_ =	shalt  }
0x78: {  	_ =	shalt  }
0x79: {  	_ =	shalt  }
0x7a: {  	_ =	shalt  }
0x7b: {  	_ =	shalt  }
0x7c: {  	_ =	shalt  }
0x7d: {  	_ =	shalt  }
0x7e: {  	_ =	shalt  }
0x7f: {  	_ =	shalt  }
0x80: {  	_ =	shalt  }
0x81: {  	_ =	shalt  }
0x82: {  	_ =	shalt  }
0x83: {  	_ =	shalt  }
0x84: {  	_ =	shalt  }
0x85: {  	_ =	shalt  }
0x86: {  	_ =	shalt  }
0x87: {  	_ =	shalt  }
.Lfunc_end0:
.L_simem_size_0:
called_computation.1_lowered:
.L_overlay_start_0:
0x88: {  	s2 =	sld [smem:$0x3FD9]  }
0x89: {  	s3 =	sld [smem:$0x3FFE];
	_ =	sdelay $0x1  }
0x8a: {  	s1 =	srdreg.scid  }
0x8b: {  	s0 =	sand.u32 $0x1, s1  }
0x8c: {  	s17 =	sshll.u32 s0, $0xA;
	s2 =	sadd.s32 s3, s2  }
0x8d: {  	s2 =	sadd.s32 s2, s17  }
0x8e: {  	[smem:$0x3FC1] =	sst s2  }
0x8f: {  	_ = 	snop  }
0x90: {  	s2 =	sld [smem:$0x3FD0];
	(tm) =	ssettm $0x1  }
0x91: {  	s18 =	sld [smem:$0x3FFB];
	_ =	sdelay $0x3  }
0x92: {  	_ =	strace s18  }
0x93: {  	s3 =	sld [smem:$0x3FFC];
	_ =	sdelay $0x3  }
0x94: {  	_ =	strace s3  }
0x95: {  	s3 =	sld [smem:$0x3FFD];
	_ =	sdelay $0x3  }
0x96: {  	_ =	strace s3  }
0x97: {  	_ =	strace $0x8FFFFFFF  }
0x98: {  	s19 =	sld [smem:$0x3FDB];
	_ =	sdelay $0x1  }
0x99: {  	s4 =	simm.s32 $_scs_section_size  }
0x9a: {  	s5 =	simm.s32 $_size__tile_overlayer_lowered;
	s6 =	simm.s32 $_tile_overlayer_lowered  }
0x9b: {  	s22 =	simm.s32 $0x1BFF;
	s21 =	sshll.u32 s6, $0x1;
	s3 =	sadd.s32 s4, s19  }
0x9c: {  	s7 =	simm.s32 $0x0;
	s20 =	sshll.u32 s5, $0x1;
	s5 =	sadd.s32 s21, s3  }
0x9d: {  	[timem:s7], [sflag:s22] =	dma.local [hbm:s5], s20  }
0x9e: {  	_ =	swait.ge [sflag:s22], s20  }
0x9f: {  	s4 =	ssub.s32 $0x0, s20;
	[sflag:s22] =	ssyncset.done $0x0  }
0xa0: {  	[sflag:s22] =	ssyncadd.s32 s4;
	_ =	sdelay $0x1  }
0xa1: {  	s23 =	simm.s32 $0x1B8B  }
0xa2: {  	_ =	swait.ge [sflag:s23], $0x1  }
0xa3: {  	[sflag:s23] =	ssyncset.done $0x0  }
0xa4: {  	s25 =	simm.s32 $0x1B8E;
	s24 =	sld [smem:$0x3FFE];
	[sflag:s23] =	ssyncadd.s32 $0xFFFFFFFF  }
0xa5: {  	s26 =	simm.s32 $execute0_lowered;
	[smem:$0x3FD2] =	sst s25  }
0xa6: {  	s5 =	sshll.u32 s26, $0x1;
	_ =	strace $0x80000049;
	[dreg:$0x1] =	wrdreg $0xFFFFFFFF  }
0xa7: {  	s28 =	simm.s32 $_size_execute0_lowered;
	s3 =	sadd.s32 s3, s5;
	[dreg:$0x0] =	wrdreg $0x0  }
0xa8: {  	s5 =	sshll.u32 s28, $0x1;
	[dreg:$0x2] =	wrdreg s3  }
0xa9: {  	[dreg:$0x3] =	wrdreg s5  }
0xaa: {  	[dreg:$0x4] =	wrdreg $0xC0  }
0xab: {  	_ =	task [dreg:s7], $0x5FFFF  }
0xac: {  	[dreg:$0x1] =	wrdreg $0xFFFFFFFF  }
0xad: {  	[dreg:$0x0] =	wrdreg $0x60  }
0xae: {  	[dreg:$0x2] =	wrdreg s24  }
0xaf: {  	[dreg:$0x3] =	wrdreg s2  }
0xb0: {  	[dreg:$0x4] =	wrdreg $0x0  }
0xb1: {  	[dreg:$0x5] =	wrdreg $0x9  }
0xb2: {  	_ =	task.clear_ibuf [dreg:s7], $0x6FFFF;
	_ =	strace $0x90000049  }
0xb3: {  	s29 =	simm.s32 $0x9;
	_ =	strace $0x8000004B  }
0xb4: {  	_ =	swait.ge [sflag:s29], $0x1  }
0xb5: {  	[sflag:s29] =	ssyncadd.s32 $0xFFFFFFFF  }
0xb6: {  	_ =	strace $0x9000004B  }
0xb7: {  	_ =	sfence  }
0xb8: {  	s30 =	sld [smem:$0x0];
	_ =	sdelay $0x2  }
0xb9: {  	s31 =	sshll.u32 s1, $0xD;
	s1 =	sshrl.u32 s1, $0x2  }
0xba: {  	s3 =	sand.u32 $0x4000, s31;
	s1 =	sadd.s32 s1, s30  }
0xbb: {  	s0 =	sor.u32 s3, s0;
	s1 =	sshll.u32 s1, $0x11  }
0xbc: {  	s0 =	sor.u32 s1, s0  }
0xbd: {  	s0 =	sadd.s32 $0x8F2B, s0  }
0xbe: {  	[sflag:s0] =	ssyncadd.remote.s32 $0x1  }
0xbf: {  	_ =	sfence.sel $0xFFFF  }
0xc0: {  	[dreg:$0x0] =	wrdreg $0xFFFFFFFF;
	(pc) =	sbr.abs _section_cstart, $3  }
0xc1: {  	[dreg:$0x1] =	wrdreg $0xFFFFFFFF  }
0xc2: {  	_ =	task.clear_ibuf [dreg:s7], $0x2FFFF;
	_ =	strace $0x9FFFFFFF  }
0xc3: {  	(tm) =	ssettm $0x7FFFFFFF  }
tec
execute0_lowered:
.L_overlay_start_1:
0x0: {  	(tag) =	ssettag $0x1  }
0x1: {  	s5 =	rddreg [dreg:$0x0]  }
0x2: {  	s17 =	rddreg [dreg:$0x1]  }
0x3: {  	s1 =	rddreg [dreg:$0x2];
	s2 =	simm.s32 $0x0  }
0x4: {  	s6 =	srdreg.scid;
	s3 =	stileid.u32;
	s12 =	simm.s32 $0x20  }
0x5: {  	s21 =	simm.s32 $0x80;
	s22 =	simm.s32 $0x1C000;
	s23 =	simm.s32 $0x1  }
0x6: {  	s24 =	simm.s32 $0x2;
	s25 =	simm.s32 $0x3;
	s26 =	simm.s32 $0x4  }
0x7: {  	s28 =	simm.s32 $0x0;
	[smem:$0x7FF] =	sst s2;
	s4 =	sadd.s32 $0xBE00, s5  }
0x8: {  	s9 =	sand.u32 $0x1, s6;
	s6 =	sshll.u32 s3, $0xA;
	s10 =	smul.u32 $0x50000, s3  }
0x9: {  	s7 =	sshll.u32 s3, $0x8;
	s13 =	smul.u32 $0x14000, s3;
	_ =	strace $0x8000004A  }
0xa: {  	p0 =	seq.s32 s9, $0x0;
	s7 =	sor.u32 $0x4000, s7;
	s8 =	ssub.s32 $0x2, s9  }
0xb: {  	s20 =	smul.u32 $0x140000, s9;
	s7 =	smov.u32 @p0 s6;
	s30 =	sshrl.u32 s8, $0x1  }
0xc: {  	s31 =	sshrl.u32 s10, $0x2;
	s14 =	sadd.s32 $0x4000, s13;
	s15 =	sadd.s32 $0x8000, s13  }
0xd: {  	s16 =	sadd.s32 $0xC000, s13;
	s19 =	sadd.s32 $0x10000, s13;
	s12 =	simm.s32 @!p0 $0x8  }
0xe: {  	s11 =	sadd.s32 s7, s5;
	s18 =	ssub.s32 s8, s30;
	s5 =	sadd.s32 s31, s1  }
0xf: {  	s6 =	sadd.s32 s14, s1;
	s7 =	sadd.s32 s15, s1;
	s8 =	sadd.s32 s16, s1  }
0x10: {  	s9 =	sadd.s32 s19, s1;
	s13 =	sadd.s32 s13, s20;
	s14 =	sadd.s32 s20, s14  }
0x11: {  	s15 =	sadd.s32 s20, s15;
	s16 =	sadd.s32 s20, s16;
	s19 =	sadd.s32 s20, s19  }
0x12: {  	s20 =	simm.s32 $0x5;
	s10 =	sadd.s32 $0x6A00, s11;
	s11 =	sadd.s32 $0x1600, s11  }
0x13: {  	s13 =	sshrl.u32 s13, $0x3;
	s14 =	sshrl.u32 s14, $0x3;
	s15 =	sshrl.u32 s15, $0x3  }
0x14: {  	s16 =	sshrl.u32 s16, $0x3;
	s19 =	sshrl.u32 s19, $0x3;
	s18 =	smax.u32 s18, $0x1  }
0x15: {  	s13 =	sadd.s32 s17, s13;
	s14 =	sadd.s32 s17, s14;
	s15 =	sadd.s32 s17, s15  }
0x16: {  	v0 =	vimm.f32 $0.0e+00;
	s16 =	sadd.s32 s17, s16;
	s17 =	sadd.s32 s17, s19;
	s19 =	simm.s32 $0x18000  }
.LBB2_1:
0x17: {  	s29 =	simm.s32 $0x0;
	s30 =	simm.s32 $0x200  }
.LBB2_2:
0x18: {  	p0 =	sne.s32 s30, $0xFE00;
	[tilespmem:s29+$0x18070] =	vst v0  }
0x19: {  	[tilespmem:s29+$0x18000] =	vst v0  }
0x1a: {  	[tilespmem:s29+$0x18010] =	vst v0  }
.Ltmp0:
0x1b: {  	[tilespmem:s29+$0x18020] =	vst v0;
	(pc) =	sbr.rel @p0 .LBB2_2-.Ltmp0, $4  }
0x1c: {  	[tilespmem:s29+$0x18030] =	vst v0  }
0x1d: {  	[tilespmem:s29+$0x18040] =	vst v0  }
0x1e: {  	[tilespmem:s29+$0x18050] =	vst v0  }
0x1f: {  	[tilespmem:s29+$0x18060] =	vst v0;
	s29 =	sshra.s32 s30, $0x2;
	s30 =	sadd.s32 $0x200, s30  }
0x20: {  	[tilespmem:s29+$0x18070] =	vst v0  }
0x21: {  	[tilespmem:s29+$0x18000] =	vst v0  }
0x22: {  	[tilespmem:s29+$0x18010] =	vst v0  }
0x23: {  	[tilespmem:s29+$0x18020] =	vst v0  }
0x24: {  	[tilespmem:s29+$0x18030] =	vst v0  }
0x25: {  	[tilespmem:s29+$0x18040] =	vst v0  }
0x26: {  	[tilespmem:s29+$0x18050] =	vst v0  }
0x27: {  	[tilespmem:s29+$0x18060] =	vst v0  }
0x28: {  	[spmem:s5] =	stream.linear.scatter [tilespmem:s19], [sflag:$0x5], $0x4000, $0x38;
	v63 =	vld [tilespmem:$0x0]  }
0x29: {  	_ =	swait.ge [sflag:s20], $0x4000  }
0x2a: {  	[sflag:s20] =	ssyncset.done $0x0  }
0x2b: {  	[sflag:s20] =	ssyncadd.s32 $0xFFFFC000  }
0x2c: {  	[spmem:s6] =	stream.linear.scatter [tilespmem:s19], [sflag:$0x5], $0x4000, $0x38;
	v63 =	vld [tilespmem:$0x0]  }
0x2d: {  	_ =	swait.ge [sflag:s20], $0x4000  }
0x2e: {  	[sflag:s20] =	ssyncset.done $0x0  }
0x2f: {  	[sflag:s20] =	ssyncadd.s32 $0xFFFFC000  }
0x30: {  	[spmem:s7] =	stream.linear.scatter [tilespmem:s19], [sflag:$0x5], $0x4000, $0x38;
	v63 =	vld [tilespmem:$0x0]  }
0x31: {  	_ =	swait.ge [sflag:s20], $0x4000  }
0x32: {  	[sflag:s20] =	ssyncset.done $0x0  }
0x33: {  	[sflag:s20] =	ssyncadd.s32 $0xFFFFC000  }
0x34: {  	[spmem:s8] =	stream.linear.scatter [tilespmem:s19], [sflag:$0x5], $0x4000, $0x38;
	v63 =	vld [tilespmem:$0x0]  }
0x35: {  	_ =	swait.ge [sflag:s20], $0x4000  }
0x36: {  	[sflag:s20] =	ssyncset.done $0x0  }
0x37: {  	[sflag:s20] =	ssyncadd.s32 $0xFFFFC000  }
0x38: {  	[spmem:s9] =	stream.linear.scatter [tilespmem:s19], [sflag:$0x5], $0x4000, $0x38;
	v63 =	vld [tilespmem:$0x0]  }
0x39: {  	_ =	swait.ge [sflag:s20], $0x4000  }
0x3a: {  	[sflag:s20] =	ssyncset.done $0x0  }
0x3b: {  	s29 =	simm.s32 $0x14000;
	[sflag:s20] =	ssyncadd.s32 $0xFFFFC000  }
0x3c: {  	[tilespmem:s29], [sflag:$0x5] =	stream.linear.gather [hbm4b:s10+s2], $0x2000, $0x38;
	v63 =	vld [tilespmem:$0x0]  }
0x3d: {  	_ =	swait.ge [sflag:s20], $0x2000  }
0x3e: {  	[sflag:s20] =	ssyncset.done $0x0  }
0x3f: {  	s30 =	simm.s32 $0x16000;
	[sflag:s20] =	ssyncadd.s32 $0xFFFFE000  }
0x40: {  	[tilespmem:s30], [sflag:$0x5] =	stream.linear.gather [hbm4b:s11+s2], $0x2000, $0x38;
	v63 =	vld [tilespmem:$0x0]  }
0x41: {  	_ =	swait.ge [sflag:s20], $0x2000  }
0x42: {  	[sflag:s20] =	ssyncset.done $0x0  }
0x43: {  	[sflag:s20] =	ssyncadd.s32 $0xFFFFE000  }
0x44: {  	[bflag:$0x0] =	sbarrier.arrive $0xFFFF  }
0x45: {  	[tilespmem:s19], [sflag:$0x1] =	stream.indirect.gather [hbm4b:s4+s21], $0x80, s29, s21, $0xb8;
	v63 =	vld [tilespmem:$0x0]  }
0x46: {  	s31 =	simm.s32 $0x14080  }
0x47: {  	[tilespmem:s22], [sflag:$0x2] =	stream.indirect.gather [hbm4b:s4+s21], $0x80, s31, s21, $0xb8;
	v63 =	vld [tilespmem:$0x0]  }
0x48: {  	_ =	swait.ge [sflag:s23], $0x4000  }
0x49: {  	[sflag:s23] =	ssyncset.done $0x0  }
0x4a: {  	[sflag:s23] =	ssyncadd.s32 $0xFFFFC000  }
0x4b: {  	[spmem:s1] =	stream.indirect.scatter.add.f32 [tilespmem:s19], [sflag:$0x3], $0x80, s30, s21, $0xb8;
	v63 =	vld [tilespmem:$0x0]  }
0x4c: {  	_ =	swait.ge [sflag:s24], $0x4000  }
0x4d: {  	[sflag:s24] =	ssyncset.done $0x0  }
0x4e: {  	p0 =	sne.s32 s12, $0x1;
	s31 =	simm.s32 $0x16080;
	[sflag:s24] =	ssyncadd.s32 $0xFFFFC000  }
0x4f: {  	[spmem:s1] =	stream.indirect.scatter.add.f32 [tilespmem:s22], [sflag:$0x4], $0x80, s31, s21, $0xb8;
	v63 =	vld [tilespmem:$0x0]  }
.Ltmp1:
0x50: {  	_ =	swait.ge [sflag:s25], $0x4000;
	(pc) =	sbr.rel @!p0 .LBB2_5-.Ltmp1, $4  }
0x51: {  	[sflag:s25] =	ssyncset.done $0x0  }
0x52: {  	[sflag:s25] =	ssyncadd.s32 $0xFFFFC000  }
0x53: {  	_ =	swait.ge [sflag:s26], $0x4000  }
0x54: {  	s31 =	sadd.s32 $0xFFFFFFFF, s12;
	[sflag:s26] =	ssyncset.done $0x0  }
.LBB2_4:
0x55: {  	[sflag:s26] =	ssyncadd.s32 $0xFFFFC000;
	s29 =	sadd.s32 $0x100, s29;
	s30 =	sadd.s32 $0x100, s30  }
0x56: {  	[tilespmem:s19], [sflag:$0x1] =	stream.indirect.gather [hbm4b:s4+s21], $0x80, s29, s21, $0xb8;
	v63 =	vld [tilespmem:$0x0]  }
0x57: {  	p0 =	sne.s32 s31, $0x1;
	s31 =	sadd.s32 $0xFFFFFFFF, s31;
	s0 =	sadd.s32 $0x80, s29  }
0x58: {  	[tilespmem:s22], [sflag:$0x2] =	stream.indirect.gather [hbm4b:s4+s21], $0x80, s0, s21, $0xb8;
	v63 =	vld [tilespmem:$0x0]  }
0x59: {  	_ =	swait.ge [sflag:s23], $0x4000  }
0x5a: {  	[sflag:s23] =	ssyncset.done $0x0  }
0x5b: {  	[sflag:s23] =	ssyncadd.s32 $0xFFFFC000  }
0x5c: {  	[spmem:s1] =	stream.indirect.scatter.add.f32 [tilespmem:s19], [sflag:$0x3], $0x80, s30, s21, $0xb8;
	v63 =	vld [tilespmem:$0x0]  }
0x5d: {  	_ =	swait.ge [sflag:s24], $0x4000  }
0x5e: {  	[sflag:s24] =	ssyncset.done $0x0  }
0x5f: {  	s0 =	sadd.s32 $0x80, s30;
	[sflag:s24] =	ssyncadd.s32 $0xFFFFC000  }
0x60: {  	[spmem:s1] =	stream.indirect.scatter.add.f32 [tilespmem:s22], [sflag:$0x4], $0x80, s0, s21, $0xb8;
	v63 =	vld [tilespmem:$0x0]  }
.Ltmp2:
0x61: {  	_ =	swait.ge [sflag:s25], $0x4000;
	(pc) =	sbr.rel @p0 .LBB2_4-.Ltmp2, $4  }
0x62: {  	[sflag:s25] =	ssyncset.done $0x0  }
0x63: {  	[sflag:s25] =	ssyncadd.s32 $0xFFFFC000  }
0x64: {  	_ =	swait.ge [sflag:s26], $0x4000  }
0x65: {  	[sflag:s26] =	ssyncset.done $0x0  }
.LBB2_5:
0x66: {  	[sflag:s26] =	ssyncadd.s32 $0xFFFFC000  }
0x67: {  	[bflag:$0x0] =	sbarrier.arrive $0xFFFF  }
0x68: {  	[tilespmem:s19], [sflag:$0x5] =	stream.linear.gather [spmem:s5], $0x4000, $0x38;
	v63 =	vld [tilespmem:$0x0]  }
0x69: {  	_ =	swait.ge [sflag:s20], $0x4000  }
0x6a: {  	[sflag:s20] =	ssyncset.done $0x0  }
0x6b: {  	[sflag:s20] =	ssyncadd.s32 $0xFFFFC000  }
0x6c: {  	[hbm4b:s13+s2] =	stream.linear.scatter [tilespmem:s19], [sflag:$0x5], $0x4000, $0x38;
	v63 =	vld [tilespmem:$0x0]  }
0x6d: {  	_ =	swait.ge [sflag:s20], $0x4000  }
0x6e: {  	[sflag:s20] =	ssyncset.done $0x0  }
0x6f: {  	[sflag:s20] =	ssyncadd.s32 $0xFFFFC000  }
0x70: {  	[tilespmem:s22], [sflag:$0x5] =	stream.linear.gather [spmem:s6], $0x4000, $0x38;
	v63 =	vld [tilespmem:$0x0]  }
0x71: {  	_ =	swait.ge [sflag:s20], $0x4000  }
0x72: {  	[sflag:s20] =	ssyncset.done $0x0  }
0x73: {  	[sflag:s20] =	ssyncadd.s32 $0xFFFFC000  }
0x74: {  	[hbm4b:s14+s2] =	stream.linear.scatter [tilespmem:s22], [sflag:$0x5], $0x4000, $0x38;
	v63 =	vld [tilespmem:$0x0]  }
0x75: {  	_ =	swait.ge [sflag:s20], $0x4000  }
0x76: {  	[sflag:s20] =	ssyncset.done $0x0  }
0x77: {  	[sflag:s20] =	ssyncadd.s32 $0xFFFFC000  }
0x78: {  	[tilespmem:s19], [sflag:$0x5] =	stream.linear.gather [spmem:s7], $0x4000, $0x38;
	v63 =	vld [tilespmem:$0x0]  }
0x79: {  	_ =	swait.ge [sflag:s20], $0x4000  }
0x7a: {  	[sflag:s20] =	ssyncset.done $0x0  }
0x7b: {  	[sflag:s20] =	ssyncadd.s32 $0xFFFFC000  }
0x7c: {  	[hbm4b:s15+s2] =	stream.linear.scatter [tilespmem:s19], [sflag:$0x5], $0x4000, $0x38;
	v63 =	vld [tilespmem:$0x0]  }
0x7d: {  	_ =	swait.ge [sflag:s20], $0x4000  }
0x7e: {  	[sflag:s20] =	ssyncset.done $0x0  }
0x7f: {  	[sflag:s20] =	ssyncadd.s32 $0xFFFFC000  }
0x80: {  	[tilespmem:s22], [sflag:$0x5] =	stream.linear.gather [spmem:s8], $0x4000, $0x38;
	v63 =	vld [tilespmem:$0x0]  }
0x81: {  	_ =	swait.ge [sflag:s20], $0x4000  }
0x82: {  	[sflag:s20] =	ssyncset.done $0x0  }
0x83: {  	[sflag:s20] =	ssyncadd.s32 $0xFFFFC000  }
0x84: {  	[hbm4b:s16+s2] =	stream.linear.scatter [tilespmem:s22], [sflag:$0x5], $0x4000, $0x38;
	v63 =	vld [tilespmem:$0x0]  }
0x85: {  	_ =	swait.ge [sflag:s20], $0x4000  }
0x86: {  	[sflag:s20] =	ssyncset.done $0x0  }
0x87: {  	[sflag:s20] =	ssyncadd.s32 $0xFFFFC000  }
0x88: {  	[tilespmem:s19], [sflag:$0x5] =	stream.linear.gather [spmem:s9], $0x4000, $0x38;
	v63 =	vld [tilespmem:$0x0]  }
0x89: {  	s28 =	sadd.s32 $0x1, s28;
	_ =	swait.ge [sflag:s20], $0x4000  }
0x8a: {  	p0 =	sne.s32 s28, s18;
	[sflag:s20] =	ssyncset.done $0x0  }
.Ltmp3:
0x8b: {  	[sflag:s20] =	ssyncadd.s32 $0xFFFFC000;
	(pc) =	sbr.rel @p0 .LBB2_1-.Ltmp3, $4  }
0x8c: {  	[hbm4b:s17+s2] =	stream.linear.scatter [tilespmem:s19], [sflag:$0x5], $0x4000, $0x38;
	v63 =	vld [tilespmem:$0x0]  }
0x8d: {  	_ =	swait.ge [sflag:s20], $0x4000  }
0x8e: {  	[sflag:s20] =	ssyncset.done $0x0  }
0x8f: {  	[sflag:s20] =	ssyncadd.s32 $0xFFFFC000  }
0x90: {  	_ =	sfence.sel $0x180000  }
0x91: {  	[bflag:$0x0] =	sbarrier.arrive $0xFFFF  }
0x92: {  	_ =	strace $0x9000004A  }
0x93: {  	[bflag:$0x2] =	sbarrier.arrive $0xFFFF  }
0x94: {  	p0 =	sne.s32 s3, $0x0;
	s0 =	rddreg [dreg:$0x3]  }
0x95: {  	s0 =	sadd.s32 @!p0 $0x100000, s0  }
0x96: {  	[sflag:s0] =	ssyncadd.tile.s32 @!p0 $0x1;
	_ =	shalt  }
.Lfunc_end2:
_tile_overlayer_lowered:
.L_overlay_start_2:
0x97: {  	(tag) =	ssettag $0x2  }
0x98: {  	s0 =	rddreg [dreg:$0x0];
	s2 =	stileid.u32  }
0x99: {  	s1 =	rddreg [dreg:$0x1];
	p0 =	sne.s32 s2, $0x0  }
0x9a: {  	s3 =	rddreg [dreg:$0x2];
	[bflag:$0x3] =	sbarrier.arrive $0xFFFF;
	s2 =	simm.s32 @!p0 $0x1C05  }
0x9b: {  	[timem:s3], [sflag:s2] =	dma.local @!p0 [hbm:s0], s1  }
0x9c: {  	s0 =	simm.s32 @!p0 $0x5  }
0x9d: {  	_ =	swait.ge @!p0 [sflag:s0], s1  }
0x9e: {  	s1 =	ssub.s32 @!p0 $0x0, s1;
	[sflag:s0] =	ssyncset.done @!p0 $0x0  }
0x9f: {  	[sflag:s0] =	ssyncadd.s32 @!p0 s1  }
0xa0: {  	[bflag:$0x3] =	sbarrier.arrive $0xFFFF  }
0xa1: {  	_ =	shalt  }

// kernel: kernel.13.cloned.1.call-start
scs
__scs_entry_jumppad:
0x0: {  	(pc) =	sbr.rel $0x88, $3  }
0x1: {  	(tag) =	ssettag $0x0;
	lr =	simm.s32 $0x1  }
0x2: {  	[smem:$0x3F9A] =	sst lr;
	_ =	strace $0xD0000000  }
0x3: {  	_ = 	snop  }
0x4: {  	_ = 	snop  }
0x5: {  	_ = 	snop  }
0x6: {  	_ = 	snop  }
0x7: {  	_ = 	snop  }
__scs_overlays_trampoline_lowered:
0x8: {  	[smem:$0x3FA9] =	sst s0  }
0x9: {  	[smem:$0x3FAA] =	sst s1  }
0xa: {  	[smem:$0x3FAB] =	sst s2  }
0xb: {  	[smem:$0x3FAC] =	sst s3  }
0xc: {  	[smem:$0x3FAD] =	sst s4  }
0xd: {  	[smem:$0x3FAE] =	sst s5  }
0xe: {  	[smem:$0x3FAF] =	sst s6  }
0xf: {  	[smem:$0x3FB0] =	sst s7  }
0x10: {  	[smem:$0x3FB1] =	sst s8  }
0x11: {  	[smem:$0x3FB2] =	sst s9;
	s0 =	simm.s32 @!p0 $0x0  }
0x12: {  	s1 =	sld [smem:$0x3F98];
	s0 =	simm.s32 @p0 $0x1  }
0x13: {  	[smem:$0x3FB3] =	sst s0;
	s0 =	simm.s32 @!p1 $0x0  }
0x14: {  	s2 =	sld [smem:$0x3F97];
	s0 =	simm.s32 @p1 $0x1  }
0x15: {  	[smem:$0x3FB4] =	sst s0;
	s0 =	simm.s32 @!p2 $0x0  }
0x16: {  	s3 =	sld [smem:$0x3FDB];
	s0 =	simm.s32 @p2 $0x1  }
0x17: {  	s4 =	simm.s32 $0x1BF5;
	[smem:$0x3FB6] =	sst s0  }
0x18: {  	s0 =	sld [smem:$0x3F99];
	_ =	swait.ge [sflag:s4], $0x0  }
0x19: {  	s7 =	sld [smem:$0x3F9A]  }
0x1a: {  	s8 =	sadd.s32 $0xFFFFE003, lr  }
0x1b: {  	s9 =	sadd.s32 $0xFFFFFEF7, lr;
	s5 =	simm.s32 $0xFFFFFFFF;
	p2 =	slt.u32 s8, $0xFFFFF086  }
0x1c: {  	p1 =	slt.u32 s9, $0xF7A;
	s5 =	simm.s32 @!p2 $0x0  }
0x1d: {  	s5 =	simm.s32 @p1 $0x1;
	p0 =	seq.s32 s7, s2  }
0x1e: {  	s7 =	smul.u32 @!p0 $0xF7A, s2;
	p2 =	seq.s32 @!p0 s5, $0x0  }
0x1f: {  	s9 =	smul.u32 $0xF7A, s1;
	s8 =	simm.s32 @!p0 $0x1BF5;
	p2 =	por !p2, p0  }
0x20: {  	[sflag:s8] =	ssyncset.s32 @!p0 $0xFFFFF086;
	s6 =	sadd.s32 @!p0 s3, s7;
	s7 =	simm.s32 @!p0 $0x108  }
0x21: {  	s3 =	sadd.s32 s3, s9;
	s6 =	sadd.s32 @!p0 $0x88, s6;
	s7 =	simm.s32 @p2 $0x1082  }
0x22: {  	[simem:s7], [sflag:s8] =	dma.local @!p0 [hbm:s6], $0xF7A  }
0x23: {  	s9 =	sor.u32 $0xD0000000, s2;
	s6 =	simm.s32 $0x108;
	_ =	swait.ge @!p0 [sflag:s8], $0x0  }
0x24: {  	s3 =	sadd.s32 $0x88, s3;
	s6 =	simm.s32 @!p1 $0x1082;
	[sflag:s4] =	ssyncset.s32 $0xFFFFF086  }
0x25: {  	[simem:s6], [sflag:s4] =	dma.local [hbm:s3], $0xF7A  }
0x26: {  	[smem:$0x3F9A] =	sst s1;
	(tag) =	ssettag s2;
	_ =	strace s9  }
0x27: {  	s1 =	sld [smem:$0x3FAA]  }
0x28: {  	s2 =	sld [smem:$0x3FAB]  }
0x29: {  	s4 =	sld [smem:$0x3FAD]  }
0x2a: {  	p0 =	seq.s32 s5, $0x0;
	s5 =	sld [smem:$0x3FAE]  }
0x2b: {  	s6 =	sld [smem:$0x3FAF]  }
0x2c: {  	s7 =	sld [smem:$0x3FB0]  }
0x2d: {  	s3 =	simm.s32 $0x108;
	s8 =	sld [smem:$0x3FB1]  }
0x2e: {  	s3 =	simm.s32 @!p0 $0x1082;
	s9 =	sld [smem:$0x3FB2]  }
0x2f: {  	lr =	sadd.s32 s0, s3;
	s0 =	sld [smem:$0x3FA9]  }
0x30: {  	s3 =	sld [smem:$0x3FAC]  }
0x31: {  	[smem:$0x3FB5] =	sst s10  }
0x32: {  	s10 =	sld [smem:$0x3FB3];
	_ =	sdelay $0x3  }
0x33: {  	p0 =	seq.s32 s10, $0x1;
	s10 =	sld [smem:$0x3FB5];
	_ =	sdelay $0x3  }
0x34: {  	[smem:$0x3FB5] =	sst s10  }
0x35: {  	s10 =	sld [smem:$0x3FB4];
	_ =	sdelay $0x3  }
0x36: {  	p1 =	seq.s32 s10, $0x1;
	s10 =	sld [smem:$0x3FB5];
	_ =	sdelay $0x3  }
0x37: {  	[smem:$0x3FB5] =	sst s10  }
0x38: {  	s10 =	sld [smem:$0x3FB6]  }
0x39: {  	_ = 	snop;
	(pc) =	sbr.ind lr, $3  }
0x3a: {  	_ = 	snop  }
0x3b: {  	_ = 	snop  }
0x3c: {  	p2 =	seq.s32 s10, $0x1;
	s10 =	sld [smem:$0x3FB5]  }
0x3d: {  	_ =	shalt  }
0x3e: {  	_ =	shalt  }
0x3f: {  	_ =	shalt  }
0x40: {  	_ =	shalt  }
0x41: {  	_ =	shalt  }
0x42: {  	_ =	shalt  }
0x43: {  	_ =	shalt  }
0x44: {  	_ =	shalt  }
0x45: {  	_ =	shalt  }
0x46: {  	_ =	shalt  }
0x47: {  	_ =	shalt  }
0x48: {  	_ =	shalt  }
0x49: {  	_ =	shalt  }
0x4a: {  	_ =	shalt  }
0x4b: {  	_ =	shalt  }
0x4c: {  	_ =	shalt  }
0x4d: {  	_ =	shalt  }
0x4e: {  	_ =	shalt  }
0x4f: {  	_ =	shalt  }
0x50: {  	_ =	shalt  }
0x51: {  	_ =	shalt  }
0x52: {  	_ =	shalt  }
0x53: {  	_ =	shalt  }
0x54: {  	_ =	shalt  }
0x55: {  	_ =	shalt  }
0x56: {  	_ =	shalt  }
0x57: {  	_ =	shalt  }
0x58: {  	_ =	shalt  }
0x59: {  	_ =	shalt  }
0x5a: {  	_ =	shalt  }
0x5b: {  	_ =	shalt  }
0x5c: {  	_ =	shalt  }
0x5d: {  	_ =	shalt  }
0x5e: {  	_ =	shalt  }
0x5f: {  	_ =	shalt  }
0x60: {  	_ =	shalt  }
0x61: {  	_ =	shalt  }
0x62: {  	_ =	shalt  }
0x63: {  	_ =	shalt  }
0x64: {  	_ =	shalt  }
0x65: {  	_ =	shalt  }
0x66: {  	_ =	shalt  }
0x67: {  	_ =	shalt  }
0x68: {  	_ =	shalt  }
0x69: {  	_ =	shalt  }
0x6a: {  	_ =	shalt  }
0x6b: {  	_ =	shalt  }
0x6c: {  	_ =	shalt  }
0x6d: {  	_ =	shalt  }
0x6e: {  	_ =	shalt  }
0x6f: {  	_ =	shalt  }
0x70: {  	_ =	shalt  }
0x71: {  	_ =	shalt  }
0x72: {  	_ =	shalt  }
0x73: {  	_ =	shalt  }
0x74: {  	_ =	shalt  }
0x75: {  	_ =	shalt  }
0x76: {  	_ =	shalt  }
0x77: {  	_ =	shalt  }
0x78: {  	_ =	shalt  }
0x79: {  	_ =	shalt  }
0x7a: {  	_ =	shalt  }
0x7b: {  	_ =	shalt  }
0x7c: {  	_ =	shalt  }
0x7d: {  	_ =	shalt  }
0x7e: {  	_ =	shalt  }
0x7f: {  	_ =	shalt  }
0x80: {  	_ =	shalt  }
0x81: {  	_ =	shalt  }
0x82: {  	_ =	shalt  }
0x83: {  	_ =	shalt  }
0x84: {  	_ =	shalt  }
0x85: {  	_ =	shalt  }
0x86: {  	_ =	shalt  }
0x87: {  	_ =	shalt  }
.Lfunc_end0:
.L_simem_size_0:
called_computation.2_lowered:
.L_overlay_start_0:
0x88: {  	s2 =	sld [smem:$0x3FD9]  }
0x89: {  	s3 =	sld [smem:$0x3FFE];
	_ =	sdelay $0x1  }
0x8a: {  	s1 =	srdreg.scid  }
0x8b: {  	s0 =	sand.u32 $0x1, s1  }
0x8c: {  	s17 =	sshll.u32 s0, $0xA;
	s2 =	sadd.s32 s3, s2  }
0x8d: {  	s2 =	sadd.s32 s2, s17  }
0x8e: {  	[smem:$0x3FC1] =	sst s2  }
0x8f: {  	_ = 	snop  }
0x90: {  	s2 =	sld [smem:$0x3FC5]  }
0x91: {  	s18 =	sld [smem:$0x3FD0];
	(tm) =	ssettm $0x1  }
0x92: {  	s4 =	sld [smem:$0x3FFB];
	_ =	sdelay $0x3  }
0x93: {  	_ =	strace s4  }
0x94: {  	s4 =	sld [smem:$0x3FFC];
	_ =	sdelay $0x3  }
0x95: {  	_ =	strace s4  }
0x96: {  	s4 =	sld [smem:$0x3FFD];
	_ =	sdelay $0x3  }
0x97: {  	_ =	strace s4  }
0x98: {  	_ =	strace $0x8FFFFFFF  }
0x99: {  	s19 =	sld [smem:$0x3FDB];
	_ =	sdelay $0x1  }
0x9a: {  	s5 =	simm.s32 $_scs_section_size  }
0x9b: {  	s6 =	simm.s32 $_size__tile_overlayer_lowered;
	s7 =	simm.s32 $_tile_overlayer_lowered  }
0x9c: {  	s22 =	simm.s32 $0x1BFF;
	s21 =	sshll.u32 s7, $0x1;
	s4 =	sadd.s32 s5, s19  }
0x9d: {  	s8 =	simm.s32 $0x0;
	s20 =	sshll.u32 s6, $0x1;
	s6 =	sadd.s32 s21, s4  }
0x9e: {  	[timem:s8], [sflag:s22] =	dma.local [hbm:s6], s20  }
0x9f: {  	_ =	swait.ge [sflag:s22], s20  }
0xa0: {  	s5 =	ssub.s32 $0x0, s20;
	[sflag:s22] =	ssyncset.done $0x0  }
0xa1: {  	[sflag:s22] =	ssyncadd.s32 s5;
	_ =	sdelay $0x1  }
0xa2: {  	s23 =	simm.s32 $0x1B8B  }
0xa3: {  	_ =	swait.ge [sflag:s23], $0x1  }
0xa4: {  	[sflag:s23] =	ssyncset.done $0x0  }
0xa5: {  	s25 =	simm.s32 $0x1B8E;
	s24 =	sld [smem:$0x3FFE];
	[sflag:s23] =	ssyncadd.s32 $0xFFFFFFFF  }
0xa6: {  	s26 =	simm.s32 $execute0_lowered;
	[smem:$0x3FD2] =	sst s25  }
0xa7: {  	s6 =	sshll.u32 s26, $0x1;
	_ =	strace $0x8000004C;
	[dreg:$0x1] =	wrdreg $0xFFFFFFFF  }
0xa8: {  	s28 =	simm.s32 $_size_execute0_lowered;
	s4 =	sadd.s32 s4, s6;
	[dreg:$0x0] =	wrdreg $0x0  }
0xa9: {  	s6 =	sshll.u32 s28, $0x1;
	[dreg:$0x2] =	wrdreg s4  }
0xaa: {  	[dreg:$0x3] =	wrdreg s6  }
0xab: {  	[dreg:$0x4] =	wrdreg $0xC0  }
0xac: {  	_ =	task [dreg:s8], $0x5FFFF  }
0xad: {  	[dreg:$0x1] =	wrdreg $0xFFFFFFFF  }
0xae: {  	[dreg:$0x0] =	wrdreg $0x60  }
0xaf: {  	[dreg:$0x2] =	wrdreg s24  }
0xb0: {  	[dreg:$0x3] =	wrdreg s2  }
0xb1: {  	[dreg:$0x4] =	wrdreg s18  }
0xb2: {  	[dreg:$0x5] =	wrdreg $0x9  }
0xb3: {  	_ =	task.clear_ibuf [dreg:s8], $0x6FFFF;
	_ =	strace $0x9000004C  }
0xb4: {  	s29 =	simm.s32 $0x9;
	_ =	strace $0x8000004E  }
0xb5: {  	_ =	swait.ge [sflag:s29], $0x1  }
0xb6: {  	[sflag:s29] =	ssyncadd.s32 $0xFFFFFFFF  }
0xb7: {  	_ =	strace $0x9000004E  }
0xb8: {  	_ =	sfence  }
0xb9: {  	s30 =	sld [smem:$0x0];
	_ =	sdelay $0x2  }
0xba: {  	s31 =	sshll.u32 s1, $0xD;
	s1 =	sshrl.u32 s1, $0x2  }
0xbb: {  	s3 =	sand.u32 $0x4000, s31;
	s1 =	sadd.s32 s1, s30  }
0xbc: {  	s0 =	sor.u32 s3, s0;
	s1 =	sshll.u32 s1, $0x11  }
0xbd: {  	s0 =	sor.u32 s1, s0  }
0xbe: {  	s0 =	sadd.s32 $0x8F2B, s0  }
0xbf: {  	[sflag:s0] =	ssyncadd.remote.s32 $0x1  }
0xc0: {  	_ =	sfence.sel $0xFFFF  }
0xc1: {  	[dreg:$0x0] =	wrdreg $0xFFFFFFFF;
	(pc) =	sbr.abs _section_cstart, $3  }
0xc2: {  	[dreg:$0x1] =	wrdreg $0xFFFFFFFF  }
0xc3: {  	_ =	task.clear_ibuf [dreg:s8], $0x2FFFF;
	_ =	strace $0x9FFFFFFF  }
0xc4: {  	(tm) =	ssettm $0x7FFFFFFF  }
0xc5: {  	_ =	shalt  }
tec
execute0_lowered:
.L_overlay_start_1:
0x0: {  	(tag) =	ssettag $0x1  }
0x1: {  	s5 =	rddreg [dreg:$0x0]  }
0x2: {  	s1 =	rddreg [dreg:$0x1]  }
0x3: {  	s7 =	rddreg [dreg:$0x2];
	s2 =	srdreg.scid  }
0x4: {  	s0 =	rddreg [dreg:$0x3];
	s3 =	simm.s32 $0x0;
	s31 =	simm.s32 $0xC780  }
0x5: {  	s12 =	simm.s32 $0x10780;
	s13 =	simm.s32 $0x1;
	s14 =	simm.s32 $0x2  }
0x6: {  	s15 =	simm.s32 $0x3;
	s16 =	simm.s32 $0x4;
	s17 =	simm.s32 $0x5  }
0x7: {  	s18 =	simm.s32 $0x0;
	s4 =	sand.u32 $0x1, s2;
	s2 =	stileid.u32  }
0x8: {  	[smem:$0x7FF] =	sst s3;
	s6 =	sshll.u32 s4, $0x4;
	s8 =	smul.u32 $0x3200000, s4  }
0x9: {  	s9 =	smul.u32 $0x320000, s2;
	_ =	strace $0x8000004D;
	[dreg:$0x4] =	wrdreg s31  }
0xa: {  	s10 =	ssub.s32 $0x2, s4;
	s4 =	sadd.s32 $0x1600, s5;
	[dreg:$0x5] =	wrdreg s12  }
0xb: {  	s12 =	simm.s32 $0x14780;
	s6 =	sor.u32 s2, s6;
	s11 =	sshrl.u32 s10, $0x1  }
0xc: {  	s6 =	smul.u32 $0xC80, s6;
	s8 =	sadd.s32 s9, s8;
	s30 =	ssub.s32 s10, s11  }
0xd: {  	s9 =	simm.s32 $0x1F80;
	s10 =	simm.s32 $0x80;
	s11 =	simm.s32 $0x8780  }
0xe: {  	s8 =	sshrl.u32 s8, $0x3;
	s5 =	sadd.s32 s6, s5;
	s6 =	smax.u32 s30, $0x1  }
0xf: {  	s7 =	sadd.s32 s8, s7;
	s8 =	simm.s32 $0x6;
	s5 =	sadd.s32 $0x33E00, s5  }
.LBB2_1:
0x10: {  	[tilespmem:s3], [sflag:$0x6] =	stream.linear.gather [hbm4b:s1+s3], $0x1F80, $0x38;
	[tilespmem:$0x18780] =	vst v63  }
0x11: {  	_ =	swait.ge [sflag:s8], $0x1F80  }
0x12: {  	[sflag:s8] =	ssyncset.done $0x0  }
0x13: {  	[sflag:s8] =	ssyncadd.s32 $0xFFFFE080  }
0x14: {  	[tilespmem:s9], [sflag:$0x6] =	stream.linear.gather [hbm4b:s5+s3], $0x6400, $0x38;
	[tilespmem:$0x18780] =	vst v63  }
0x15: {  	_ =	swait.ge [sflag:s8], $0x6400  }
0x16: {  	[sflag:s8] =	ssyncset.done $0x0  }
0x17: {  	[sflag:s8] =	ssyncadd.s32 $0xFFFF9C00  }
0x18: {  	v0 =	vld [tilespmem:$0x1F80];
	_ =	sdelay $0x4  }
0x19: {  	v1 =	vadd.s32 $0xFFFFFFFD, v0  }
0x1a: {  	vm0 =	vgt.s32 v1, $0x0  }
0x1b: {  	v2 =	vld [tilespmem:$0x1F90];
	v1 =	vnsel vm0, $0x0, v1;
	_ =	sdelay $0x4  }
0x1c: {  	v3 =	vadd.s32 $0xFFFFFFFD, v2;
	v1 =	vld.idx.msk [tilespmem:v1+s3+$0x0], $0xffff  }
0x1d: {  	vm13 =	vgt.s32 v3, $0x0  }
0x1e: {  	v4 =	vld [tilespmem:$0x1FA0];
	v3 =	vnsel vm13, $0x0, v3;
	_ =	sdelay $0x1  }
0x1f: {  	vm14 =	vlt.s32 v0, $0x3;
	v0 =	vadd.s32 $0x2800, v0  }
0x20: {  	v0 =	vsel vm14, v0, v1  }
0x21: {  	[tilespmem:$0x1F80] =	vst v0  }
0x22: {  	v60 =	vadd.s32 $0xFFFFFFFD, v4;
	v0 =	vld.idx.msk [tilespmem:v3+s3+$0x0], $0xffff  }
0x23: {  	vm15 =	vgt.s32 v60, $0x0  }
0x24: {  	v61 =	vld [tilespmem:$0x1FB0];
	v1 =	vnsel vm15, $0x0, v60;
	_ =	sdelay $0x1  }
0x25: {  	vm4 =	vlt.s32 v2, $0x3;
	v2 =	vadd.s32 $0x2800, v2  }
0x26: {  	v0 =	vsel vm4, v2, v0  }
0x27: {  	[tilespmem:$0x1F90] =	vst v0  }
0x28: {  	v62 =	vadd.s32 $0xFFFFFFFD, v61;
	v0 =	vld.idx.msk [tilespmem:v1+s3+$0x0], $0xffff  }
0x29: {  	vm5 =	vgt.s32 v62, $0x0  }
0x2a: {  	v63 =	vld [tilespmem:$0x1FC0];
	v1 =	vnsel vm5, $0x0, v62;
	_ =	sdelay $0x1  }
0x2b: {  	vm6 =	vlt.s32 v4, $0x3;
	v4 =	vadd.s32 $0x2800, v4  }
0x2c: {  	v0 =	vsel vm6, v4, v0  }
0x2d: {  	[tilespmem:$0x1FA0] =	vst v0  }
0x2e: {  	v8 =	vadd.s32 $0xFFFFFFFD, v63;
	v0 =	vld.idx.msk [tilespmem:v1+s3+$0x0], $0xffff  }
0x2f: {  	vm7 =	vgt.s32 v8, $0x0  }
0x30: {  	v9 =	vld [tilespmem:$0x1FD0];
	v1 =	vnsel vm7, $0x0, v8;
	_ =	sdelay $0x1  }
0x31: {  	vm8 =	vlt.s32 v61, $0x3;
	v3 =	vadd.s32 $0x2800, v61  }
0x32: {  	v0 =	vsel vm8, v3, v0  }
0x33: {  	[tilespmem:$0x1FB0] =	vst v0  }
0x34: {  	v10 =	vadd.s32 $0xFFFFFFFD, v9;
	v0 =	vld.idx.msk [tilespmem:v1+s3+$0x0], $0xffff  }
0x35: {  	vm9 =	vgt.s32 v10, $0x0  }
0x36: {  	v11 =	vld [tilespmem:$0x1FE0];
	v1 =	vnsel vm9, $0x0, v10;
	_ =	sdelay $0x1  }
0x37: {  	vm10 =	vlt.s32 v63, $0x3;
	v2 =	vadd.s32 $0x2800, v63  }
0x38: {  	v0 =	vsel vm10, v2, v0  }
0x39: {  	[tilespmem:$0x1FC0] =	vst v0  }
0x3a: {  	v12 =	vadd.s32 $0xFFFFFFFD, v11;
	v0 =	vld.idx.msk [tilespmem:v1+s3+$0x0], $0xffff  }
0x3b: {  	vm11 =	vgt.s32 v12, $0x0  }
0x3c: {  	v13 =	vld [tilespmem:$0x1FF0];
	v1 =	vnsel vm11, $0x0, v12;
	_ =	sdelay $0x1  }
0x3d: {  	vm12 =	vlt.s32 v9, $0x3;
	v4 =	vadd.s32 $0x2800, v9  }
0x3e: {  	v0 =	vsel vm12, v4, v0  }
0x3f: {  	[tilespmem:$0x1FD0] =	vst v0  }
0x40: {  	v14 =	vadd.s32 $0xFFFFFFFD, v13;
	v0 =	vld.idx.msk [tilespmem:v1+s3+$0x0], $0xffff  }
0x41: {  	vm13 =	vgt.s32 v14, $0x0  }
0x42: {  	v15 =	vld [tilespmem:$0x2000];
	v1 =	vnsel vm13, $0x0, v14;
	_ =	sdelay $0x1  }
0x43: {  	vm14 =	vlt.s32 v11, $0x3;
	v3 =	vadd.s32 $0x2800, v11  }
0x44: {  	v0 =	vsel vm14, v3, v0  }
0x45: {  	[tilespmem:$0x1FE0] =	vst v0  }
0x46: {  	v16 =	vadd.s32 $0xFFFFFFFD, v15;
	v0 =	vld.idx.msk [tilespmem:v1+s3+$0x0], $0xffff  }
0x47: {  	vm15 =	vgt.s32 v16, $0x0  }
0x48: {  	v17 =	vld [tilespmem:$0x2010];
	v1 =	vnsel vm15, $0x0, v16;
	_ =	sdelay $0x1  }
0x49: {  	vm4 =	vlt.s32 v13, $0x3;
	v2 =	vadd.s32 $0x2800, v13  }
0x4a: {  	v0 =	vsel vm4, v2, v0  }
0x4b: {  	[tilespmem:$0x1FF0] =	vst v0  }
0x4c: {  	v18 =	vadd.s32 $0xFFFFFFFD, v17;
	v0 =	vld.idx.msk [tilespmem:v1+s3+$0x0], $0xffff  }
0x4d: {  	vm5 =	vgt.s32 v18, $0x0  }
0x4e: {  	v19 =	vld [tilespmem:$0x2020];
	v1 =	vnsel vm5, $0x0, v18;
	_ =	sdelay $0x1  }
0x4f: {  	vm6 =	vlt.s32 v15, $0x3;
	v4 =	vadd.s32 $0x2800, v15  }
0x50: {  	v0 =	vsel vm6, v4, v0  }
0x51: {  	[tilespmem:$0x2000] =	vst v0  }
0x52: {  	v20 =	vadd.s32 $0xFFFFFFFD, v19;
	v0 =	vld.idx.msk [tilespmem:v1+s3+$0x0], $0xffff  }
0x53: {  	vm7 =	vgt.s32 v20, $0x0  }
0x54: {  	v21 =	vld [tilespmem:$0x2030];
	v1 =	vnsel vm7, $0x0, v20;
	_ =	sdelay $0x1  }
0x55: {  	vm8 =	vlt.s32 v17, $0x3;
	v3 =	vadd.s32 $0x2800, v17  }
0x56: {  	v0 =	vsel vm8, v3, v0  }
0x57: {  	[tilespmem:$0x2010] =	vst v0  }
0x58: {  	v22 =	vadd.s32 $0xFFFFFFFD, v21;
	v0 =	vld.idx.msk [tilespmem:v1+s3+$0x0], $0xffff  }
0x59: {  	vm9 =	vgt.s32 v22, $0x0  }
0x5a: {  	v23 =	vld [tilespmem:$0x2040];
	v1 =	vnsel vm9, $0x0, v22;
	_ =	sdelay $0x1  }
0x5b: {  	vm10 =	vlt.s32 v19, $0x3;
	v2 =	vadd.s32 $0x2800, v19  }
0x5c: {  	v0 =	vsel vm10, v2, v0  }
0x5d: {  	[tilespmem:$0x2020] =	vst v0  }
0x5e: {  	v24 =	vadd.s32 $0xFFFFFFFD, v23;
	v0 =	vld.idx.msk [tilespmem:v1+s3+$0x0], $0xffff  }
0x5f: {  	vm11 =	vgt.s32 v24, $0x0  }
0x60: {  	v25 =	vld [tilespmem:$0x2050];
	v1 =	vnsel vm11, $0x0, v24;
	_ =	sdelay $0x1  }
0x61: {  	vm12 =	vlt.s32 v21, $0x3;
	v4 =	vadd.s32 $0x2800, v21  }
0x62: {  	v0 =	vsel vm12, v4, v0  }
0x63: {  	[tilespmem:$0x2030] =	vst v0  }
0x64: {  	v26 =	vadd.s32 $0xFFFFFFFD, v25;
	v0 =	vld.idx.msk [tilespmem:v1+s3+$0x0], $0xffff  }
0x65: {  	vm13 =	vgt.s32 v26, $0x0  }
0x66: {  	v27 =	vld [tilespmem:$0x2060];
	v1 =	vnsel vm13, $0x0, v26;
	_ =	sdelay $0x1  }
0x67: {  	vm14 =	vlt.s32 v23, $0x3;
	v3 =	vadd.s32 $0x2800, v23  }
0x68: {  	v0 =	vsel vm14, v3, v0  }
0x69: {  	[tilespmem:$0x2040] =	vst v0  }
0x6a: {  	v28 =	vadd.s32 $0xFFFFFFFD, v27;
	v0 =	vld.idx.msk [tilespmem:v1+s3+$0x0], $0xffff  }
0x6b: {  	vm15 =	vgt.s32 v28, $0x0  }
0x6c: {  	v29 =	vld [tilespmem:$0x2070];
	v1 =	vnsel vm15, $0x0, v28;
	_ =	sdelay $0x1  }
0x6d: {  	vm4 =	vlt.s32 v25, $0x3;
	v2 =	vadd.s32 $0x2800, v25  }
0x6e: {  	v0 =	vsel vm4, v2, v0  }
0x6f: {  	[tilespmem:$0x2050] =	vst v0  }
0x70: {  	v30 =	vadd.s32 $0xFFFFFFFD, v29;
	v0 =	vld.idx.msk [tilespmem:v1+s3+$0x0], $0xffff  }
0x71: {  	vm5 =	vgt.s32 v30, $0x0  }
0x72: {  	v31 =	vld [tilespmem:$0x2080];
	v1 =	vnsel vm5, $0x0, v30;
	_ =	sdelay $0x1  }
0x73: {  	vm6 =	vlt.s32 v27, $0x3;
	v4 =	vadd.s32 $0x2800, v27  }
0x74: {  	v0 =	vsel vm6, v4, v0  }
0x75: {  	[tilespmem:$0x2060] =	vst v0  }
0x76: {  	v32 =	vadd.s32 $0xFFFFFFFD, v31;
	v0 =	vld.idx.msk [tilespmem:v1+s3+$0x0], $0xffff  }
0x77: {  	vm7 =	vgt.s32 v32, $0x0  }
0x78: {  	v33 =	vld [tilespmem:$0x2090];
	v1 =	vnsel vm7, $0x0, v32;
	_ =	sdelay $0x1  }
0x79: {  	vm8 =	vlt.s32 v29, $0x3;
	v3 =	vadd.s32 $0x2800, v29  }
0x7a: {  	v0 =	vsel vm8, v3, v0  }
0x7b: {  	[tilespmem:$0x2070] =	vst v0  }
0x7c: {  	v34 =	vadd.s32 $0xFFFFFFFD, v33;
	v0 =	vld.idx.msk [tilespmem:v1+s3+$0x0], $0xffff  }
0x7d: {  	vm9 =	vgt.s32 v34, $0x0  }
0x7e: {  	v35 =	vld [tilespmem:$0x20A0];
	v1 =	vnsel vm9, $0x0, v34;
	_ =	sdelay $0x1  }
0x7f: {  	vm10 =	vlt.s32 v31, $0x3;
	v2 =	vadd.s32 $0x2800, v31  }
0x80: {  	v0 =	vsel vm10, v2, v0  }
0x81: {  	[tilespmem:$0x2080] =	vst v0  }
0x82: {  	v36 =	vadd.s32 $0xFFFFFFFD, v35;
	v0 =	vld.idx.msk [tilespmem:v1+s3+$0x0], $0xffff  }
0x83: {  	vm11 =	vgt.s32 v36, $0x0  }
0x84: {  	v37 =	vld [tilespmem:$0x20B0];
	v1 =	vnsel vm11, $0x0, v36;
	_ =	sdelay $0x1  }
0x85: {  	vm12 =	vlt.s32 v33, $0x3;
	v4 =	vadd.s32 $0x2800, v33  }
0x86: {  	v0 =	vsel vm12, v4, v0  }
0x87: {  	[tilespmem:$0x2090] =	vst v0  }
0x88: {  	v38 =	vadd.s32 $0xFFFFFFFD, v37;
	v0 =	vld.idx.msk [tilespmem:v1+s3+$0x0], $0xffff  }
0x89: {  	vm13 =	vgt.s32 v38, $0x0  }
0x8a: {  	v39 =	vld [tilespmem:$0x20C0];
	v1 =	vnsel vm13, $0x0, v38;
	_ =	sdelay $0x1  }
0x8b: {  	vm14 =	vlt.s32 v35, $0x3;
	v3 =	vadd.s32 $0x2800, v35  }
0x8c: {  	v0 =	vsel vm14, v3, v0  }
0x8d: {  	[tilespmem:$0x20A0] =	vst v0  }
0x8e: {  	v40 =	vadd.s32 $0xFFFFFFFD, v39;
	v0 =	vld.idx.msk [tilespmem:v1+s3+$0x0], $0xffff  }
0x8f: {  	vm15 =	vgt.s32 v40, $0x0  }
0x90: {  	v41 =	vld [tilespmem:$0x20D0];
	v1 =	vnsel vm15, $0x0, v40;
	_ =	sdelay $0x1  }
0x91: {  	vm4 =	vlt.s32 v37, $0x3;
	v2 =	vadd.s32 $0x2800, v37  }
0x92: {  	v0 =	vsel vm4, v2, v0  }
0x93: {  	[tilespmem:$0x20B0] =	vst v0  }
0x94: {  	v42 =	vadd.s32 $0xFFFFFFFD, v41;
	v0 =	vld.idx.msk [tilespmem:v1+s3+$0x0], $0xffff  }
0x95: {  	vm5 =	vgt.s32 v42, $0x0  }
0x96: {  	v43 =	vld [tilespmem:$0x20E0];
	v1 =	vnsel vm5, $0x0, v42;
	_ =	sdelay $0x1  }
0x97: {  	vm6 =	vlt.s32 v39, $0x3;
	v4 =	vadd.s32 $0x2800, v39  }
0x98: {  	v0 =	vsel vm6, v4, v0  }
0x99: {  	[tilespmem:$0x20C0] =	vst v0  }
0x9a: {  	v44 =	vadd.s32 $0xFFFFFFFD, v43;
	v0 =	vld.idx.msk [tilespmem:v1+s3+$0x0], $0xffff  }
0x9b: {  	vm7 =	vgt.s32 v44, $0x0  }
0x9c: {  	v45 =	vld [tilespmem:$0x20F0];
	v1 =	vnsel vm7, $0x0, v44;
	_ =	sdelay $0x1  }
0x9d: {  	vm8 =	vlt.s32 v41, $0x3;
	v3 =	vadd.s32 $0x2800, v41  }
0x9e: {  	v0 =	vsel vm8, v3, v0  }
0x9f: {  	[tilespmem:$0x20D0] =	vst v0  }
0xa0: {  	v46 =	vadd.s32 $0xFFFFFFFD, v45;
	v0 =	vld.idx.msk [tilespmem:v1+s3+$0x0], $0xffff  }
0xa1: {  	vm9 =	vgt.s32 v46, $0x0  }
0xa2: {  	v47 =	vld [tilespmem:$0x2100];
	v1 =	vnsel vm9, $0x0, v46;
	_ =	sdelay $0x1  }
0xa3: {  	vm10 =	vlt.s32 v43, $0x3;
	v2 =	vadd.s32 $0x2800, v43  }
0xa4: {  	v0 =	vsel vm10, v2, v0  }
0xa5: {  	[tilespmem:$0x20E0] =	vst v0  }
0xa6: {  	v48 =	vadd.s32 $0xFFFFFFFD, v47;
	v0 =	vld.idx.msk [tilespmem:v1+s3+$0x0], $0xffff  }
0xa7: {  	vm11 =	vgt.s32 v48, $0x0  }
0xa8: {  	v49 =	vld [tilespmem:$0x2110];
	v1 =	vnsel vm11, $0x0, v48;
	_ =	sdelay $0x1  }
0xa9: {  	vm12 =	vlt.s32 v45, $0x3;
	v4 =	vadd.s32 $0x2800, v45  }
0xaa: {  	v0 =	vsel vm12, v4, v0  }
0xab: {  	[tilespmem:$0x20F0] =	vst v0  }
0xac: {  	v50 =	vadd.s32 $0xFFFFFFFD, v49;
	v0 =	vld.idx.msk [tilespmem:v1+s3+$0x0], $0xffff  }
0xad: {  	vm13 =	vgt.s32 v50, $0x0  }
0xae: {  	v51 =	vld [tilespmem:$0x2120];
	v1 =	vnsel vm13, $0x0, v50;
	_ =	sdelay $0x1  }
0xaf: {  	vm14 =	vlt.s32 v47, $0x3;
	v3 =	vadd.s32 $0x2800, v47  }
0xb0: {  	v0 =	vsel vm14, v3, v0  }
0xb1: {  	[tilespmem:$0x2100] =	vst v0  }
0xb2: {  	v52 =	vadd.s32 $0xFFFFFFFD, v51;
	v0 =	vld.idx.msk [tilespmem:v1+s3+$0x0], $0xffff  }
0xb3: {  	vm15 =	vgt.s32 v52, $0x0  }
0xb4: {  	v53 =	vld [tilespmem:$0x2130];
	v1 =	vnsel vm15, $0x0, v52;
	_ =	sdelay $0x1  }
0xb5: {  	vm4 =	vlt.s32 v49, $0x3;
	v2 =	vadd.s32 $0x2800, v49  }
0xb6: {  	v0 =	vsel vm4, v2, v0  }
0xb7: {  	[tilespmem:$0x2110] =	vst v0  }
0xb8: {  	v54 =	vadd.s32 $0xFFFFFFFD, v53;
	v0 =	vld.idx.msk [tilespmem:v1+s3+$0x0], $0xffff  }
0xb9: {  	vm5 =	vgt.s32 v54, $0x0  }
0xba: {  	v55 =	vld [tilespmem:$0x2140];
	v1 =	vnsel vm5, $0x0, v54;
	_ =	sdelay $0x1  }
0xbb: {  	vm6 =	vlt.s32 v51, $0x3;
	v4 =	vadd.s32 $0x2800, v51  }
0xbc: {  	v0 =	vsel vm6, v4, v0  }
0xbd: {  	[tilespmem:$0x2120] =	vst v0  }
0xbe: {  	v56 =	vadd.s32 $0xFFFFFFFD, v55;
	v0 =	vld.idx.msk [tilespmem:v1+s3+$0x0], $0xffff  }
0xbf: {  	vm7 =	vgt.s32 v56, $0x0  }
0xc0: {  	v57 =	vld [tilespmem:$0x2150];
	v1 =	vnsel vm7, $0x0, v56;
	_ =	sdelay $0x1  }
0xc1: {  	vm8 =	vlt.s32 v53, $0x3;
	v3 =	vadd.s32 $0x2800, v53  }
0xc2: {  	v0 =	vsel vm8, v3, v0  }
0xc3: {  	[tilespmem:$0x2130] =	vst v0  }
0xc4: {  	v58 =	vadd.s32 $0xFFFFFFFD, v57;
	v0 =	vld.idx.msk [tilespmem:v1+s3+$0x0], $0xffff  }
0xc5: {  	vm9 =	vgt.s32 v58, $0x0  }
0xc6: {  	v59 =	vld [tilespmem:$0x2160];
	v1 =	vnsel vm9, $0x0, v58;
	_ =	sdelay $0x1  }
0xc7: {  	vm10 =	vlt.s32 v55, $0x3;
	v2 =	vadd.s32 $0x2800, v55  }
0xc8: {  	v0 =	vsel vm10, v2, v0  }
0xc9: {  	[tilespmem:$0x2140] =	vst v0  }
0xca: {  	v60 =	vadd.s32 $0xFFFFFFFD, v59;
	v0 =	vld.idx.msk [tilespmem:v1+s3+$0x0], $0xffff  }
0xcb: {  	vm11 =	vgt.s32 v60, $0x0  }
0xcc: {  	v61 =	vld [tilespmem:$0x2170];
	v1 =	vnsel vm11, $0x0, v60;
	_ =	sdelay $0x1  }
0xcd: {  	vm12 =	vlt.s32 v57, $0x3;
	v4 =	vadd.s32 $0x2800, v57  }
0xce: {  	v0 =	vsel vm12, v4, v0  }
0xcf: {  	[tilespmem:$0x2150] =	vst v0  }
0xd0: {  	v62 =	vadd.s32 $0xFFFFFFFD, v61;
	v0 =	vld.idx.msk [tilespmem:v1+s3+$0x0], $0xffff  }
0xd1: {  	vm13 =	vgt.s32 v62, $0x0  }
0xd2: {  	v1 =	vnsel vm13, $0x0, v62;
	_ =	sdelay $0x1  }
0xd3: {  	vm14 =	vlt.s32 v59, $0x3;
	v3 =	vadd.s32 $0x2800, v59  }
0xd4: {  	v0 =	vsel vm14, v3, v0  }
0xd5: {  	[tilespmem:$0x2160] =	vst v0  }
0xd6: {  	v0 =	vld.idx.msk [tilespmem:v1+s3+$0x0], $0xffff;
	_ =	sdelay $0x3  }
0xd7: {  	v63 =	vadd.s32 $0x2800, v61;
	vm15 =	vlt.s32 v61, $0x3  }
0xd8: {  	v0 =	vsel vm15, v63, v0  }
0xd9: {  	s19 =	simm.s32 $0x7;
	s20 =	simm.s32 $0x0;
	s21 =	smov.u32 s7;
	[tilespmem:$0x2170] =	vst v0  }
.LBB2_2:
0xda: {  	s22 =	sshra.s32 s20, $0x2  }
0xdb: {  	s23 =	sadd.s32 $0x1F80, s22  }
0xdc: {  	[tilespmem:s11], [sflag:$0x1] =	stream.indirect.gather [hbm4b:s4+s10], $0x80, s23, s10, $0xb8;
	[tilespmem:$0x18780] =	vst v63  }
0xdd: {  	s24 =	rddreg [dreg:$0x4];
	s31 =	sadd.s32 $0xFFFFFFFD, s19;
	s28 =	sadd.s32 $0x2000, s22  }
0xde: {  	[tilespmem:s24], [sflag:$0x2] =	stream.indirect.gather [hbm4b:s4+s10], $0x80, s28, s10, $0xb8;
	[tilespmem:$0x18780] =	vst v63  }
0xdf: {  	s25 =	rddreg [dreg:$0x5];
	s29 =	sadd.s32 $0x2080, s22;
	s23 =	smin.u32 s31, $0xC7  }
0xe0: {  	[tilespmem:s25], [sflag:$0x3] =	stream.indirect.gather [hbm4b:s4+s10], $0x80, s29, s10, $0xb8;
	[tilespmem:$0x18780] =	vst v63  }
0xe1: {  	s30 =	sadd.s32 $0x2100, s22;
	s23 =	sshll.u32 s23, $0x7  }
0xe2: {  	[tilespmem:s12], [sflag:$0x4] =	stream.indirect.gather [hbm4b:s4+s10], $0x80, s30, s10, $0xb8;
	[tilespmem:$0x18780] =	vst v63  }
0xe3: {  	v0 =	vld [tilespmem:s23+$0x1F80];
	_ =	sdelay $0x4  }
0xe4: {  	v1 =	vadd.s32 $0xFFFFFFFD, v0  }
0xe5: {  	vm0 =	vgt.s32 v1, $0x0  }
0xe6: {  	v1 =	vnsel vm0, $0x0, v1;
	_ =	sdelay $0x4  }
0xe7: {  	v1 =	vld.idx.msk [tilespmem:v1+s3+$0x0], $0xffff;
	_ =	sdelay $0x3  }
0xe8: {  	vm13 =	vlt.s32 v0, $0x3;
	v0 =	vadd.s32 $0x2800, v0  }
0xe9: {  	v0 =	vsel vm13, v0, v1  }
0xea: {  	[tilespmem:s22+$0x2180] =	vst v0  }
0xeb: {  	v0 =	vld [tilespmem:s23+$0x1F90];
	_ =	sdelay $0x4  }
0xec: {  	v33 =	vadd.s32 $0xFFFFFFFD, v0  }
0xed: {  	vm14 =	vgt.s32 v33, $0x0  }
0xee: {  	v1 =	vnsel vm14, $0x0, v33;
	_ =	sdelay $0x4  }
0xef: {  	v1 =	vld.idx.msk [tilespmem:v1+s3+$0x0], $0xffff;
	_ =	sdelay $0x3  }
0xf0: {  	vm15 =	vlt.s32 v0, $0x3;
	v0 =	vadd.s32 $0x2800, v0  }
0xf1: {  	v0 =	vsel vm15, v0, v1  }
0xf2: {  	[tilespmem:s22+$0x2190] =	vst v0  }
0xf3: {  	v0 =	vld [tilespmem:s23+$0x1FA0];
	_ =	sdelay $0x4  }
0xf4: {  	v34 =	vadd.s32 $0xFFFFFFFD, v0  }
0xf5: {  	vm4 =	vgt.s32 v34, $0x0  }
0xf6: {  	v1 =	vnsel vm4, $0x0, v34;
	_ =	sdelay $0x4  }
0xf7: {  	v1 =	vld.idx.msk [tilespmem:v1+s3+$0x0], $0xffff;
	_ =	sdelay $0x3  }
0xf8: {  	vm5 =	vlt.s32 v0, $0x3;
	v0 =	vadd.s32 $0x2800, v0  }
0xf9: {  	v0 =	vsel vm5, v0, v1  }
0xfa: {  	[tilespmem:s22+$0x21A0] =	vst v0  }
0xfb: {  	v0 =	vld [tilespmem:s23+$0x1FB0];
	_ =	sdelay $0x4  }
0xfc: {  	v35 =	vadd.s32 $0xFFFFFFFD, v0  }
0xfd: {  	vm6 =	vgt.s32 v35, $0x0  }
0xfe: {  	v1 =	vnsel vm6, $0x0, v35;
	_ =	sdelay $0x4  }
0xff: {  	v1 =	vld.idx.msk [tilespmem:v1+s3+$0x0], $0xffff;
	_ =	sdelay $0x3  }
0x100: {  	vm7 =	vlt.s32 v0, $0x3;
	v0 =	vadd.s32 $0x2800, v0  }
0x101: {  	v0 =	vsel vm7, v0, v1  }
0x102: {  	[tilespmem:s22+$0x21B0] =	vst v0  }
0x103: {  	v0 =	vld [tilespmem:s23+$0x1FC0];
	_ =	sdelay $0x4  }
0x104: {  	v36 =	vadd.s32 $0xFFFFFFFD, v0  }
0x105: {  	vm8 =	vgt.s32 v36, $0x0  }
0x106: {  	v1 =	vnsel vm8, $0x0, v36;
	_ =	sdelay $0x4  }
0x107: {  	v1 =	vld.idx.msk [tilespmem:v1+s3+$0x0], $0xffff;
	_ =	sdelay $0x3  }
0x108: {  	vm9 =	vlt.s32 v0, $0x3;
	v0 =	vadd.s32 $0x2800, v0  }
0x109: {  	v0 =	vsel vm9, v0, v1  }
0x10a: {  	[tilespmem:s22+$0x21C0] =	vst v0  }
0x10b: {  	v0 =	vld [tilespmem:s23+$0x1FD0];
	_ =	sdelay $0x4  }
0x10c: {  	v37 =	vadd.s32 $0xFFFFFFFD, v0  }
0x10d: {  	vm10 =	vgt.s32 v37, $0x0  }
0x10e: {  	v1 =	vnsel vm10, $0x0, v37;
	_ =	sdelay $0x4  }
0x10f: {  	v1 =	vld.idx.msk [tilespmem:v1+s3+$0x0], $0xffff;
	_ =	sdelay $0x3  }
0x110: {  	vm11 =	vlt.s32 v0, $0x3;
	v0 =	vadd.s32 $0x2800, v0  }
0x111: {  	v0 =	vsel vm11, v0, v1  }
0x112: {  	[tilespmem:s22+$0x21D0] =	vst v0  }
0x113: {  	v0 =	vld [tilespmem:s23+$0x1FE0];
	_ =	sdelay $0x4  }
0x114: {  	v38 =	vadd.s32 $0xFFFFFFFD, v0  }
0x115: {  	vm12 =	vgt.s32 v38, $0x0  }
0x116: {  	v1 =	vnsel vm12, $0x0, v38;
	_ =	sdelay $0x4  }
0x117: {  	v1 =	vld.idx.msk [tilespmem:v1+s3+$0x0], $0xffff;
	_ =	sdelay $0x3  }
0x118: {  	vm13 =	vlt.s32 v0, $0x3;
	v0 =	vadd.s32 $0x2800, v0  }
0x119: {  	v0 =	vsel vm13, v0, v1  }
0x11a: {  	[tilespmem:s22+$0x21E0] =	vst v0  }
0x11b: {  	v0 =	vld [tilespmem:s23+$0x1FF0];
	_ =	sdelay $0x4  }
0x11c: {  	v39 =	vadd.s32 $0xFFFFFFFD, v0  }
0x11d: {  	vm14 =	vgt.s32 v39, $0x0  }
0x11e: {  	v1 =	vnsel vm14, $0x0, v39;
	_ =	sdelay $0x4  }
0x11f: {  	v1 =	vld.idx.msk [tilespmem:v1+s3+$0x0], $0xffff;
	_ =	sdelay $0x1  }
0x120: {  	s23 =	sadd.s32 $0xFFFFFFFE, s19  }
0x121: {  	p0 =	slt.s32 s23, $0xC7  }
0x122: {  	s23 =	simm.s32 @!p0 $0xC7;
	vm15 =	vlt.s32 v0, $0x3;
	v0 =	vadd.s32 $0x2800, v0  }
0x123: {  	s23 =	sshll.u32 s23, $0x7;
	v0 =	vsel vm15, v0, v1  }
0x124: {  	s23 =	sand.u32 $0x3FFFFF80, s23;
	[tilespmem:s22+$0x21F0] =	vst v0  }
0x125: {  	v0 =	vld [tilespmem:s23+$0x1F80];
	_ =	sdelay $0x4  }
0x126: {  	v40 =	vadd.s32 $0xFFFFFFFD, v0  }
0x127: {  	vm4 =	vgt.s32 v40, $0x0  }
0x128: {  	v1 =	vnsel vm4, $0x0, v40;
	_ =	sdelay $0x4  }
0x129: {  	v1 =	vld.idx.msk [tilespmem:v1+s3+$0x0], $0xffff;
	_ =	sdelay $0x3  }
0x12a: {  	vm5 =	vlt.s32 v0, $0x3;
	v0 =	vadd.s32 $0x2800, v0  }
0x12b: {  	v0 =	vsel vm5, v0, v1  }
0x12c: {  	[tilespmem:s22+$0x2200] =	vst v0  }
0x12d: {  	v0 =	vld [tilespmem:s23+$0x1F90];
	_ =	sdelay $0x4  }
0x12e: {  	v41 =	vadd.s32 $0xFFFFFFFD, v0  }
0x12f: {  	vm6 =	vgt.s32 v41, $0x0  }
0x130: {  	v1 =	vnsel vm6, $0x0, v41;
	_ =	sdelay $0x4  }
0x131: {  	v1 =	vld.idx.msk [tilespmem:v1+s3+$0x0], $0xffff;
	_ =	sdelay $0x3  }
0x132: {  	vm7 =	vlt.s32 v0, $0x3;
	v0 =	vadd.s32 $0x2800, v0  }
0x133: {  	v0 =	vsel vm7, v0, v1  }
0x134: {  	[tilespmem:s22+$0x2210] =	vst v0  }
0x135: {  	v0 =	vld [tilespmem:s23+$0x1FA0];
	_ =	sdelay $0x4  }
0x136: {  	v42 =	vadd.s32 $0xFFFFFFFD, v0  }
0x137: {  	vm8 =	vgt.s32 v42, $0x0  }
0x138: {  	v1 =	vnsel vm8, $0x0, v42;
	_ =	sdelay $0x4  }
0x139: {  	v1 =	vld.idx.msk [tilespmem:v1+s3+$0x0], $0xffff;
	_ =	sdelay $0x3  }
0x13a: {  	vm9 =	vlt.s32 v0, $0x3;
	v0 =	vadd.s32 $0x2800, v0  }
0x13b: {  	v0 =	vsel vm9, v0, v1  }
0x13c: {  	[tilespmem:s22+$0x2220] =	vst v0  }
0x13d: {  	v0 =	vld [tilespmem:s23+$0x1FB0];
	_ =	sdelay $0x4  }
0x13e: {  	v43 =	vadd.s32 $0xFFFFFFFD, v0  }
0x13f: {  	vm10 =	vgt.s32 v43, $0x0  }
0x140: {  	v1 =	vnsel vm10, $0x0, v43;
	_ =	sdelay $0x4  }
0x141: {  	v1 =	vld.idx.msk [tilespmem:v1+s3+$0x0], $0xffff;
	_ =	sdelay $0x3  }
0x142: {  	vm11 =	vlt.s32 v0, $0x3;
	v0 =	vadd.s32 $0x2800, v0  }
0x143: {  	v0 =	vsel vm11, v0, v1  }
0x144: {  	[tilespmem:s22+$0x2230] =	vst v0  }
0x145: {  	v0 =	vld [tilespmem:s23+$0x1FC0];
	_ =	sdelay $0x4  }
0x146: {  	v44 =	vadd.s32 $0xFFFFFFFD, v0  }
0x147: {  	vm12 =	vgt.s32 v44, $0x0  }
0x148: {  	v1 =	vnsel vm12, $0x0, v44;
	_ =	sdelay $0x4  }
0x149: {  	v1 =	vld.idx.msk [tilespmem:v1+s3+$0x0], $0xffff;
	_ =	sdelay $0x3  }
0x14a: {  	vm13 =	vlt.s32 v0, $0x3;
	v0 =	vadd.s32 $0x2800, v0  }
0x14b: {  	v0 =	vsel vm13, v0, v1  }
0x14c: {  	[tilespmem:s22+$0x2240] =	vst v0  }
0x14d: {  	v0 =	vld [tilespmem:s23+$0x1FD0];
	_ =	sdelay $0x4  }
0x14e: {  	v45 =	vadd.s32 $0xFFFFFFFD, v0  }
0x14f: {  	vm14 =	vgt.s32 v45, $0x0  }
0x150: {  	v1 =	vnsel vm14, $0x0, v45;
	_ =	sdelay $0x4  }
0x151: {  	v1 =	vld.idx.msk [tilespmem:v1+s3+$0x0], $0xffff;
	_ =	sdelay $0x3  }
0x152: {  	vm15 =	vlt.s32 v0, $0x3;
	v0 =	vadd.s32 $0x2800, v0  }
0x153: {  	v0 =	vsel vm15, v0, v1  }
0x154: {  	[tilespmem:s22+$0x2250] =	vst v0  }
0x155: {  	v0 =	vld [tilespmem:s23+$0x1FE0];
	_ =	sdelay $0x4  }
0x156: {  	v46 =	vadd.s32 $0xFFFFFFFD, v0  }
0x157: {  	vm4 =	vgt.s32 v46, $0x0  }
0x158: {  	v1 =	vnsel vm4, $0x0, v46;
	_ =	sdelay $0x4  }
0x159: {  	v1 =	vld.idx.msk [tilespmem:v1+s3+$0x0], $0xffff;
	_ =	sdelay $0x3  }
0x15a: {  	vm5 =	vlt.s32 v0, $0x3;
	v0 =	vadd.s32 $0x2800, v0  }
0x15b: {  	v0 =	vsel vm5, v0, v1  }
0x15c: {  	[tilespmem:s22+$0x2260] =	vst v0  }
0x15d: {  	v0 =	vld [tilespmem:s23+$0x1FF0];
	_ =	sdelay $0x4  }
0x15e: {  	v47 =	vadd.s32 $0xFFFFFFFD, v0  }
0x15f: {  	vm6 =	vgt.s32 v47, $0x0  }
0x160: {  	v1 =	vnsel vm6, $0x0, v47;
	_ =	sdelay $0x4  }
0x161: {  	v1 =	vld.idx.msk [tilespmem:v1+s3+$0x0], $0xffff;
	_ =	sdelay $0x1  }
0x162: {  	s23 =	sadd.s32 $0xFFFFFFFF, s19  }
0x163: {  	p0 =	slt.s32 s23, $0xC7  }
0x164: {  	s23 =	simm.s32 @!p0 $0xC7;
	vm7 =	vlt.s32 v0, $0x3;
	v0 =	vadd.s32 $0x2800, v0  }
0x165: {  	s23 =	sshll.u32 s23, $0x7;
	v0 =	vsel vm7, v0, v1  }
0x166: {  	s23 =	sand.u32 $0x3FFFFF80, s23;
	[tilespmem:s22+$0x2270] =	vst v0  }
0x167: {  	v0 =	vld [tilespmem:s23+$0x1F80];
	_ =	sdelay $0x4  }
0x168: {  	v48 =	vadd.s32 $0xFFFFFFFD, v0  }
0x169: {  	vm8 =	vgt.s32 v48, $0x0  }
0x16a: {  	v1 =	vnsel vm8, $0x0, v48;
	_ =	sdelay $0x4  }
0x16b: {  	v1 =	vld.idx.msk [tilespmem:v1+s3+$0x0], $0xffff;
	_ =	sdelay $0x3  }
0x16c: {  	vm9 =	vlt.s32 v0, $0x3;
	v0 =	vadd.s32 $0x2800, v0  }
0x16d: {  	v0 =	vsel vm9, v0, v1  }
0x16e: {  	[tilespmem:s22+$0x2280] =	vst v0  }
0x16f: {  	v0 =	vld [tilespmem:s23+$0x1F90];
	_ =	sdelay $0x4  }
0x170: {  	v49 =	vadd.s32 $0xFFFFFFFD, v0  }
0x171: {  	vm10 =	vgt.s32 v49, $0x0  }
0x172: {  	v1 =	vnsel vm10, $0x0, v49;
	_ =	sdelay $0x4  }
0x173: {  	v1 =	vld.idx.msk [tilespmem:v1+s3+$0x0], $0xffff;
	_ =	sdelay $0x3  }
0x174: {  	vm11 =	vlt.s32 v0, $0x3;
	v0 =	vadd.s32 $0x2800, v0  }
0x175: {  	v0 =	vsel vm11, v0, v1  }
0x176: {  	[tilespmem:s22+$0x2290] =	vst v0  }
0x177: {  	v0 =	vld [tilespmem:s23+$0x1FA0];
	_ =	sdelay $0x4  }
0x178: {  	v50 =	vadd.s32 $0xFFFFFFFD, v0  }
0x179: {  	vm12 =	vgt.s32 v50, $0x0  }
0x17a: {  	v1 =	vnsel vm12, $0x0, v50;
	_ =	sdelay $0x4  }
0x17b: {  	v1 =	vld.idx.msk [tilespmem:v1+s3+$0x0], $0xffff;
	_ =	sdelay $0x3  }
0x17c: {  	vm13 =	vlt.s32 v0, $0x3;
	v0 =	vadd.s32 $0x2800, v0  }
0x17d: {  	v0 =	vsel vm13, v0, v1  }
0x17e: {  	[tilespmem:s22+$0x22A0] =	vst v0  }
0x17f: {  	v0 =	vld [tilespmem:s23+$0x1FB0];
	_ =	sdelay $0x4  }
0x180: {  	v51 =	vadd.s32 $0xFFFFFFFD, v0  }
0x181: {  	vm14 =	vgt.s32 v51, $0x0  }
0x182: {  	v1 =	vnsel vm14, $0x0, v51;
	_ =	sdelay $0x4  }
0x183: {  	v1 =	vld.idx.msk [tilespmem:v1+s3+$0x0], $0xffff;
	_ =	sdelay $0x3  }
0x184: {  	vm15 =	vlt.s32 v0, $0x3;
	v0 =	vadd.s32 $0x2800, v0  }
0x185: {  	v0 =	vsel vm15, v0, v1  }
0x186: {  	[tilespmem:s22+$0x22B0] =	vst v0  }
0x187: {  	v0 =	vld [tilespmem:s23+$0x1FC0];
	_ =	sdelay $0x4  }
0x188: {  	v52 =	vadd.s32 $0xFFFFFFFD, v0  }
0x189: {  	vm4 =	vgt.s32 v52, $0x0  }
0x18a: {  	v1 =	vnsel vm4, $0x0, v52;
	_ =	sdelay $0x4  }
0x18b: {  	v1 =	vld.idx.msk [tilespmem:v1+s3+$0x0], $0xffff;
	_ =	sdelay $0x3  }
0x18c: {  	vm5 =	vlt.s32 v0, $0x3;
	v0 =	vadd.s32 $0x2800, v0  }
0x18d: {  	v0 =	vsel vm5, v0, v1  }
0x18e: {  	[tilespmem:s22+$0x22C0] =	vst v0  }
0x18f: {  	v0 =	vld [tilespmem:s23+$0x1FD0];
	_ =	sdelay $0x4  }
0x190: {  	v53 =	vadd.s32 $0xFFFFFFFD, v0  }
0x191: {  	vm6 =	vgt.s32 v53, $0x0  }
0x192: {  	v1 =	vnsel vm6, $0x0, v53;
	_ =	sdelay $0x4  }
0x193: {  	v1 =	vld.idx.msk [tilespmem:v1+s3+$0x0], $0xffff;
	_ =	sdelay $0x3  }
0x194: {  	vm7 =	vlt.s32 v0, $0x3;
	v0 =	vadd.s32 $0x2800, v0  }
0x195: {  	v0 =	vsel vm7, v0, v1  }
0x196: {  	[tilespmem:s22+$0x22D0] =	vst v0  }
0x197: {  	v0 =	vld [tilespmem:s23+$0x1FE0];
	_ =	sdelay $0x4  }
0x198: {  	v54 =	vadd.s32 $0xFFFFFFFD, v0  }
0x199: {  	vm8 =	vgt.s32 v54, $0x0  }
0x19a: {  	v1 =	vnsel vm8, $0x0, v54;
	_ =	sdelay $0x4  }
0x19b: {  	v1 =	vld.idx.msk [tilespmem:v1+s3+$0x0], $0xffff;
	_ =	sdelay $0x3  }
0x19c: {  	vm9 =	vlt.s32 v0, $0x3;
	v0 =	vadd.s32 $0x2800, v0  }
0x19d: {  	v0 =	vsel vm9, v0, v1  }
0x19e: {  	[tilespmem:s22+$0x22E0] =	vst v0  }
0x19f: {  	v0 =	vld [tilespmem:s23+$0x1FF0];
	_ =	sdelay $0x4  }
0x1a0: {  	v55 =	vadd.s32 $0xFFFFFFFD, v0  }
0x1a1: {  	vm10 =	vgt.s32 v55, $0x0  }
0x1a2: {  	v1 =	vnsel vm10, $0x0, v55;
	_ =	sdelay $0x4  }
0x1a3: {  	v1 =	vld.idx.msk [tilespmem:v1+s3+$0x0], $0xffff;
	_ =	sdelay $0x2  }
0x1a4: {  	p0 =	slt.s32 s19, $0xC7;
	s23 =	smov.u32 s19  }
0x1a5: {  	s23 =	simm.s32 @!p0 $0xC7;
	vm11 =	vlt.s32 v0, $0x3;
	v0 =	vadd.s32 $0x2800, v0  }
0x1a6: {  	s23 =	sshll.u32 s23, $0x7;
	v0 =	vsel vm11, v0, v1  }
0x1a7: {  	s23 =	sand.u32 $0x3FFFFF80, s23;
	[tilespmem:s22+$0x22F0] =	vst v0  }
0x1a8: {  	v0 =	vld [tilespmem:s23+$0x1F80];
	_ =	sdelay $0x4  }
0x1a9: {  	v56 =	vadd.s32 $0xFFFFFFFD, v0  }
0x1aa: {  	vm12 =	vgt.s32 v56, $0x0  }
0x1ab: {  	v1 =	vnsel vm12, $0x0, v56;
	_ =	sdelay $0x4  }
0x1ac: {  	v1 =	vld.idx.msk [tilespmem:v1+s3+$0x0], $0xffff;
	_ =	sdelay $0x3  }
0x1ad: {  	vm13 =	vlt.s32 v0, $0x3;
	v0 =	vadd.s32 $0x2800, v0  }
0x1ae: {  	v0 =	vsel vm13, v0, v1  }
0x1af: {  	[tilespmem:s22+$0x2300] =	vst v0  }
0x1b0: {  	v0 =	vld [tilespmem:s23+$0x1F90];
	_ =	sdelay $0x4  }
0x1b1: {  	v57 =	vadd.s32 $0xFFFFFFFD, v0  }
0x1b2: {  	vm14 =	vgt.s32 v57, $0x0  }
0x1b3: {  	v1 =	vnsel vm14, $0x0, v57;
	_ =	sdelay $0x4  }
0x1b4: {  	v1 =	vld.idx.msk [tilespmem:v1+s3+$0x0], $0xffff;
	_ =	sdelay $0x3  }
0x1b5: {  	vm15 =	vlt.s32 v0, $0x3;
	v0 =	vadd.s32 $0x2800, v0  }
0x1b6: {  	v0 =	vsel vm15, v0, v1  }
0x1b7: {  	[tilespmem:s22+$0x2310] =	vst v0  }
0x1b8: {  	v0 =	vld [tilespmem:s23+$0x1FA0];
	_ =	sdelay $0x4  }
0x1b9: {  	v58 =	vadd.s32 $0xFFFFFFFD, v0  }
0x1ba: {  	vm4 =	vgt.s32 v58, $0x0  }
0x1bb: {  	v1 =	vnsel vm4, $0x0, v58;
	_ =	sdelay $0x4  }
0x1bc: {  	v1 =	vld.idx.msk [tilespmem:v1+s3+$0x0], $0xffff;
	_ =	sdelay $0x3  }
0x1bd: {  	vm5 =	vlt.s32 v0, $0x3;
	v0 =	vadd.s32 $0x2800, v0  }
0x1be: {  	v0 =	vsel vm5, v0, v1  }
0x1bf: {  	[tilespmem:s22+$0x2320] =	vst v0  }
0x1c0: {  	v0 =	vld [tilespmem:s23+$0x1FB0];
	_ =	sdelay $0x4  }
0x1c1: {  	v59 =	vadd.s32 $0xFFFFFFFD, v0  }
0x1c2: {  	vm6 =	vgt.s32 v59, $0x0  }
0x1c3: {  	v1 =	vnsel vm6, $0x0, v59;
	_ =	sdelay $0x4  }
0x1c4: {  	v1 =	vld.idx.msk [tilespmem:v1+s3+$0x0], $0xffff;
	_ =	sdelay $0x3  }
0x1c5: {  	vm7 =	vlt.s32 v0, $0x3;
	v0 =	vadd.s32 $0x2800, v0  }
0x1c6: {  	v0 =	vsel vm7, v0, v1  }
0x1c7: {  	[tilespmem:s22+$0x2330] =	vst v0  }
0x1c8: {  	v0 =	vld [tilespmem:s23+$0x1FC0];
	_ =	sdelay $0x4  }
0x1c9: {  	v60 =	vadd.s32 $0xFFFFFFFD, v0  }
0x1ca: {  	vm8 =	vgt.s32 v60, $0x0  }
0x1cb: {  	v1 =	vnsel vm8, $0x0, v60;
	_ =	sdelay $0x4  }
0x1cc: {  	v1 =	vld.idx.msk [tilespmem:v1+s3+$0x0], $0xffff;
	_ =	sdelay $0x3  }
0x1cd: {  	vm9 =	vlt.s32 v0, $0x3;
	v0 =	vadd.s32 $0x2800, v0  }
0x1ce: {  	v0 =	vsel vm9, v0, v1  }
0x1cf: {  	[tilespmem:s22+$0x2340] =	vst v0  }
0x1d0: {  	v0 =	vld [tilespmem:s23+$0x1FD0];
	_ =	sdelay $0x4  }
0x1d1: {  	v61 =	vadd.s32 $0xFFFFFFFD, v0  }
0x1d2: {  	vm10 =	vgt.s32 v61, $0x0  }
0x1d3: {  	v1 =	vnsel vm10, $0x0, v61;
	_ =	sdelay $0x4  }
0x1d4: {  	v1 =	vld.idx.msk [tilespmem:v1+s3+$0x0], $0xffff;
	_ =	sdelay $0x3  }
0x1d5: {  	vm11 =	vlt.s32 v0, $0x3;
	v0 =	vadd.s32 $0x2800, v0  }
0x1d6: {  	v0 =	vsel vm11, v0, v1  }
0x1d7: {  	[tilespmem:s22+$0x2350] =	vst v0  }
0x1d8: {  	v0 =	vld [tilespmem:s23+$0x1FE0];
	_ =	sdelay $0x4  }
0x1d9: {  	v62 =	vadd.s32 $0xFFFFFFFD, v0  }
0x1da: {  	vm12 =	vgt.s32 v62, $0x0  }
0x1db: {  	v1 =	vnsel vm12, $0x0, v62;
	_ =	sdelay $0x4  }
0x1dc: {  	v1 =	vld.idx.msk [tilespmem:v1+s3+$0x0], $0xffff;
	_ =	sdelay $0x3  }
0x1dd: {  	vm13 =	vlt.s32 v0, $0x3;
	v0 =	vadd.s32 $0x2800, v0  }
0x1de: {  	v0 =	vsel vm13, v0, v1  }
0x1df: {  	[tilespmem:s22+$0x2360] =	vst v0  }
0x1e0: {  	v0 =	vld [tilespmem:s23+$0x1FF0];
	_ =	sdelay $0x4  }
0x1e1: {  	v63 =	vadd.s32 $0xFFFFFFFD, v0  }
0x1e2: {  	vm14 =	vgt.s32 v63, $0x0  }
0x1e3: {  	v1 =	vnsel vm14, $0x0, v63;
	_ =	sdelay $0x4  }
0x1e4: {  	v1 =	vld.idx.msk [tilespmem:v1+s3+$0x0], $0xffff;
	_ =	sdelay $0x3  }
0x1e5: {  	vm15 =	vlt.s32 v0, $0x3;
	v0 =	vadd.s32 $0x2800, v0  }
0x1e6: {  	v0 =	vsel vm15, v0, v1  }
0x1e7: {  	[tilespmem:s22+$0x2370] =	vst v0  }
0x1e8: {  	_ =	swait.ge [sflag:s13], $0x4000  }
0x1e9: {  	[sflag:s13] =	ssyncset.done $0x0  }
0x1ea: {  	[sflag:s13] =	ssyncadd.s32 $0xFFFFC000  }
0x1eb: {  	_ =	swait.ge [sflag:s14], $0x4000  }
0x1ec: {  	[sflag:s14] =	ssyncset.done $0x0  }
0x1ed: {  	[sflag:s14] =	ssyncadd.s32 $0xFFFFC000  }
0x1ee: {  	_ =	swait.ge [sflag:s15], $0x4000  }
0x1ef: {  	[sflag:s15] =	ssyncset.done $0x0  }
0x1f0: {  	[sflag:s15] =	ssyncadd.s32 $0xFFFFC000  }
0x1f1: {  	_ =	swait.ge [sflag:s16], $0x4000  }
0x1f2: {  	p0 =	sne.s32 s20, $0x18800;
	[sflag:s16] =	ssyncset.done $0x0  }
.Ltmp0:
0x1f3: {  	[sflag:s16] =	ssyncadd.s32 $0xFFFFC000;
	(pc) =	sbr.rel @p0 .LBB2_2-.Ltmp0, $4  }
0x1f4: {  	[hbm4b:s21+s3] =	stream.linear.scatter [tilespmem:s11], [sflag:$0x5], $0x10000, $0x38;
	[tilespmem:$0x18780] =	vst v63  }
0x1f5: {  	_ =	swait.ge [sflag:s17], $0x10000  }
0x1f6: {  	s19 =	sadd.s32 $0x4, s19;
	[sflag:s17] =	ssyncset.done $0x0  }
0x1f7: {  	s20 =	sadd.s32 $0x800, s20;
	s21 =	sadd.s32 $0x2000, s21;
	[sflag:s17] =	ssyncadd.s32 $0xFFFF0000  }
0x1f8: {  	s18 =	sadd.s32 $0x1, s18  }
0x1f9: {  	p0 =	sne.s32 s18, s6  }
.Ltmp1:
0x1fa: {  	_ = 	snop;
	(pc) =	sbr.rel @p0 .LBB2_1-.Ltmp1, $1  }
0x1fb: {  	_ =	sdelay $0x3  }
0x1fc: {  	_ =	sfence.sel $0x180000  }
0x1fd: {  	[bflag:$0x0] =	sbarrier.arrive $0xFFFF  }
0x1fe: {  	p0 =	sne.s32 s2, $0x0;
	_ =	strace $0x9000004D  }
0x1ff: {  	s0 =	sadd.s32 @!p0 $0x100000, s0;
	[bflag:$0x2] =	sbarrier.arrive $0xFFFF  }
0x200: {  	[sflag:s0] =	ssyncadd.tile.s32 @!p0 $0x1;
	_ =	shalt  }
.Lfunc_end2:
_tile_overlayer_lowered:
.L_overlay_start_2:
0x201: {  	(tag) =	ssettag $0x2  }
0x202: {  	s0 =	rddreg [dreg:$0x0];
	s2 =	stileid.u32  }
0x203: {  	s1 =	rddreg [dreg:$0x1];
	p0 =	sne.s32 s2, $0x0  }
0x204: {  	s3 =	rddreg [dreg:$0x2];
	[bflag:$0x3] =	sbarrier.arrive $0xFFFF;
	s2 =	simm.s32 @!p0 $0x1C06  }
0x205: {  	[timem:s3], [sflag:s2] =	dma.local @!p0 [hbm:s0], s1  }
0x206: {  	s0 =	simm.s32 @!p0 $0x6  }
0x207: {  	_ =	swait.ge @!p0 [sflag:s0], s1  }
0x208: {  	s1 =	ssub.s32 @!p0 $0x0, s1;
	[sflag:s0] =	ssyncset.done @!p0 $0x0  }
0x209: {  	[sflag:s0] =	ssyncadd.s32 @!p0 s1  }
0x20a: {  	[bflag:$0x3] =	sbarrier.arrive $0xFFFF  }
0x20b: {  	_ =	shalt  }

// kernel: kernel.7.cloned.1.call-start
scs
__scs_entry_jumppad:
0x0: {  	(pc) =	sbr.rel $0x88, $3  }
0x1: {  	(tag) =	ssettag $0x0;
	lr =	simm.s32 $0x1  }
0x2: {  	[smem:$0x3F9A] =	sst lr;
	_ =	strace $0xD0000000  }
0x3: {  	_ = 	snop  }
0x4: {  	_ = 	snop  }
0x5: {  	_ = 	snop  }
0x6: {  	_ = 	snop  }
0x7: {  	_ = 	snop  }
__scs_overlays_trampoline_lowered:
0x8: {  	[smem:$0x3FA9] =	sst s0  }
0x9: {  	[smem:$0x3FAA] =	sst s1  }
0xa: {  	[smem:$0x3FAB] =	sst s2  }
0xb: {  	[smem:$0x3FAC] =	sst s3  }
0xc: {  	[smem:$0x3FAD] =	sst s4  }
0xd: {  	[smem:$0x3FAE] =	sst s5  }
0xe: {  	[smem:$0x3FAF] =	sst s6  }
0xf: {  	[smem:$0x3FB0] =	sst s7  }
0x10: {  	[smem:$0x3FB1] =	sst s8  }
0x11: {  	[smem:$0x3FB2] =	sst s9;
	s0 =	simm.s32 @!p0 $0x0  }
0x12: {  	s1 =	sld [smem:$0x3F98];
	s0 =	simm.s32 @p0 $0x1  }
0x13: {  	[smem:$0x3FB3] =	sst s0;
	s0 =	simm.s32 @!p1 $0x0  }
0x14: {  	s2 =	sld [smem:$0x3F97];
	s0 =	simm.s32 @p1 $0x1  }
0x15: {  	[smem:$0x3FB4] =	sst s0;
	s0 =	simm.s32 @!p2 $0x0  }
0x16: {  	s3 =	sld [smem:$0x3FDB];
	s0 =	simm.s32 @p2 $0x1  }
0x17: {  	s4 =	simm.s32 $0x1BF5;
	[smem:$0x3FB6] =	sst s0  }
0x18: {  	s0 =	sld [smem:$0x3F99];
	_ =	swait.ge [sflag:s4], $0x0  }
0x19: {  	s7 =	sld [smem:$0x3F9A]  }
0x1a: {  	s8 =	sadd.s32 $0xFFFFE003, lr  }
0x1b: {  	s9 =	sadd.s32 $0xFFFFFEF7, lr;
	s5 =	simm.s32 $0xFFFFFFFF;
	p2 =	slt.u32 s8, $0xFFFFF086  }
0x1c: {  	p1 =	slt.u32 s9, $0xF7A;
	s5 =	simm.s32 @!p2 $0x0  }
0x1d: {  	s5 =	simm.s32 @p1 $0x1;
	p0 =	seq.s32 s7, s2  }
0x1e: {  	s7 =	smul.u32 @!p0 $0xF7A, s2;
	p2 =	seq.s32 @!p0 s5, $0x0  }
0x1f: {  	s9 =	smul.u32 $0xF7A, s1;
	s8 =	simm.s32 @!p0 $0x1BF5;
	p2 =	por !p2, p0  }
0x20: {  	[sflag:s8] =	ssyncset.s32 @!p0 $0xFFFFF086;
	s6 =	sadd.s32 @!p0 s3, s7;
	s7 =	simm.s32 @!p0 $0x108  }
0x21: {  	s3 =	sadd.s32 s3, s9;
	s6 =	sadd.s32 @!p0 $0x88, s6;
	s7 =	simm.s32 @p2 $0x1082  }
0x22: {  	[simem:s7], [sflag:s8] =	dma.local @!p0 [hbm:s6], $0xF7A  }
0x23: {  	s9 =	sor.u32 $0xD0000000, s2;
	s6 =	simm.s32 $0x108;
	_ =	swait.ge @!p0 [sflag:s8], $0x0  }
0x24: {  	s3 =	sadd.s32 $0x88, s3;
	s6 =	simm.s32 @!p1 $0x1082;
	[sflag:s4] =	ssyncset.s32 $0xFFFFF086  }
0x25: {  	[simem:s6], [sflag:s4] =	dma.local [hbm:s3], $0xF7A  }
0x26: {  	[smem:$0x3F9A] =	sst s1;
	(tag) =	ssettag s2;
	_ =	strace s9  }
0x27: {  	s1 =	sld [smem:$0x3FAA]  }
0x28: {  	s2 =	sld [smem:$0x3FAB]  }
0x29: {  	s4 =	sld [smem:$0x3FAD]  }
0x2a: {  	p0 =	seq.s32 s5, $0x0;
	s5 =	sld [smem:$0x3FAE]  }
0x2b: {  	s6 =	sld [smem:$0x3FAF]  }
0x2c: {  	s7 =	sld [smem:$0x3FB0]  }
0x2d: {  	s3 =	simm.s32 $0x108;
	s8 =	sld [smem:$0x3FB1]  }
0x2e: {  	s3 =	simm.s32 @!p0 $0x1082;
	s9 =	sld [smem:$0x3FB2]  }
0x2f: {  	lr =	sadd.s32 s0, s3;
	s0 =	sld [smem:$0x3FA9]  }
0x30: {  	s3 =	sld [smem:$0x3FAC]  }
0x31: {  	[smem:$0x3FB5] =	sst s10  }
0x32: {  	s10 =	sld [smem:$0x3FB3];
	_ =	sdelay $0x3  }
0x33: {  	p0 =	seq.s32 s10, $0x1;
	s10 =	sld [smem:$0x3FB5];
	_ =	sdelay $0x3  }
0x34: {  	[smem:$0x3FB5] =	sst s10  }
0x35: {  	s10 =	sld [smem:$0x3FB4];
	_ =	sdelay $0x3  }
0x36: {  	p1 =	seq.s32 s10, $0x1;
	s10 =	sld [smem:$0x3FB5];
	_ =	sdelay $0x3  }
0x37: {  	[smem:$0x3FB5] =	sst s10  }
0x38: {  	s10 =	sld [smem:$0x3FB6]  }
0x39: {  	_ = 	snop;
	(pc) =	sbr.ind lr, $3  }
0x3a: {  	_ = 	snop  }
0x3b: {  	_ = 	snop  }
0x3c: {  	p2 =	seq.s32 s10, $0x1;
	s10 =	sld [smem:$0x3FB5]  }
0x3d: {  	_ =	shalt  }
0x3e: {  	_ =	shalt  }
0x3f: {  	_ =	shalt  }
0x40: {  	_ =	shalt  }
0x41: {  	_ =	shalt  }
0x42: {  	_ =	shalt  }
0x43: {  	_ =	shalt  }
0x44: {  	_ =	shalt  }
0x45: {  	_ =	shalt  }
0x46: {  	_ =	shalt  }
0x47: {  	_ =	shalt  }
0x48: {  	_ =	shalt  }
0x49: {  	_ =	shalt  }
0x4a: {  	_ =	shalt  }
0x4b: {  	_ =	shalt  }
0x4c: {  	_ =	shalt  }
0x4d: {  	_ =	shalt  }
0x4e: {  	_ =	shalt  }
0x4f: {  	_ =	shalt  }
0x50: {  	_ =	shalt  }
0x51: {  	_ =	shalt  }
0x52: {  	_ =	shalt  }
0x53: {  	_ =	shalt  }
0x54: {  	_ =	shalt  }
0x55: {  	_ =	shalt  }
0x56: {  	_ =	shalt  }
0x57: {  	_ =	shalt  }
0x58: {  	_ =	shalt  }
0x59: {  	_ =	shalt  }
0x5a: {  	_ =	shalt  }
0x5b: {  	_ =	shalt  }
0x5c: {  	_ =	shalt  }
0x5d: {  	_ =	shalt  }
0x5e: {  	_ =	shalt  }
0x5f: {  	_ =	shalt  }
0x60: {  	_ =	shalt  }
0x61: {  	_ =	shalt  }
0x62: {  	_ =	shalt  }
0x63: {  	_ =	shalt  }
0x64: {  	_ =	shalt  }
0x65: {  	_ =	shalt  }
0x66: {  	_ =	shalt  }
0x67: {  	_ =	shalt  }
0x68: {  	_ =	shalt  }
0x69: {  	_ =	shalt  }
0x6a: {  	_ =	shalt  }
0x6b: {  	_ =	shalt  }
0x6c: {  	_ =	shalt  }
0x6d: {  	_ =	shalt  }
0x6e: {  	_ =	shalt  }
0x6f: {  	_ =	shalt  }
0x70: {  	_ =	shalt  }
0x71: {  	_ =	shalt  }
0x72: {  	_ =	shalt  }
0x73: {  	_ =	shalt  }
0x74: {  	_ =	shalt  }
0x75: {  	_ =	shalt  }
0x76: {  	_ =	shalt  }
0x77: {  	_ =	shalt  }
0x78: {  	_ =	shalt  }
0x79: {  	_ =	shalt  }
0x7a: {  	_ =	shalt  }
0x7b: {  	_ =	shalt  }
0x7c: {  	_ =	shalt  }
0x7d: {  	_ =	shalt  }
0x7e: {  	_ =	shalt  }
0x7f: {  	_ =	shalt  }
0x80: {  	_ =	shalt  }
0x81: {  	_ =	shalt  }
0x82: {  	_ =	shalt  }
0x83: {  	_ =	shalt  }
0x84: {  	_ =	shalt  }
0x85: {  	_ =	shalt  }
0x86: {  	_ =	shalt  }
0x87: {  	_ =	shalt  }
.Lfunc_end0:
.L_simem_size_0:
called_computation_lowered:
.L_overlay_start_0:
0x88: {  	s2 =	sld [smem:$0x3FD9]  }
0x89: {  	s3 =	sld [smem:$0x3FFE];
	_ =	sdelay $0x1  }
0x8a: {  	s1 =	srdreg.scid  }
0x8b: {  	s0 =	sand.u32 $0x1, s1  }
0x8c: {  	s17 =	sshll.u32 s0, $0xA;
	s2 =	sadd.s32 s3, s2  }
0x8d: {  	s2 =	sadd.s32 s2, s17  }
0x8e: {  	[smem:$0x3FC1] =	sst s2  }
0x8f: {  	_ = 	snop  }
0x90: {  	s2 =	sld [smem:$0x3FD0];
	(tm) =	ssettm $0x1  }
0x91: {  	s18 =	sld [smem:$0x3FFB];
	_ =	sdelay $0x3  }
0x92: {  	_ =	strace s18  }
0x93: {  	s3 =	sld [smem:$0x3FFC];
	_ =	sdelay $0x3  }
0x94: {  	_ =	strace s3  }
0x95: {  	s3 =	sld [smem:$0x3FFD];
	_ =	sdelay $0x3  }
0x96: {  	_ =	strace s3  }
0x97: {  	_ =	strace $0x8FFFFFFF  }
0x98: {  	s19 =	sld [smem:$0x3FDB];
	_ =	sdelay $0x1  }
0x99: {  	s4 =	simm.s32 $_scs_section_size  }
0x9a: {  	s5 =	simm.s32 $_size__tile_overlayer_lowered;
	s6 =	simm.s32 $_tile_overlayer_lowered  }
0x9b: {  	s22 =	simm.s32 $0x1BFF;
	s21 =	sshll.u32 s6, $0x1;
	s3 =	sadd.s32 s4, s19  }
0x9c: {  	s7 =	simm.s32 $0x0;
	s20 =	sshll.u32 s5, $0x1;
	s5 =	sadd.s32 s21, s3  }
0x9d: {  	[timem:s7], [sflag:s22] =	dma.local [hbm:s5], s20  }
0x9e: {  	_ =	swait.ge [sflag:s22], s20  }
0x9f: {  	s4 =	ssub.s32 $0x0, s20;
	[sflag:s22] =	ssyncset.done $0x0  }
0xa0: {  	[sflag:s22] =	ssyncadd.s32 s4;
	_ =	sdelay $0x1  }
0xa1: {  	s23 =	simm.s32 $0x1B8B  }
0xa2: {  	_ =	swait.ge [sflag:s23], $0x1  }
0xa3: {  	[sflag:s23] =	ssyncset.done $0x0  }
0xa4: {  	s25 =	simm.s32 $0x1B8E;
	s24 =	sld [smem:$0x3FFE];
	[sflag:s23] =	ssyncadd.s32 $0xFFFFFFFF  }
0xa5: {  	s26 =	simm.s32 $execute0_lowered;
	[smem:$0x3FD2] =	sst s25  }
0xa6: {  	s5 =	sshll.u32 s26, $0x1;
	_ =	strace $0x80000046;
	[dreg:$0x1] =	wrdreg $0xFFFFFFFF  }
0xa7: {  	s28 =	simm.s32 $_size_execute0_lowered;
	s3 =	sadd.s32 s3, s5;
	[dreg:$0x0] =	wrdreg $0x0  }
0xa8: {  	s5 =	sshll.u32 s28, $0x1;
	[dreg:$0x2] =	wrdreg s3  }
0xa9: {  	[dreg:$0x3] =	wrdreg s5  }
0xaa: {  	[dreg:$0x4] =	wrdreg $0xC0  }
0xab: {  	_ =	task [dreg:s7], $0x5FFFF  }
0xac: {  	[dreg:$0x1] =	wrdreg $0xFFFFFFFF  }
0xad: {  	[dreg:$0x0] =	wrdreg $0x60  }
0xae: {  	[dreg:$0x2] =	wrdreg s24  }
0xaf: {  	[dreg:$0x3] =	wrdreg s2  }
0xb0: {  	[dreg:$0x4] =	wrdreg $0x0  }
0xb1: {  	[dreg:$0x5] =	wrdreg $0x9  }
0xb2: {  	_ =	task.clear_ibuf [dreg:s7], $0x6FFFF;
	_ =	strace $0x90000046  }
0xb3: {  	s29 =	simm.s32 $0x9;
	_ =	strace $0x80000048  }
0xb4: {  	_ =	swait.ge [sflag:s29], $0x1  }
0xb5: {  	[sflag:s29] =	ssyncadd.s32 $0xFFFFFFFF  }
0xb6: {  	_ =	strace $0x90000048  }
0xb7: {  	_ =	sfence  }
0xb8: {  	s30 =	sld [smem:$0x0];
	_ =	sdelay $0x2  }
0xb9: {  	s31 =	sshll.u32 s1, $0xD;
	s1 =	sshrl.u32 s1, $0x2  }
0xba: {  	s3 =	sand.u32 $0x4000, s31;
	s1 =	sadd.s32 s1, s30  }
0xbb: {  	s0 =	sor.u32 s3, s0;
	s1 =	sshll.u32 s1, $0x11  }
0xbc: {  	s0 =	sor.u32 s1, s0  }
0xbd: {  	s0 =	sadd.s32 $0x8F2B, s0  }
0xbe: {  	[sflag:s0] =	ssyncadd.remote.s32 $0x1  }
0xbf: {  	_ =	sfence.sel $0xFFFF  }
0xc0: {  	[dreg:$0x0] =	wrdreg $0xFFFFFFFF;
	(pc) =	sbr.abs _section_cstart, $3  }
0xc1: {  	[dreg:$0x1] =	wrdreg $0xFFFFFFFF  }
0xc2: {  	_ =	task.clear_ibuf [dreg:s7], $0x2FFFF;
	_ =	strace $0x9FFFFFFF  }
0xc3: {  	(tm) =	ssettm $0x7FFFFFFF  }
tec
execute0_lowered:
.L_overlay_start_1:
0x0: {  	(tag) =	ssettag $0x1  }
0x1: {  	s4 =	rddreg [dreg:$0x0]  }
0x2: {  	s0 =	srdreg.scid;
	s6 =	rddreg [dreg:$0x1]  }
0x3: {  	s2 =	rddreg [dreg:$0x2];
	s1 =	stileid.u32  }
0x4: {  	s3 =	simm.s32 $0x0;
	s11 =	simm.s32 $0x80;
	s12 =	simm.s32 $0x500  }
0x5: {  	s15 =	simm.s32 $0x20;
	s16 =	simm.s32 $0x10;
	s17 =	simm.s32 $0x0  }
0x6: {  	s5 =	sand.u32 $0x1, s0;
	s0 =	rddreg [dreg:$0x3];
	s8 =	smul.u32 $0x500, s1  }
0x7: {  	[smem:$0x7FF] =	sst s3;
	s10 =	smul.u32 $0xA00, s1;
	s13 =	sshll.u32 s1, $0x6  }
0x8: {  	s7 =	sshll.u32 s5, $0x4;
	_ =	strace $0x80000047;
	s9 =	ssub.s32 $0x2, s5  }
0x9: {  	s5 =	sshll.u32 s5, $0x7;
	s13 =	sor.u32 $0x1C01, s13;
	s7 =	sor.u32 s1, s7  }
0xa: {  	s28 =	sshrl.u32 s9, $0x1;
	s5 =	sor.u32 s5, s8;
	s30 =	sshrl.u32 s10, $0x2  }
0xb: {  	s8 =	simm.s32 $0x280;
	s10 =	simm.s32 $0x580;
	s7 =	smul.u32 $0x280, s7  }
0xc: {  	s29 =	ssub.s32 s9, s28;
	s31 =	sshrl.u32 s5, $0x3;
	s9 =	simm.s32 $0x1  }
0xd: {  	s6 =	sadd.s32 s6, s31;
	s7 =	sadd.s32 s7, s4;
	s4 =	sadd.s32 s30, s2  }
0xe: {  	v0 =	vimm.f32 $0.0e+00;
	v1 =	vimm.f32 $1.000000000e+00;
	s5 =	sadd.s32 $0x1600, s7;
	s7 =	smax.u32 s29, $0x1;
	s14 =	sshrl.u32 s4, $0x3  }
.LBB2_1:
0xf: {  	[tilespmem:$0x280] =	vst v0  }
0x10: {  	[tilespmem:$0x290] =	vst v0  }
0x11: {  	[tilespmem:$0x2A0] =	vst v0  }
0x12: {  	[tilespmem:$0x2B0] =	vst v0  }
0x13: {  	[tilespmem:$0x2C0] =	vst v0  }
0x14: {  	[tilespmem:$0x2D0] =	vst v0  }
0x15: {  	[tilespmem:$0x2E0] =	vst v0  }
0x16: {  	[tilespmem:$0x2F0] =	vst v0  }
0x17: {  	[tilespmem:$0x300] =	vst v0  }
0x18: {  	[tilespmem:$0x310] =	vst v0  }
0x19: {  	[tilespmem:$0x320] =	vst v0  }
0x1a: {  	[tilespmem:$0x330] =	vst v0  }
0x1b: {  	[tilespmem:$0x340] =	vst v0  }
0x1c: {  	[tilespmem:$0x350] =	vst v0  }
0x1d: {  	[tilespmem:$0x360] =	vst v0  }
0x1e: {  	[tilespmem:$0x370] =	vst v0  }
0x1f: {  	[tilespmem:$0x380] =	vst v0  }
0x20: {  	[tilespmem:$0x390] =	vst v0  }
0x21: {  	[tilespmem:$0x3A0] =	vst v0  }
0x22: {  	[tilespmem:$0x3B0] =	vst v0  }
0x23: {  	[tilespmem:$0x3C0] =	vst v0  }
0x24: {  	[tilespmem:$0x3D0] =	vst v0  }
0x25: {  	[tilespmem:$0x3E0] =	vst v0  }
0x26: {  	[tilespmem:$0x3F0] =	vst v0  }
0x27: {  	[tilespmem:$0x400] =	vst v0  }
0x28: {  	[tilespmem:$0x410] =	vst v0  }
0x29: {  	[tilespmem:$0x420] =	vst v0  }
0x2a: {  	[tilespmem:$0x430] =	vst v0  }
0x2b: {  	[tilespmem:$0x440] =	vst v0  }
0x2c: {  	[tilespmem:$0x450] =	vst v0  }
0x2d: {  	[tilespmem:$0x460] =	vst v0  }
0x2e: {  	[tilespmem:$0x470] =	vst v0  }
0x2f: {  	[tilespmem:$0x480] =	vst v0  }
0x30: {  	[tilespmem:$0x490] =	vst v0  }
0x31: {  	[tilespmem:$0x4A0] =	vst v0  }
0x32: {  	[tilespmem:$0x4B0] =	vst v0  }
0x33: {  	[tilespmem:$0x4C0] =	vst v0  }
0x34: {  	[tilespmem:$0x4D0] =	vst v0  }
0x35: {  	[tilespmem:$0x4E0] =	vst v0  }
0x36: {  	[tilespmem:$0x4F0] =	vst v0  }
0x37: {  	[tilespmem:$0x500] =	vst v1  }
0x38: {  	[tilespmem:$0x510] =	vst v1  }
0x39: {  	[tilespmem:$0x520] =	vst v1  }
0x3a: {  	[tilespmem:$0x530] =	vst v1  }
0x3b: {  	[tilespmem:$0x540] =	vst v1  }
0x3c: {  	[tilespmem:$0x550] =	vst v1  }
0x3d: {  	[tilespmem:$0x560] =	vst v1  }
0x3e: {  	[tilespmem:$0x570] =	vst v1  }
0x3f: {  	[spmem:s4] =	stream.linear.scatter [tilespmem:s8], [sflag:$0x1], $0x280, $0x38;
	[tilespmem:$0x1980] =	vst v63  }
0x40: {  	_ =	swait.ge [sflag:s9], $0x280  }
0x41: {  	[sflag:s9] =	ssyncset.done $0x0  }
0x42: {  	[sflag:s9] =	ssyncadd.s32 $0xFFFFFD80  }
0x43: {  	[tilespmem:s10], [sflag:$0x1] =	stream.linear.gather [hbm4b:s5+s3], $0x1400, $0x38;
	[tilespmem:$0x1980] =	vst v63  }
0x44: {  	_ =	swait.ge [sflag:s9], $0x1400  }
0x45: {  	[sflag:s9] =	ssyncset.done $0x0  }
0x46: {  	[sflag:s9] =	ssyncadd.s32 $0xFFFFEC00  }
0x47: {  	s18 =	simm.s32 $0x580;
	[bflag:$0x0] =	sbarrier.arrive $0xFFFF  }
0x48: {  	[spmem:s2] =	stream.indirect.scatter.add.f32 [tilespmem:s12], [sflag:$0x1], $0x1, s18, s11, $0xb8;
	[tilespmem:$0x1980] =	vst v63  }
0x49: {  	s18 =	simm.s32 $0x200;
	_ =	swait.ge [sflag:s9], $0x80  }
.LBB2_2:
0x4a: {  	s19 =	sshra.s32 s18, $0x2;
	[sflag:s9] =	ssyncset.done $0x0;
	p0 =	sne.s32 s18, $0x4E00  }
.Ltmp0:
0x4b: {  	s19 =	sadd.s32 $0x580, s19;
	[sflag:s9] =	ssyncadd.s32 $0xFFFFFF80;
	(pc) =	sbr.rel @p0 .LBB2_2-.Ltmp0, $3  }
0x4c: {  	[spmem:s2] =	stream.indirect.scatter.add.f32 [tilespmem:s12], [sflag:$0x1], $0x1, s19, s11, $0xb8;
	[tilespmem:$0x1980] =	vst v63  }
0x4d: {  	s18 =	sadd.s32 $0x200, s18;
	_ =	sdelay $0x1  }
0x4e: {  	_ =	swait.ge [sflag:s9], $0x80  }
0x4f: {  	[sflag:s9] =	ssyncset.done $0x0;
	s17 =	sadd.s32 $0x1, s17  }
0x50: {  	[sflag:s9] =	ssyncadd.s32 $0xFFFFFF80;
	p0 =	sne.s32 s17, s7  }
.Ltmp1:
0x51: {  	[bflag:$0x0] =	sbarrier.arrive $0xFFFF;
	(pc) =	sbr.rel @p0 .LBB2_1-.Ltmp1, $4  }
0x52: {  	[hbm:s6@s15], [sflag:s13] =	dma.strided [spmem:s14@s16], $0x50, s9, $0x10   }
0x53: {  	_ =	swait.ge [sflag:s9], $0x50  }
0x54: {  	[sflag:s9] =	ssyncset.done $0x0  }
0x55: {  	[sflag:s9] =	ssyncadd.s32 $0xFFFFFFB0  }
0x56: {  	_ =	sfence.sel $0x180000  }
0x57: {  	[bflag:$0x0] =	sbarrier.arrive $0xFFFF  }
0x58: {  	p0 =	sne.s32 s1, $0x0;
	_ =	strace $0x90000047  }
0x59: {  	s0 =	sadd.s32 @!p0 $0x100000, s0;
	[bflag:$0x2] =	sbarrier.arrive $0xFFFF  }
0x5a: {  	[sflag:s0] =	ssyncadd.tile.s32 @!p0 $0x1;
	_ =	shalt  }
.Lfunc_end2:
_tile_overlayer_lowered:
.L_overlay_start_2:
0x5b: {  	(tag) =	ssettag $0x2  }
0x5c: {  	s0 =	rddreg [dreg:$0x0];
	s2 =	stileid.u32  }
0x5d: {  	s1 =	rddreg [dreg:$0x1];
	p0 =	sne.s32 s2, $0x0  }
0x5e: {  	s3 =	rddreg [dreg:$0x2];
	[bflag:$0x3] =	sbarrier.arrive $0xFFFF;
	s2 =	simm.s32 @!p0 $0x1C01  }
0x5f: {  	[timem:s3], [sflag:s2] =	dma.local @!p0 [hbm:s0], s1  }
0x60: {  	s0 =	simm.s32 @!p0 $0x1  }
0x61: {  	_ =	swait.ge @!p0 [sflag:s0], s1  }
0x62: {  	s1 =	ssub.s32 @!p0 $0x0, s1;
	[sflag:s0] =	ssyncset.done @!p0 $0x0  }
0x63: {  	[sflag:s0] =	ssyncadd.s32 @!p0 s1  }
0x64: {  	[bflag:$0x3] =	sbarrier.arrive $0xFFFF  }
0x65: {  	_ =	shalt  }

</sc_bundles>
